<compile_context>
chip_gen: v7x
topology: tpu7x:2x2x1
jax: 0.10.2.dev20260603
libtpu: 0.0.44.dev20260713+nightly
codegen_flags: <defaults>
</compile_context>

<pallas_src>
import functools

import jax
import jax.numpy as jnp
from jax import lax
from jax.experimental import pallas as pl
from jax.experimental.pallas import tpu as pltpu
from jax.experimental.pallas import tpu_sc as plsc

N = 10000
NP = 10048
NPK = NP // 8
E = 320000
F_IN = 128
F_HID = 16

NC = 2
NS = 16
NW = NC * NS
CHUNK = 512
EC = E // CHUNK
CPT = EC // NW
EXTRA = EC - NW * CPT
CLAST = CPT + 1
RPT = NP // NS

_mesh = plsc.VectorSubcoreMesh(core_axis_name="c", subcore_axis_name="s")


@functools.partial(
    pl.kernel,
    mesh=_mesh,
    out_type=jax.ShapeDtypeStruct((NC * NP, F_HID), jnp.float32),
    compiler_params=pltpu.CompilerParams(use_tc_tiling_on_sc=False),
    scratch_types=[
        pltpu.VMEM((CLAST * CHUNK,), jnp.int32),
        pltpu.VMEM((CHUNK, F_HID), jnp.float32),
        pltpu.VMEM_SHARED((NP, F_HID), jnp.float32),
        pltpu.SemaphoreType.DMA,
        pltpu.SemaphoreType.DMA,
        pltpu.SemaphoreType.DMA,
    ],
)
def _sc_degree(e_hbm, ones_hbm, zeros_hbm, out_hbm, dst_v, ones_v, acc,
               sem0, sem1, sem2):
    cid = lax.axis_index("c")
    sid = lax.axis_index("s")
    wid = cid * NS + sid
    nct = CPT + jnp.where(wid < EXTRA, 1, 0)
    c0 = wid * CPT + jnp.minimum(wid, EXTRA)
    h0 = pltpu.async_copy(e_hbm.at[1, pl.ds(c0 * CHUNK, CLAST * CHUNK)],
                          dst_v, sem0)
    h1 = pltpu.async_copy(ones_hbm, ones_v, sem1)
    h2 = pltpu.async_copy(zeros_hbm.at[pl.ds(sid * RPT, RPT)],
                          acc.at[pl.ds(sid * RPT, RPT)], sem2)
    h0.wait()
    h1.wait()
    h2.wait()
    plsc.subcore_barrier()

    def body(j, carry):
        pltpu.sync_copy(ones_v, acc.at[dst_v.at[pl.ds(j * CHUNK, CHUNK)]],
                        add=True)
        return carry

    lax.fori_loop(0, nct, body, 0)
    plsc.subcore_barrier()
    pltpu.sync_copy(acc.at[pl.ds(sid * RPT, RPT)],
                    out_hbm.at[pl.ds(cid * NP + sid * RPT, RPT)])


@functools.partial(
    pl.kernel,
    mesh=_mesh,
    out_type=jax.ShapeDtypeStruct((NC * NP, F_HID), jnp.float32),
    compiler_params=pltpu.CompilerParams(use_tc_tiling_on_sc=False),
    scratch_types=[
        pltpu.VMEM((CLAST * CHUNK,), jnp.int32),
        pltpu.VMEM((CLAST * CHUNK,), jnp.int32),
        pltpu.VMEM((CHUNK, F_HID), jnp.float32),
        pltpu.VMEM((CHUNK, F_HID), jnp.float32),
        pltpu.VMEM((CHUNK, F_HID), jnp.float32),
        pltpu.VMEM((CHUNK, F_HID), jnp.float32),
        pltpu.VMEM_SHARED((NP, F_HID), jnp.float32),
        pltpu.VMEM_SHARED((NP, F_HID), jnp.float32),
        pltpu.SemaphoreType.DMA,
        pltpu.SemaphoreType.DMA,
        pltpu.SemaphoreType.DMA,
        pltpu.SemaphoreType.DMA,
        pltpu.SemaphoreType.DMA,
        pltpu.SemaphoreType.DMA,
    ],
)
def _sc_gather_scatter(y_hbm, e_hbm, zeros_hbm, out_hbm,
                       src_v, dst_v, buf0, buf1, buf2, buf3, acc, y_s,
                       semg0, semg1, semg2, semg3, sems0, sems1):
    cid = lax.axis_index("c")
    sid = lax.axis_index("s")
    wid = cid * NS + sid
    nct = CPT + jnp.where(wid < EXTRA, 1, 0)
    c0 = wid * CPT + jnp.minimum(wid, EXTRA)
    h0 = pltpu.async_copy(e_hbm.at[0, pl.ds(c0 * CHUNK, CLAST * CHUNK)],
                          src_v, semg0)
    h1 = pltpu.async_copy(e_hbm.at[1, pl.ds(c0 * CHUNK, CLAST * CHUNK)],
                          dst_v, semg1)
    h2 = pltpu.async_copy(y_hbm.at[pl.ds(sid * RPT, RPT)],
                          y_s.at[pl.ds(sid * RPT, RPT)], sems0)
    h3 = pltpu.async_copy(zeros_hbm.at[pl.ds(sid * RPT, RPT)],
                          acc.at[pl.ds(sid * RPT, RPT)], sems1)
    h0.wait()
    h1.wait()
    h2.wait()
    h3.wait()
    plsc.subcore_barrier()

    bufs = (buf0, buf1, buf2, buf3)
    gsems = (semg0, semg1, semg2, semg3)
    for k in range(4):
        pltpu.async_copy(y_s.at[src_v.at[pl.ds(k * CHUNK, CHUNK)]],
                         bufs[k], gsems[k])

    def quad(q, carry):
        j0 = 4 * q
        for k in range(4):
            j = j0 + k

            @pl.when(j < nct)
            def _(j=j, k=k):
                pltpu.make_async_copy(
                    y_s.at[src_v.at[pl.ds(j * CHUNK, CHUNK)]],
                    bufs[k], gsems[k]).wait()
                pltpu.sync_copy(bufs[k],
                                acc.at[dst_v.at[pl.ds(j * CHUNK, CHUNK)]],
                                add=True)

                @pl.when(j + 4 < nct)
                def _():
                    pltpu.async_copy(
                        y_s.at[src_v.at[pl.ds((j + 4) * CHUNK, CHUNK)]],
                        bufs[k], gsems[k])
        return carry

    lax.fori_loop(0, (CLAST + 3) // 4, quad, 0)
    plsc.subcore_barrier()
    pltpu.sync_copy(acc.at[pl.ds(sid * RPT, RPT)],
                    out_hbm.at[pl.ds(cid * NP + sid * RPT, RPT)])


def _tc_pre(x_ref, w1_ref, d_ref, y_ref, dinv_ref):
    deg = d_ref[pl.ds(0, NPK), :] + d_ref[pl.ds(NPK, NPK), :] + 1.0
    dinv = lax.rsqrt(deg)
    xw = jnp.dot(x_ref[...], w1_ref[...], preferred_element_type=jnp.float32)
    y_ref[...] = dinv * xw
    dinv_ref[...] = dinv


def _tc_mid(p_ref, y1_ref, dinv_ref, b1_ref, w2_ref, y2_ref):
    dinv = dinv_ref[...]
    h = dinv * (p_ref[pl.ds(0, NPK), :] + p_ref[pl.ds(NPK, NPK), :]
                + y1_ref[...]) + b1_ref[...]
    h = jnp.maximum(h, 0.0)
    y2_ref[...] = dinv * jnp.dot(h, w2_ref[...],
                                 preferred_element_type=jnp.float32)


def _tc_post(q_ref, y2_ref, dinv_ref, b2_ref, o_ref):
    o_ref[...] = dinv_ref[...] * (q_ref[pl.ds(0, NPK), :]
                                  + q_ref[pl.ds(NPK, NPK), :]
                                  + y2_ref[...]) + b2_ref[...]


def kernel(x, edge_index, W1, b1, W2, b2):
    f32 = jnp.float32
    e3 = edge_index.astype(jnp.int32)
    x_pk = jnp.pad(x, ((0, NP - N), (0, 0))).reshape(NPK, 8 * F_IN)
    zeros = jnp.zeros((NP, F_HID), f32)
    ones_rows = jnp.ones((CHUNK, F_HID), f32)
    w1_big = jnp.kron(jnp.eye(8, dtype=f32), W1)
    w2_big = jnp.kron(jnp.eye(8, dtype=f32), W2)
    b1_big = jnp.tile(b1, 8).reshape(1, 128)
    b2_big = jnp.tile(b2, 8).reshape(1, 128)

    deg_parts = _sc_degree(e3, ones_rows, zeros)
    y1p, dinvp = pl.pallas_call(
        _tc_pre,
        out_shape=(jax.ShapeDtypeStruct((NPK, 128), f32),
                   jax.ShapeDtypeStruct((NPK, 128), f32)),
    )(x_pk, w1_big, deg_parts.reshape(2 * NPK, 128))

    p_parts = _sc_gather_scatter(y1p.reshape(NP, F_HID), e3, zeros)
    y2p = pl.pallas_call(
        _tc_mid,
        out_shape=jax.ShapeDtypeStruct((NPK, 128), f32),
    )(p_parts.reshape(2 * NPK, 128), y1p, dinvp, b1_big, w2_big)

    q_parts = _sc_gather_scatter(y2p.reshape(NP, F_HID), e3, zeros)
    outp = pl.pallas_call(
        _tc_post,
        out_shape=jax.ShapeDtypeStruct((NPK, 128), f32),
    )(q_parts.reshape(2 * NPK, 128), y2p, dinvp, b2_big)
    return outp.reshape(NP, F_HID)[:N]

# --- scband reference (transcript-rebuilt; emitter-appended) ---
"""Pipeline reference for scband-tsguard-11321533792839 (READ-ONLY COPY).

The authoritative reference and input builder live on the scoring server;
editing this copy changes nothing except your own understanding.
"""

import jax, jax.numpy as jnp
import numpy as np

N_NODES = 10000
N_EDGES = 320000
IN_DIM = 128
HID_DIM = 16
OUT_DIM = 16


def gcn_conv(x, src, dst, W, b, n_nodes):
    # linear transform
    xw = x @ W
    # add self loops
    loop = jnp.arange(n_nodes, dtype=src.dtype)
    src_full = jnp.concatenate([src, loop])
    dst_full = jnp.concatenate([dst, loop])
    # symmetric normalization D^{-1/2} (A+I) D^{-1/2}
    deg = jnp.zeros((n_nodes,), dtype=xw.dtype).at[dst_full].add(1.0)
    dinv = jnp.where(deg > 0, deg ** -0.5, 0.0)
    norm = dinv[src_full] * dinv[dst_full]
    # gather messages from src, scale, scatter-add into dst
    msg = xw[src_full] * norm[:, None]
    out = jnp.zeros((n_nodes, xw.shape[1]), dtype=xw.dtype).at[dst_full].add(msg)
    return out + b


def setup_inputs(seed: int = 0) -> dict:
    key = jax.random.key(seed)
    k_x, k_e, k_w1, k_w2 = jax.random.split(key, 4)
    x = jax.random.normal(k_x, (N_NODES, IN_DIM), dtype=jnp.float32)
    edge_index = jax.random.randint(k_e, (2, N_EDGES), 0, N_NODES, dtype=jnp.int64)
    s1 = (1.0 / IN_DIM) ** 0.5
    s2 = (1.0 / HID_DIM) ** 0.5
    W1 = jax.random.uniform(k_w1, (IN_DIM, HID_DIM), minval=-s1, maxval=s1, dtype=jnp.float32)
    b1 = jnp.zeros((HID_DIM,), dtype=jnp.float32)
    W2 = jax.random.uniform(k_w2, (HID_DIM, OUT_DIM), minval=-s2, maxval=s2, dtype=jnp.float32)
    b2 = jnp.zeros((OUT_DIM,), dtype=jnp.float32)
    return {"x": x, "edge_index": edge_index, "W1": W1, "b1": b1, "W2": W2, "b2": b2}


def reference(x, edge_index, W1, b1, W2, b2):
    src, dst = edge_index[0], edge_index[1]
    h = gcn_conv(x, src, dst, W1, b1, N_NODES)
    h = jax.nn.relu(h)
    out = gcn_conv(h, src, dst, W2, b2, N_NODES)
    return out

if __name__ == "__main__":
    import jax
    _d = setup_inputs()
    print(jax.jit(kernel)(*tuple(_d.values())))

</pallas_src>

<mosaic_0001>
#map = affine_map<(d0, d1) -> (0, 0)>
module attributes {stable_mosaic.version = 14 : i64} {
  func.func @_sc_gather_scatter(%arg0: i32, %arg1: i32, %arg2: memref<10048x16xf32, #tpu.memory_space<hbm>>, %arg3: memref<2x320000xi32, #tpu.memory_space<hbm>>, %arg4: memref<10048x16xf32, #tpu.memory_space<hbm>>, %arg5: memref<20096x16xf32, #tpu.memory_space<hbm>>, %arg6: memref<10240xi32, #tpu.memory_space<vmem>>, %arg7: memref<10240xi32, #tpu.memory_space<vmem>>, %arg8: memref<512x16xf32, #tpu.memory_space<vmem>>, %arg9: memref<512x16xf32, #tpu.memory_space<vmem>>, %arg10: memref<512x16xf32, #tpu.memory_space<vmem>>, %arg11: memref<512x16xf32, #tpu.memory_space<vmem>>, %arg12: memref<10048x16xf32, #tpu.memory_space<vmem_shared>>, %arg13: memref<10048x16xf32, #tpu.memory_space<vmem_shared>>, %arg14: memref<!tpu.dma_semaphore, #tpu.memory_space<semaphore_mem>>, %arg15: memref<!tpu.dma_semaphore, #tpu.memory_space<semaphore_mem>>, %arg16: memref<!tpu.dma_semaphore, #tpu.memory_space<semaphore_mem>>, %arg17: memref<!tpu.dma_semaphore, #tpu.memory_space<semaphore_mem>>, %arg18: memref<!tpu.dma_semaphore, #tpu.memory_space<semaphore_mem>>, %arg19: memref<!tpu.dma_semaphore, #tpu.memory_space<semaphore_mem>>) attributes {dimension_semantics = [#tpu.dimension_semantics<core_parallel>, #tpu.dimension_semantics<subcore_parallel>], iteration_bounds = array<i64: 2, 16>, scalar_prefetch = 0 : i64, scratch_operands = 14 : i64, tpu.core_type = #tpu.core_type<sc_vector_subcore>, window_params = [{transform_indices = #map}, {transform_indices = #map}, {transform_indices = #map}, {transform_indices = #map}]} {
    %mul3A = arith.constant 16 : i32
    %mul3A_0 = arith.muli %arg0, %mul3A : i32
    %add3A = arith.addi %mul3A_0, %arg1 : i32
    %lt3A = arith.constant 17 : i32
    %lt3A_1 = arith.cmpi slt, %add3A, %lt3A : i32
    %jit3A = arith.constant 1 : i32
    %jit3A_2 = arith.constant 0 : i32
    %select_n3A = arith.select %lt3A_1, %jit3A, %jit3A_2 : i32
    %add3A_3 = arith.constant 19 : i32
    %add3A_4 = arith.addi %add3A_3, %select_n3A : i32
    %mul3A_5 = arith.constant 19 : i32
    %mul3A_6 = arith.muli %add3A, %mul3A_5 : i32
    %min3A = arith.constant 17 : i32
    %min3A_7 = arith.minsi %add3A, %min3A : i32
    %add3A_8 = arith.addi %mul3A_6, %min3A_7 : i32
    %mul3A_9 = arith.constant 512 : i32
    %mul3A_10 = arith.muli %add3A_8, %mul3A_9 : i32
    %dma_start3A = arith.constant 0 : i32
    %dma_start3A_11 = tpu.memref_slice %arg3[%dma_start3A, %mul3A_10] : memref<2x320000xi32, #tpu.memory_space<hbm>> -> memref<1x10240xi32, #tpu.memory_space<hbm>>
    %dma_start3A_12 = tpu.memref_squeeze %dma_start3A_11 : memref<1x10240xi32, #tpu.memory_space<hbm>> -> memref<10240xi32, #tpu.memory_space<hbm>>
    %dma_start3A_13 = tpu.memref_slice %arg3[%dma_start3A, %mul3A_10] : memref<2x320000xi32, #tpu.memory_space<hbm>> -> memref<1x10240xi32, #tpu.memory_space<hbm>>
    %dma_start3A_14 = tpu.memref_squeeze %dma_start3A_13 : memref<1x10240xi32, #tpu.memory_space<hbm>> -> memref<10240xi32, #tpu.memory_space<hbm>>
    tpu.enqueue_dma source(%dma_start3A_14 : memref<10240xi32, #tpu.memory_space<hbm>>) target(%arg6 : memref<10240xi32, #tpu.memory_space<vmem>>) target_semaphore(%arg14 : memref<!tpu.dma_semaphore, #tpu.memory_space<semaphore_mem>>)
    %mul3A_15 = arith.constant 512 : i32
    %mul3A_16 = arith.muli %add3A_8, %mul3A_15 : i32
    %dma_start3A_17 = arith.constant 1 : i32
    %dma_start3A_18 = tpu.memref_slice %arg3[%dma_start3A_17, %mul3A_16] : memref<2x320000xi32, #tpu.memory_space<hbm>> -> memref<1x10240xi32, #tpu.memory_space<hbm>>
    %dma_start3A_19 = tpu.memref_squeeze %dma_start3A_18 : memref<1x10240xi32, #tpu.memory_space<hbm>> -> memref<10240xi32, #tpu.memory_space<hbm>>
    %dma_start3A_20 = tpu.memref_slice %arg3[%dma_start3A_17, %mul3A_16] : memref<2x320000xi32, #tpu.memory_space<hbm>> -> memref<1x10240xi32, #tpu.memory_space<hbm>>
    %dma_start3A_21 = tpu.memref_squeeze %dma_start3A_20 : memref<1x10240xi32, #tpu.memory_space<hbm>> -> memref<10240xi32, #tpu.memory_space<hbm>>
    tpu.enqueue_dma source(%dma_start3A_21 : memref<10240xi32, #tpu.memory_space<hbm>>) target(%arg7 : memref<10240xi32, #tpu.memory_space<vmem>>) target_semaphore(%arg15 : memref<!tpu.dma_semaphore, #tpu.memory_space<semaphore_mem>>)
    %mul3A_22 = arith.constant 628 : i32
    %mul3A_23 = arith.muli %arg1, %mul3A_22 : i32
    %mul3A_24 = arith.constant 628 : i32
    %mul3A_25 = arith.muli %arg1, %mul3A_24 : i32
    %dma_start3A_26 = arith.constant 0 : i32
    %dma_start3A_27 = tpu.memref_slice %arg13[%mul3A_25, %dma_start3A_26] : memref<10048x16xf32, #tpu.memory_space<vmem_shared>> -> memref<628x16xf32, #tpu.memory_space<vmem_shared>>
    %dma_start3A_28 = arith.constant 0 : i32
    %dma_start3A_29 = tpu.memref_slice %arg2[%mul3A_23, %dma_start3A_28] : memref<10048x16xf32, #tpu.memory_space<hbm>> -> memref<628x16xf32, #tpu.memory_space<hbm>>
    tpu.enqueue_dma source(%dma_start3A_29 : memref<628x16xf32, #tpu.memory_space<hbm>>) target(%dma_start3A_27 : memref<628x16xf32, #tpu.memory_space<vmem_shared>>) target_semaphore(%arg18 : memref<!tpu.dma_semaphore, #tpu.memory_space<semaphore_mem>>)
    %mul3A_30 = arith.constant 628 : i32
    %mul3A_31 = arith.muli %arg1, %mul3A_30 : i32
    %mul3A_32 = arith.constant 628 : i32
    %mul3A_33 = arith.muli %arg1, %mul3A_32 : i32
    %dma_start3A_34 = arith.constant 0 : i32
    %dma_start3A_35 = tpu.memref_slice %arg12[%mul3A_33, %dma_start3A_34] : memref<10048x16xf32, #tpu.memory_space<vmem_shared>> -> memref<628x16xf32, #tpu.memory_space<vmem_shared>>
    %dma_start3A_36 = arith.constant 0 : i32
    %dma_start3A_37 = tpu.memref_slice %arg4[%mul3A_31, %dma_start3A_36] : memref<10048x16xf32, #tpu.memory_space<hbm>> -> memref<628x16xf32, #tpu.memory_space<hbm>>
    tpu.enqueue_dma source(%dma_start3A_37 : memref<628x16xf32, #tpu.memory_space<hbm>>) target(%dma_start3A_35 : memref<628x16xf32, #tpu.memory_space<vmem_shared>>) target_semaphore(%arg19 : memref<!tpu.dma_semaphore, #tpu.memory_space<semaphore_mem>>)
    %dma_wait3A = arith.constant 0 : i32
    %dma_wait3A_38 = tpu.memref_slice %arg3[%dma_wait3A, %mul3A_10] : memref<2x320000xi32, #tpu.memory_space<hbm>> -> memref<1x10240xi32, #tpu.memory_space<hbm>>
    %dma_wait3A_39 = tpu.memref_squeeze %dma_wait3A_38 : memref<1x10240xi32, #tpu.memory_space<hbm>> -> memref<10240xi32, #tpu.memory_space<hbm>>
    %dma_wait3A_40 = tpu.memref_slice %arg3[%dma_wait3A, %mul3A_10] : memref<2x320000xi32, #tpu.memory_space<hbm>> -> memref<1x10240xi32, #tpu.memory_space<hbm>>
    %dma_wait3A_41 = tpu.memref_squeeze %dma_wait3A_40 : memref<1x10240xi32, #tpu.memory_space<hbm>> -> memref<10240xi32, #tpu.memory_space<hbm>>
    tpu.wait_dma2 semaphore(%arg14 : memref<!tpu.dma_semaphore, #tpu.memory_space<semaphore_mem>>) src(%dma_wait3A_41 : memref<10240xi32, #tpu.memory_space<hbm>>) dst(%arg6 : memref<10240xi32, #tpu.memory_space<vmem>>)
    %dma_wait3A_42 = arith.constant 1 : i32
    %dma_wait3A_43 = tpu.memref_slice %arg3[%dma_wait3A_42, %mul3A_16] : memref<2x320000xi32, #tpu.memory_space<hbm>> -> memref<1x10240xi32, #tpu.memory_space<hbm>>
    %dma_wait3A_44 = tpu.memref_squeeze %dma_wait3A_43 : memref<1x10240xi32, #tpu.memory_space<hbm>> -> memref<10240xi32, #tpu.memory_space<hbm>>
    %dma_wait3A_45 = tpu.memref_slice %arg3[%dma_wait3A_42, %mul3A_16] : memref<2x320000xi32, #tpu.memory_space<hbm>> -> memref<1x10240xi32, #tpu.memory_space<hbm>>
    %dma_wait3A_46 = tpu.memref_squeeze %dma_wait3A_45 : memref<1x10240xi32, #tpu.memory_space<hbm>> -> memref<10240xi32, #tpu.memory_space<hbm>>
    tpu.wait_dma2 semaphore(%arg15 : memref<!tpu.dma_semaphore, #tpu.memory_space<semaphore_mem>>) src(%dma_wait3A_46 : memref<10240xi32, #tpu.memory_space<hbm>>) dst(%arg7 : memref<10240xi32, #tpu.memory_space<vmem>>)
    %dma_wait3A_47 = arith.constant 0 : i32
    %dma_wait3A_48 = tpu.memref_slice %arg13[%mul3A_25, %dma_wait3A_47] : memref<10048x16xf32, #tpu.memory_space<vmem_shared>> -> memref<628x16xf32, #tpu.memory_space<vmem_shared>>
    %dma_wait3A_49 = arith.constant 0 : i32
    %dma_wait3A_50 = tpu.memref_slice %arg2[%mul3A_23, %dma_wait3A_49] : memref<10048x16xf32, #tpu.memory_space<hbm>> -> memref<628x16xf32, #tpu.memory_space<hbm>>
    tpu.wait_dma2 semaphore(%arg18 : memref<!tpu.dma_semaphore, #tpu.memory_space<semaphore_mem>>) src(%dma_wait3A_50 : memref<628x16xf32, #tpu.memory_space<hbm>>) dst(%dma_wait3A_48 : memref<628x16xf32, #tpu.memory_space<vmem_shared>>)
    %dma_wait3A_51 = arith.constant 0 : i32
    %dma_wait3A_52 = tpu.memref_slice %arg12[%mul3A_33, %dma_wait3A_51] : memref<10048x16xf32, #tpu.memory_space<vmem_shared>> -> memref<628x16xf32, #tpu.memory_space<vmem_shared>>
    %dma_wait3A_53 = arith.constant 0 : i32
    %dma_wait3A_54 = tpu.memref_slice %arg4[%mul3A_31, %dma_wait3A_53] : memref<10048x16xf32, #tpu.memory_space<hbm>> -> memref<628x16xf32, #tpu.memory_space<hbm>>
    tpu.wait_dma2 semaphore(%arg19 : memref<!tpu.dma_semaphore, #tpu.memory_space<semaphore_mem>>) src(%dma_wait3A_54 : memref<628x16xf32, #tpu.memory_space<hbm>>) dst(%dma_wait3A_52 : memref<628x16xf32, #tpu.memory_space<vmem_shared>>)
    %barrier3A = arith.constant 0 : index
    tpu.barrier barrier_id(%barrier3A)
    %dma_start3A_55 = arith.constant 0 : i32
    %dma_start3A_56 = tpu.memref_slice %arg6[%dma_start3A_55] : memref<10240xi32, #tpu.memory_space<vmem>> -> memref<512xi32, #tpu.memory_space<vmem>>
    %dma_start3A_57 = arith.constant 0 : i32
    %dma_start3A_58 = arith.constant 0 : i32
    %dma_start3A_59 = tpu.memref_slice %arg13[%dma_start3A_57, %dma_start3A_58] : memref<10048x16xf32, #tpu.memory_space<vmem_shared>> -> memref<10048x16xf32, #tpu.memory_space<vmem_shared>>
    tpu.enqueue_indirect_dma source(%dma_start3A_59 : memref<10048x16xf32, #tpu.memory_space<vmem_shared>>) target(%arg8 : memref<512x16xf32, #tpu.memory_space<vmem>>) offsets(%dma_start3A_56 : memref<512xi32, #tpu.memory_space<vmem>>) semaphore(%arg14 : memref<!tpu.dma_semaphore, #tpu.memory_space<semaphore_mem>>)
    %dma_start3A_60 = arith.constant 512 : i32
    %dma_start3A_61 = tpu.memref_slice %arg6[%dma_start3A_60] : memref<10240xi32, #tpu.memory_space<vmem>> -> memref<512xi32, #tpu.memory_space<vmem>>
    %dma_start3A_62 = arith.constant 0 : i32
    %dma_start3A_63 = arith.constant 0 : i32
    %dma_start3A_64 = tpu.memref_slice %arg13[%dma_start3A_62, %dma_start3A_63] : memref<10048x16xf32, #tpu.memory_space<vmem_shared>> -> memref<10048x16xf32, #tpu.memory_space<vmem_shared>>
    tpu.enqueue_indirect_dma source(%dma_start3A_64 : memref<10048x16xf32, #tpu.memory_space<vmem_shared>>) target(%arg9 : memref<512x16xf32, #tpu.memory_space<vmem>>) offsets(%dma_start3A_61 : memref<512xi32, #tpu.memory_space<vmem>>) semaphore(%arg15 : memref<!tpu.dma_semaphore, #tpu.memory_space<semaphore_mem>>)
    %dma_start3A_65 = arith.constant 1024 : i32
    %dma_start3A_66 = tpu.memref_slice %arg6[%dma_start3A_65] : memref<10240xi32, #tpu.memory_space<vmem>> -> memref<512xi32, #tpu.memory_space<vmem>>
    %dma_start3A_67 = arith.constant 0 : i32
    %dma_start3A_68 = arith.constant 0 : i32
    %dma_start3A_69 = tpu.memref_slice %arg13[%dma_start3A_67, %dma_start3A_68] : memref<10048x16xf32, #tpu.memory_space<vmem_shared>> -> memref<10048x16xf32, #tpu.memory_space<vmem_shared>>
    tpu.enqueue_indirect_dma source(%dma_start3A_69 : memref<10048x16xf32, #tpu.memory_space<vmem_shared>>) target(%arg10 : memref<512x16xf32, #tpu.memory_space<vmem>>) offsets(%dma_start3A_66 : memref<512xi32, #tpu.memory_space<vmem>>) semaphore(%arg16 : memref<!tpu.dma_semaphore, #tpu.memory_space<semaphore_mem>>)
    %dma_start3A_70 = arith.constant 1536 : i32
    %dma_start3A_71 = tpu.memref_slice %arg6[%dma_start3A_70] : memref<10240xi32, #tpu.memory_space<vmem>> -> memref<512xi32, #tpu.memory_space<vmem>>
    %dma_start3A_72 = arith.constant 0 : i32
    %dma_start3A_73 = arith.constant 0 : i32
    %dma_start3A_74 = tpu.memref_slice %arg13[%dma_start3A_72, %dma_start3A_73] : memref<10048x16xf32, #tpu.memory_space<vmem_shared>> -> memref<10048x16xf32, #tpu.memory_space<vmem_shared>>
    tpu.enqueue_indirect_dma source(%dma_start3A_74 : memref<10048x16xf32, #tpu.memory_space<vmem_shared>>) target(%arg11 : memref<512x16xf32, #tpu.memory_space<vmem>>) offsets(%dma_start3A_71 : memref<512xi32, #tpu.memory_space<vmem>>) semaphore(%arg17 : memref<!tpu.dma_semaphore, #tpu.memory_space<semaphore_mem>>)
    %scan3A = arith.constant 0 : i32
    %scan3A_75 = arith.constant 0 : i32
    %scan3A_76 = arith.constant 5 : i32
    %scan3A_77 = arith.addi %scan3A_75, %scan3A_76 : i32
    %scan3A_78 = arith.constant 1 : i32
    scf.for %scan3A_88 = %scan3A_75 to %scan3A_77 step %scan3A_78  : i32 {
      %mul3A_89 = arith.constant 4 : i32
      %mul3A_90 = arith.muli %mul3A_89, %scan3A_88 : i32
      %add3A_91 = arith.constant 0 : i32
      %add3A_92 = arith.addi %mul3A_90, %add3A_91 : i32
      %lt3A_93 = arith.cmpi slt, %add3A_92, %add3A_4 : i32
      %convert_element_type3A = arith.extui %lt3A_93 : i1 to i32
      %cond3A = arith.constant 0 : i32
      %cond3A_94 = arith.cmpi ne, %convert_element_type3A, %cond3A : i32
      scf.if %cond3A_94 {
        %mul3A_113 = arith.constant 512 : i32
        %mul3A_114 = arith.muli %add3A_92, %mul3A_113 : i32
        %dma_wait3A_115 = tpu.memref_slice %arg6[%mul3A_114] : memref<10240xi32, #tpu.memory_space<vmem>> -> memref<512xi32, #tpu.memory_space<vmem>>
        %dma_wait3A_116 = arith.constant 0 : i32
        %dma_wait3A_117 = arith.constant 0 : i32
        %dma_wait3A_118 = tpu.memref_slice %arg13[%dma_wait3A_116, %dma_wait3A_117] : memref<10048x16xf32, #tpu.memory_space<vmem_shared>> -> memref<10048x16xf32, #tpu.memory_space<vmem_shared>>
        tpu.wait_indirect_dma semaphore(%arg14 : memref<!tpu.dma_semaphore, #tpu.memory_space<semaphore_mem>>) src(%dma_wait3A_118 : memref<10048x16xf32, #tpu.memory_space<vmem_shared>>) dst(%arg8 : memref<512x16xf32, #tpu.memory_space<vmem>>)
        %mul3A_119 = arith.constant 512 : i32
        %mul3A_120 = arith.muli %add3A_92, %mul3A_119 : i32
        "tpu.region"() ({
          %run_scoped3A = tpu.sem_alloc : memref<!tpu.dma_semaphore, #tpu.memory_space<semaphore_mem>>
          %dma_start3A_127 = tpu.memref_slice %arg7[%mul3A_120] : memref<10240xi32, #tpu.memory_space<vmem>> -> memref<512xi32, #tpu.memory_space<vmem>>
          %dma_start3A_128 = arith.constant 0 : i32
          %dma_start3A_129 = arith.constant 0 : i32
          %dma_start3A_130 = tpu.memref_slice %arg12[%dma_start3A_128, %dma_start3A_129] : memref<10048x16xf32, #tpu.memory_space<vmem_shared>> -> memref<10048x16xf32, #tpu.memory_space<vmem_shared>>
          tpu.enqueue_indirect_dma source(%arg8 : memref<512x16xf32, #tpu.memory_space<vmem>>) target(%dma_start3A_130 : memref<10048x16xf32, #tpu.memory_space<vmem_shared>>) offsets(%dma_start3A_127 : memref<512xi32, #tpu.memory_space<vmem>>) semaphore(%run_scoped3A : memref<!tpu.dma_semaphore, #tpu.memory_space<semaphore_mem>>) {add = true}
          %dma_wait3A_131 = tpu.memref_slice %arg7[%mul3A_120] : memref<10240xi32, #tpu.memory_space<vmem>> -> memref<512xi32, #tpu.memory_space<vmem>>
          %dma_wait3A_132 = arith.constant 0 : i32
          %dma_wait3A_133 = arith.constant 0 : i32
          %dma_wait3A_134 = tpu.memref_slice %arg12[%dma_wait3A_132, %dma_wait3A_133] : memref<10048x16xf32, #tpu.memory_space<vmem_shared>> -> memref<10048x16xf32, #tpu.memory_space<vmem_shared>>
          tpu.wait_indirect_dma semaphore(%run_scoped3A : memref<!tpu.dma_semaphore, #tpu.memory_space<semaphore_mem>>) src(%arg8 : memref<512x16xf32, #tpu.memory_space<vmem>>) dst(%dma_wait3A_134 : memref<10048x16xf32, #tpu.memory_space<vmem_shared>>)
          tpu.yield
        }) : () -> ()
        %add3A_121 = arith.constant 4 : i32
        %add3A_122 = arith.addi %add3A_92, %add3A_121 : i32
        %lt3A_123 = arith.cmpi slt, %add3A_122, %add3A_4 : i32
        %convert_element_type3A_124 = arith.extui %lt3A_123 : i1 to i32
        %cond3A_125 = arith.constant 0 : i32
        %cond3A_126 = arith.cmpi ne, %convert_element_type3A_124, %cond3A_125 : i32
        scf.if %cond3A_126 {
          %add3A_127 = arith.constant 4 : i32
          %add3A_128 = arith.addi %add3A_92, %add3A_127 : i32
          %mul3A_129 = arith.constant 512 : i32
          %mul3A_130 = arith.muli %add3A_128, %mul3A_129 : i32
          %dma_start3A_131 = tpu.memref_slice %arg6[%mul3A_130] : memref<10240xi32, #tpu.memory_space<vmem>> -> memref<512xi32, #tpu.memory_space<vmem>>
          %dma_start3A_132 = arith.constant 0 : i32
          %dma_start3A_133 = arith.constant 0 : i32
          %dma_start3A_134 = tpu.memref_slice %arg13[%dma_start3A_132, %dma_start3A_133] : memref<10048x16xf32, #tpu.memory_space<vmem_shared>> -> memref<10048x16xf32, #tpu.memory_space<vmem_shared>>
          tpu.enqueue_indirect_dma source(%dma_start3A_134 : memref<10048x16xf32, #tpu.memory_space<vmem_shared>>) target(%arg8 : memref<512x16xf32, #tpu.memory_space<vmem>>) offsets(%dma_start3A_131 : memref<512xi32, #tpu.memory_space<vmem>>) semaphore(%arg14 : memref<!tpu.dma_semaphore, #tpu.memory_space<semaphore_mem>>)
        } else {
        }
      } else {
      }
      %add3A_95 = arith.constant 1 : i32
      %add3A_96 = arith.addi %mul3A_90, %add3A_95 : i32
      %lt3A_97 = arith.cmpi slt, %add3A_96, %add3A_4 : i32
      %convert_element_type3A_98 = arith.extui %lt3A_97 : i1 to i32
      %cond3A_99 = arith.constant 0 : i32
      %cond3A_100 = arith.cmpi ne, %convert_element_type3A_98, %cond3A_99 : i32
      scf.if %cond3A_100 {
        %mul3A_113 = arith.constant 512 : i32
        %mul3A_114 = arith.muli %add3A_96, %mul3A_113 : i32
        %dma_wait3A_115 = tpu.memref_slice %arg6[%mul3A_114] : memref<10240xi32, #tpu.memory_space<vmem>> -> memref<512xi32, #tpu.memory_space<vmem>>
        %dma_wait3A_116 = arith.constant 0 : i32
        %dma_wait3A_117 = arith.constant 0 : i32
        %dma_wait3A_118 = tpu.memref_slice %arg13[%dma_wait3A_116, %dma_wait3A_117] : memref<10048x16xf32, #tpu.memory_space<vmem_shared>> -> memref<10048x16xf32, #tpu.memory_space<vmem_shared>>
        tpu.wait_indirect_dma semaphore(%arg15 : memref<!tpu.dma_semaphore, #tpu.memory_space<semaphore_mem>>) src(%dma_wait3A_118 : memref<10048x16xf32, #tpu.memory_space<vmem_shared>>) dst(%arg9 : memref<512x16xf32, #tpu.memory_space<vmem>>)
        %mul3A_119 = arith.constant 512 : i32
        %mul3A_120 = arith.muli %add3A_96, %mul3A_119 : i32
        "tpu.region"() ({
          %run_scoped3A = tpu.sem_alloc : memref<!tpu.dma_semaphore, #tpu.memory_space<semaphore_mem>>
          %dma_start3A_127 = tpu.memref_slice %arg7[%mul3A_120] : memref<10240xi32, #tpu.memory_space<vmem>> -> memref<512xi32, #tpu.memory_space<vmem>>
          %dma_start3A_128 = arith.constant 0 : i32
          %dma_start3A_129 = arith.constant 0 : i32
          %dma_start3A_130 = tpu.memref_slice %arg12[%dma_start3A_128, %dma_start3A_129] : memref<10048x16xf32, #tpu.memory_space<vmem_shared>> -> memref<10048x16xf32, #tpu.memory_space<vmem_shared>>
          tpu.enqueue_indirect_dma source(%arg9 : memref<512x16xf32, #tpu.memory_space<vmem>>) target(%dma_start3A_130 : memref<10048x16xf32, #tpu.memory_space<vmem_shared>>) offsets(%dma_start3A_127 : memref<512xi32, #tpu.memory_space<vmem>>) semaphore(%run_scoped3A : memref<!tpu.dma_semaphore, #tpu.memory_space<semaphore_mem>>) {add = true}
          %dma_wait3A_131 = tpu.memref_slice %arg7[%mul3A_120] : memref<10240xi32, #tpu.memory_space<vmem>> -> memref<512xi32, #tpu.memory_space<vmem>>
          %dma_wait3A_132 = arith.constant 0 : i32
          %dma_wait3A_133 = arith.constant 0 : i32
          %dma_wait3A_134 = tpu.memref_slice %arg12[%dma_wait3A_132, %dma_wait3A_133] : memref<10048x16xf32, #tpu.memory_space<vmem_shared>> -> memref<10048x16xf32, #tpu.memory_space<vmem_shared>>
          tpu.wait_indirect_dma semaphore(%run_scoped3A : memref<!tpu.dma_semaphore, #tpu.memory_space<semaphore_mem>>) src(%arg9 : memref<512x16xf32, #tpu.memory_space<vmem>>) dst(%dma_wait3A_134 : memref<10048x16xf32, #tpu.memory_space<vmem_shared>>)
          tpu.yield
        }) : () -> ()
        %add3A_121 = arith.constant 4 : i32
        %add3A_122 = arith.addi %add3A_96, %add3A_121 : i32
        %lt3A_123 = arith.cmpi slt, %add3A_122, %add3A_4 : i32
        %convert_element_type3A_124 = arith.extui %lt3A_123 : i1 to i32
        %cond3A_125 = arith.constant 0 : i32
        %cond3A_126 = arith.cmpi ne, %convert_element_type3A_124, %cond3A_125 : i32
        scf.if %cond3A_126 {
          %add3A_127 = arith.constant 4 : i32
          %add3A_128 = arith.addi %add3A_96, %add3A_127 : i32
          %mul3A_129 = arith.constant 512 : i32
          %mul3A_130 = arith.muli %add3A_128, %mul3A_129 : i32
          %dma_start3A_131 = tpu.memref_slice %arg6[%mul3A_130] : memref<10240xi32, #tpu.memory_space<vmem>> -> memref<512xi32, #tpu.memory_space<vmem>>
          %dma_start3A_132 = arith.constant 0 : i32
          %dma_start3A_133 = arith.constant 0 : i32
          %dma_start3A_134 = tpu.memref_slice %arg13[%dma_start3A_132, %dma_start3A_133] : memref<10048x16xf32, #tpu.memory_space<vmem_shared>> -> memref<10048x16xf32, #tpu.memory_space<vmem_shared>>
          tpu.enqueue_indirect_dma source(%dma_start3A_134 : memref<10048x16xf32, #tpu.memory_space<vmem_shared>>) target(%arg9 : memref<512x16xf32, #tpu.memory_space<vmem>>) offsets(%dma_start3A_131 : memref<512xi32, #tpu.memory_space<vmem>>) semaphore(%arg15 : memref<!tpu.dma_semaphore, #tpu.memory_space<semaphore_mem>>)
        } else {
        }
      } else {
      }
      %add3A_101 = arith.constant 2 : i32
      %add3A_102 = arith.addi %mul3A_90, %add3A_101 : i32
      %lt3A_103 = arith.cmpi slt, %add3A_102, %add3A_4 : i32
      %convert_element_type3A_104 = arith.extui %lt3A_103 : i1 to i32
      %cond3A_105 = arith.constant 0 : i32
      %cond3A_106 = arith.cmpi ne, %convert_element_type3A_104, %cond3A_105 : i32
      scf.if %cond3A_106 {
        %mul3A_113 = arith.constant 512 : i32
        %mul3A_114 = arith.muli %add3A_102, %mul3A_113 : i32
        %dma_wait3A_115 = tpu.memref_slice %arg6[%mul3A_114] : memref<10240xi32, #tpu.memory_space<vmem>> -> memref<512xi32, #tpu.memory_space<vmem>>
        %dma_wait3A_116 = arith.constant 0 : i32
        %dma_wait3A_117 = arith.constant 0 : i32
        %dma_wait3A_118 = tpu.memref_slice %arg13[%dma_wait3A_116, %dma_wait3A_117] : memref<10048x16xf32, #tpu.memory_space<vmem_shared>> -> memref<10048x16xf32, #tpu.memory_space<vmem_shared>>
        tpu.wait_indirect_dma semaphore(%arg16 : memref<!tpu.dma_semaphore, #tpu.memory_space<semaphore_mem>>) src(%dma_wait3A_118 : memref<10048x16xf32, #tpu.memory_space<vmem_shared>>) dst(%arg10 : memref<512x16xf32, #tpu.memory_space<vmem>>)
        %mul3A_119 = arith.constant 512 : i32
        %mul3A_120 = arith.muli %add3A_102, %mul3A_119 : i32
        "tpu.region"() ({
          %run_scoped3A = tpu.sem_alloc : memref<!tpu.dma_semaphore, #tpu.memory_space<semaphore_mem>>
          %dma_start3A_127 = tpu.memref_slice %arg7[%mul3A_120] : memref<10240xi32, #tpu.memory_space<vmem>> -> memref<512xi32, #tpu.memory_space<vmem>>
          %dma_start3A_128 = arith.constant 0 : i32
          %dma_start3A_129 = arith.constant 0 : i32
          %dma_start3A_130 = tpu.memref_slice %arg12[%dma_start3A_128, %dma_start3A_129] : memref<10048x16xf32, #tpu.memory_space<vmem_shared>> -> memref<10048x16xf32, #tpu.memory_space<vmem_shared>>
          tpu.enqueue_indirect_dma source(%arg10 : memref<512x16xf32, #tpu.memory_space<vmem>>) target(%dma_start3A_130 : memref<10048x16xf32, #tpu.memory_space<vmem_shared>>) offsets(%dma_start3A_127 : memref<512xi32, #tpu.memory_space<vmem>>) semaphore(%run_scoped3A : memref<!tpu.dma_semaphore, #tpu.memory_space<semaphore_mem>>) {add = true}
          %dma_wait3A_131 = tpu.memref_slice %arg7[%mul3A_120] : memref<10240xi32, #tpu.memory_space<vmem>> -> memref<512xi32, #tpu.memory_space<vmem>>
          %dma_wait3A_132 = arith.constant 0 : i32
          %dma_wait3A_133 = arith.constant 0 : i32
          %dma_wait3A_134 = tpu.memref_slice %arg12[%dma_wait3A_132, %dma_wait3A_133] : memref<10048x16xf32, #tpu.memory_space<vmem_shared>> -> memref<10048x16xf32, #tpu.memory_space<vmem_shared>>
          tpu.wait_indirect_dma semaphore(%run_scoped3A : memref<!tpu.dma_semaphore, #tpu.memory_space<semaphore_mem>>) src(%arg10 : memref<512x16xf32, #tpu.memory_space<vmem>>) dst(%dma_wait3A_134 : memref<10048x16xf32, #tpu.memory_space<vmem_shared>>)
          tpu.yield
        }) : () -> ()
        %add3A_121 = arith.constant 4 : i32
        %add3A_122 = arith.addi %add3A_102, %add3A_121 : i32
        %lt3A_123 = arith.cmpi slt, %add3A_122, %add3A_4 : i32
        %convert_element_type3A_124 = arith.extui %lt3A_123 : i1 to i32
        %cond3A_125 = arith.constant 0 : i32
        %cond3A_126 = arith.cmpi ne, %convert_element_type3A_124, %cond3A_125 : i32
        scf.if %cond3A_126 {
          %add3A_127 = arith.constant 4 : i32
          %add3A_128 = arith.addi %add3A_102, %add3A_127 : i32
          %mul3A_129 = arith.constant 512 : i32
          %mul3A_130 = arith.muli %add3A_128, %mul3A_129 : i32
          %dma_start3A_131 = tpu.memref_slice %arg6[%mul3A_130] : memref<10240xi32, #tpu.memory_space<vmem>> -> memref<512xi32, #tpu.memory_space<vmem>>
          %dma_start3A_132 = arith.constant 0 : i32
          %dma_start3A_133 = arith.constant 0 : i32
          %dma_start3A_134 = tpu.memref_slice %arg13[%dma_start3A_132, %dma_start3A_133] : memref<10048x16xf32, #tpu.memory_space<vmem_shared>> -> memref<10048x16xf32, #tpu.memory_space<vmem_shared>>
          tpu.enqueue_indirect_dma source(%dma_start3A_134 : memref<10048x16xf32, #tpu.memory_space<vmem_shared>>) target(%arg10 : memref<512x16xf32, #tpu.memory_space<vmem>>) offsets(%dma_start3A_131 : memref<512xi32, #tpu.memory_space<vmem>>) semaphore(%arg16 : memref<!tpu.dma_semaphore, #tpu.memory_space<semaphore_mem>>)
        } else {
        }
      } else {
      }
      %add3A_107 = arith.constant 3 : i32
      %add3A_108 = arith.addi %mul3A_90, %add3A_107 : i32
      %lt3A_109 = arith.cmpi slt, %add3A_108, %add3A_4 : i32
      %convert_element_type3A_110 = arith.extui %lt3A_109 : i1 to i32
      %cond3A_111 = arith.constant 0 : i32
      %cond3A_112 = arith.cmpi ne, %convert_element_type3A_110, %cond3A_111 : i32
      scf.if %cond3A_112 {
        %mul3A_113 = arith.constant 512 : i32
        %mul3A_114 = arith.muli %add3A_108, %mul3A_113 : i32
        %dma_wait3A_115 = tpu.memref_slice %arg6[%mul3A_114] : memref<10240xi32, #tpu.memory_space<vmem>> -> memref<512xi32, #tpu.memory_space<vmem>>
        %dma_wait3A_116 = arith.constant 0 : i32
        %dma_wait3A_117 = arith.constant 0 : i32
        %dma_wait3A_118 = tpu.memref_slice %arg13[%dma_wait3A_116, %dma_wait3A_117] : memref<10048x16xf32, #tpu.memory_space<vmem_shared>> -> memref<10048x16xf32, #tpu.memory_space<vmem_shared>>
        tpu.wait_indirect_dma semaphore(%arg17 : memref<!tpu.dma_semaphore, #tpu.memory_space<semaphore_mem>>) src(%dma_wait3A_118 : memref<10048x16xf32, #tpu.memory_space<vmem_shared>>) dst(%arg11 : memref<512x16xf32, #tpu.memory_space<vmem>>)
        %mul3A_119 = arith.constant 512 : i32
        %mul3A_120 = arith.muli %add3A_108, %mul3A_119 : i32
        "tpu.region"() ({
          %run_scoped3A = tpu.sem_alloc : memref<!tpu.dma_semaphore, #tpu.memory_space<semaphore_mem>>
          %dma_start3A_127 = tpu.memref_slice %arg7[%mul3A_120] : memref<10240xi32, #tpu.memory_space<vmem>> -> memref<512xi32, #tpu.memory_space<vmem>>
          %dma_start3A_128 = arith.constant 0 : i32
          %dma_start3A_129 = arith.constant 0 : i32
          %dma_start3A_130 = tpu.memref_slice %arg12[%dma_start3A_128, %dma_start3A_129] : memref<10048x16xf32, #tpu.memory_space<vmem_shared>> -> memref<10048x16xf32, #tpu.memory_space<vmem_shared>>
          tpu.enqueue_indirect_dma source(%arg11 : memref<512x16xf32, #tpu.memory_space<vmem>>) target(%dma_start3A_130 : memref<10048x16xf32, #tpu.memory_space<vmem_shared>>) offsets(%dma_start3A_127 : memref<512xi32, #tpu.memory_space<vmem>>) semaphore(%run_scoped3A : memref<!tpu.dma_semaphore, #tpu.memory_space<semaphore_mem>>) {add = true}
          %dma_wait3A_131 = tpu.memref_slice %arg7[%mul3A_120] : memref<10240xi32, #tpu.memory_space<vmem>> -> memref<512xi32, #tpu.memory_space<vmem>>
          %dma_wait3A_132 = arith.constant 0 : i32
          %dma_wait3A_133 = arith.constant 0 : i32
          %dma_wait3A_134 = tpu.memref_slice %arg12[%dma_wait3A_132, %dma_wait3A_133] : memref<10048x16xf32, #tpu.memory_space<vmem_shared>> -> memref<10048x16xf32, #tpu.memory_space<vmem_shared>>
          tpu.wait_indirect_dma semaphore(%run_scoped3A : memref<!tpu.dma_semaphore, #tpu.memory_space<semaphore_mem>>) src(%arg11 : memref<512x16xf32, #tpu.memory_space<vmem>>) dst(%dma_wait3A_134 : memref<10048x16xf32, #tpu.memory_space<vmem_shared>>)
          tpu.yield
        }) : () -> ()
        %add3A_121 = arith.constant 4 : i32
        %add3A_122 = arith.addi %add3A_108, %add3A_121 : i32
        %lt3A_123 = arith.cmpi slt, %add3A_122, %add3A_4 : i32
        %convert_element_type3A_124 = arith.extui %lt3A_123 : i1 to i32
        %cond3A_125 = arith.constant 0 : i32
        %cond3A_126 = arith.cmpi ne, %convert_element_type3A_124, %cond3A_125 : i32
        scf.if %cond3A_126 {
          %add3A_127 = arith.constant 4 : i32
          %add3A_128 = arith.addi %add3A_108, %add3A_127 : i32
          %mul3A_129 = arith.constant 512 : i32
          %mul3A_130 = arith.muli %add3A_128, %mul3A_129 : i32
          %dma_start3A_131 = tpu.memref_slice %arg6[%mul3A_130] : memref<10240xi32, #tpu.memory_space<vmem>> -> memref<512xi32, #tpu.memory_space<vmem>>
          %dma_start3A_132 = arith.constant 0 : i32
          %dma_start3A_133 = arith.constant 0 : i32
          %dma_start3A_134 = tpu.memref_slice %arg13[%dma_start3A_132, %dma_start3A_133] : memref<10048x16xf32, #tpu.memory_space<vmem_shared>> -> memref<10048x16xf32, #tpu.memory_space<vmem_shared>>
          tpu.enqueue_indirect_dma source(%dma_start3A_134 : memref<10048x16xf32, #tpu.memory_space<vmem_shared>>) target(%arg11 : memref<512x16xf32, #tpu.memory_space<vmem>>) offsets(%dma_start3A_131 : memref<512xi32, #tpu.memory_space<vmem>>) semaphore(%arg17 : memref<!tpu.dma_semaphore, #tpu.memory_space<semaphore_mem>>)
        } else {
        }
      } else {
      }
    }
    %scan3A_79 = arith.constant 5 : i32
    %barrier3A_80 = arith.constant 0 : index
    tpu.barrier barrier_id(%barrier3A_80)
    %mul3A_81 = arith.constant 628 : i32
    %mul3A_82 = arith.muli %arg1, %mul3A_81 : i32
    %mul3A_83 = arith.constant 10048 : i32
    %mul3A_84 = arith.muli %arg0, %mul3A_83 : i32
    %mul3A_85 = arith.constant 628 : i32
    %mul3A_86 = arith.muli %arg1, %mul3A_85 : i32
    %add3A_87 = arith.addi %mul3A_84, %mul3A_86 : i32
    "tpu.region"() ({
      %run_scoped3A = tpu.sem_alloc : memref<!tpu.dma_semaphore, #tpu.memory_space<semaphore_mem>>
      %dma_start3A_88 = arith.constant 0 : i32
      %dma_start3A_89 = tpu.memref_slice %arg5[%add3A_87, %dma_start3A_88] : memref<20096x16xf32, #tpu.memory_space<hbm>> -> memref<628x16xf32, #tpu.memory_space<hbm>>
      %dma_start3A_90 = arith.constant 0 : i32
      %dma_start3A_91 = tpu.memref_slice %arg12[%mul3A_82, %dma_start3A_90] : memref<10048x16xf32, #tpu.memory_space<vmem_shared>> -> memref<628x16xf32, #tpu.memory_space<vmem_shared>>
      tpu.enqueue_dma source(%dma_start3A_91 : memref<628x16xf32, #tpu.memory_space<vmem_shared>>) target(%dma_start3A_89 : memref<628x16xf32, #tpu.memory_space<hbm>>) target_semaphore(%run_scoped3A : memref<!tpu.dma_semaphore, #tpu.memory_space<semaphore_mem>>)
      %dma_wait3A_92 = arith.constant 0 : i32
      %dma_wait3A_93 = tpu.memref_slice %arg5[%add3A_87, %dma_wait3A_92] : memref<20096x16xf32, #tpu.memory_space<hbm>> -> memref<628x16xf32, #tpu.memory_space<hbm>>
      %dma_wait3A_94 = arith.constant 0 : i32
      %dma_wait3A_95 = tpu.memref_slice %arg12[%mul3A_82, %dma_wait3A_94] : memref<10048x16xf32, #tpu.memory_space<vmem_shared>> -> memref<628x16xf32, #tpu.memory_space<vmem_shared>>
      tpu.wait_dma2 semaphore(%run_scoped3A : memref<!tpu.dma_semaphore, #tpu.memory_space<semaphore_mem>>) src(%dma_wait3A_95 : memref<628x16xf32, #tpu.memory_space<vmem_shared>>) dst(%dma_wait3A_93 : memref<628x16xf32, #tpu.memory_space<hbm>>)
      tpu.yield
    }) : () -> ()
    return
  }
}

#map = affine_map<(d0, d1) -> (0, 0)>
module attributes {stable_mosaic.version = 14 : i64} {
  func.func @_sc_degree(%arg0: i32, %arg1: i32, %arg2: memref<2x320000xi32, #tpu.memory_space<hbm>>, %arg3: memref<512x16xf32, #tpu.memory_space<hbm>>, %arg4: memref<10048x16xf32, #tpu.memory_space<hbm>>, %arg5: memref<20096x16xf32, #tpu.memory_space<hbm>>, %arg6: memref<10240xi32, #tpu.memory_space<vmem>>, %arg7: memref<512x16xf32, #tpu.memory_space<vmem>>, %arg8: memref<10048x16xf32, #tpu.memory_space<vmem_shared>>, %arg9: memref<!tpu.dma_semaphore, #tpu.memory_space<semaphore_mem>>, %arg10: memref<!tpu.dma_semaphore, #tpu.memory_space<semaphore_mem>>, %arg11: memref<!tpu.dma_semaphore, #tpu.memory_space<semaphore_mem>>) attributes {dimension_semantics = [#tpu.dimension_semantics<core_parallel>, #tpu.dimension_semantics<subcore_parallel>], iteration_bounds = array<i64: 2, 16>, scalar_prefetch = 0 : i64, scratch_operands = 6 : i64, tpu.core_type = #tpu.core_type<sc_vector_subcore>, window_params = [{transform_indices = #map}, {transform_indices = #map}, {transform_indices = #map}, {transform_indices = #map}]} {
    %mul3A = arith.constant 16 : i32
    %mul3A_0 = arith.muli %arg0, %mul3A : i32
    %add3A = arith.addi %mul3A_0, %arg1 : i32
    %lt3A = arith.constant 17 : i32
    %lt3A_1 = arith.cmpi slt, %add3A, %lt3A : i32
    %jit3A = arith.constant 1 : i32
    %jit3A_2 = arith.constant 0 : i32
    %select_n3A = arith.select %lt3A_1, %jit3A, %jit3A_2 : i32
    %add3A_3 = arith.constant 19 : i32
    %add3A_4 = arith.addi %add3A_3, %select_n3A : i32
    %mul3A_5 = arith.constant 19 : i32
    %mul3A_6 = arith.muli %add3A, %mul3A_5 : i32
    %min3A = arith.constant 17 : i32
    %min3A_7 = arith.minsi %add3A, %min3A : i32
    %add3A_8 = arith.addi %mul3A_6, %min3A_7 : i32
    %mul3A_9 = arith.constant 512 : i32
    %mul3A_10 = arith.muli %add3A_8, %mul3A_9 : i32
    %dma_start3A = arith.constant 1 : i32
    %dma_start3A_11 = tpu.memref_slice %arg2[%dma_start3A, %mul3A_10] : memref<2x320000xi32, #tpu.memory_space<hbm>> -> memref<1x10240xi32, #tpu.memory_space<hbm>>
    %dma_start3A_12 = tpu.memref_squeeze %dma_start3A_11 : memref<1x10240xi32, #tpu.memory_space<hbm>> -> memref<10240xi32, #tpu.memory_space<hbm>>
    %dma_start3A_13 = tpu.memref_slice %arg2[%dma_start3A, %mul3A_10] : memref<2x320000xi32, #tpu.memory_space<hbm>> -> memref<1x10240xi32, #tpu.memory_space<hbm>>
    %dma_start3A_14 = tpu.memref_squeeze %dma_start3A_13 : memref<1x10240xi32, #tpu.memory_space<hbm>> -> memref<10240xi32, #tpu.memory_space<hbm>>
    tpu.enqueue_dma source(%dma_start3A_14 : memref<10240xi32, #tpu.memory_space<hbm>>) target(%arg6 : memref<10240xi32, #tpu.memory_space<vmem>>) target_semaphore(%arg9 : memref<!tpu.dma_semaphore, #tpu.memory_space<semaphore_mem>>)
    tpu.enqueue_dma source(%arg3 : memref<512x16xf32, #tpu.memory_space<hbm>>) target(%arg7 : memref<512x16xf32, #tpu.memory_space<vmem>>) target_semaphore(%arg10 : memref<!tpu.dma_semaphore, #tpu.memory_space<semaphore_mem>>)
    %mul3A_15 = arith.constant 628 : i32
    %mul3A_16 = arith.muli %arg1, %mul3A_15 : i32
    %mul3A_17 = arith.constant 628 : i32
    %mul3A_18 = arith.muli %arg1, %mul3A_17 : i32
    %dma_start3A_19 = arith.constant 0 : i32
    %dma_start3A_20 = tpu.memref_slice %arg8[%mul3A_18, %dma_start3A_19] : memref<10048x16xf32, #tpu.memory_space<vmem_shared>> -> memref<628x16xf32, #tpu.memory_space<vmem_shared>>
    %dma_start3A_21 = arith.constant 0 : i32
    %dma_start3A_22 = tpu.memref_slice %arg4[%mul3A_16, %dma_start3A_21] : memref<10048x16xf32, #tpu.memory_space<hbm>> -> memref<628x16xf32, #tpu.memory_space<hbm>>
    tpu.enqueue_dma source(%dma_start3A_22 : memref<628x16xf32, #tpu.memory_space<hbm>>) target(%dma_start3A_20 : memref<628x16xf32, #tpu.memory_space<vmem_shared>>) target_semaphore(%arg11 : memref<!tpu.dma_semaphore, #tpu.memory_space<semaphore_mem>>)
    %dma_wait3A = arith.constant 1 : i32
    %dma_wait3A_23 = tpu.memref_slice %arg2[%dma_wait3A, %mul3A_10] : memref<2x320000xi32, #tpu.memory_space<hbm>> -> memref<1x10240xi32, #tpu.memory_space<hbm>>
    %dma_wait3A_24 = tpu.memref_squeeze %dma_wait3A_23 : memref<1x10240xi32, #tpu.memory_space<hbm>> -> memref<10240xi32, #tpu.memory_space<hbm>>
    %dma_wait3A_25 = tpu.memref_slice %arg2[%dma_wait3A, %mul3A_10] : memref<2x320000xi32, #tpu.memory_space<hbm>> -> memref<1x10240xi32, #tpu.memory_space<hbm>>
    %dma_wait3A_26 = tpu.memref_squeeze %dma_wait3A_25 : memref<1x10240xi32, #tpu.memory_space<hbm>> -> memref<10240xi32, #tpu.memory_space<hbm>>
    tpu.wait_dma2 semaphore(%arg9 : memref<!tpu.dma_semaphore, #tpu.memory_space<semaphore_mem>>) src(%dma_wait3A_26 : memref<10240xi32, #tpu.memory_space<hbm>>) dst(%arg6 : memref<10240xi32, #tpu.memory_space<vmem>>)
    tpu.wait_dma2 semaphore(%arg10 : memref<!tpu.dma_semaphore, #tpu.memory_space<semaphore_mem>>) src(%arg3 : memref<512x16xf32, #tpu.memory_space<hbm>>) dst(%arg7 : memref<512x16xf32, #tpu.memory_space<vmem>>)
    %dma_wait3A_27 = arith.constant 0 : i32
    %dma_wait3A_28 = tpu.memref_slice %arg8[%mul3A_18, %dma_wait3A_27] : memref<10048x16xf32, #tpu.memory_space<vmem_shared>> -> memref<628x16xf32, #tpu.memory_space<vmem_shared>>
    %dma_wait3A_29 = arith.constant 0 : i32
    %dma_wait3A_30 = tpu.memref_slice %arg4[%mul3A_16, %dma_wait3A_29] : memref<10048x16xf32, #tpu.memory_space<hbm>> -> memref<628x16xf32, #tpu.memory_space<hbm>>
    tpu.wait_dma2 semaphore(%arg11 : memref<!tpu.dma_semaphore, #tpu.memory_space<semaphore_mem>>) src(%dma_wait3A_30 : memref<628x16xf32, #tpu.memory_space<hbm>>) dst(%dma_wait3A_28 : memref<628x16xf32, #tpu.memory_space<vmem_shared>>)
    %barrier3A = arith.constant 0 : index
    tpu.barrier barrier_id(%barrier3A)
    %while3A = arith.constant 0 : i32
    %while3A_31 = arith.constant 0 : i32
    %while3A_32 = arith.subi %add3A_4, %while3A_31 : i32
    %while3A_33 = arith.addi %while3A_31, %while3A_32 : i32
    %while3A_34 = arith.constant 1 : i32
    %while3A_35 = arith.divsi %while3A_32, %while3A_34 : i32
    %while3A_36 = arith.muli %while3A_35, %while3A_34 : i32
    %while3A_37 = arith.addi %while3A_31, %while3A_36 : i32
    %while3A_38 = arith.constant 1 : i32
    scf.for %while3A_48 = %while3A_31 to %while3A_37 step %while3A_38  : i32 {
      %mul3A_49 = arith.constant 512 : i32
      %mul3A_50 = arith.muli %while3A_48, %mul3A_49 : i32
      "tpu.region"() ({
        %run_scoped3A = tpu.sem_alloc : memref<!tpu.dma_semaphore, #tpu.memory_space<semaphore_mem>>
        %dma_start3A_51 = tpu.memref_slice %arg6[%mul3A_50] : memref<10240xi32, #tpu.memory_space<vmem>> -> memref<512xi32, #tpu.memory_space<vmem>>
        %dma_start3A_52 = arith.constant 0 : i32
        %dma_start3A_53 = arith.constant 0 : i32
        %dma_start3A_54 = tpu.memref_slice %arg8[%dma_start3A_52, %dma_start3A_53] : memref<10048x16xf32, #tpu.memory_space<vmem_shared>> -> memref<10048x16xf32, #tpu.memory_space<vmem_shared>>
        tpu.enqueue_indirect_dma source(%arg7 : memref<512x16xf32, #tpu.memory_space<vmem>>) target(%dma_start3A_54 : memref<10048x16xf32, #tpu.memory_space<vmem_shared>>) offsets(%dma_start3A_51 : memref<512xi32, #tpu.memory_space<vmem>>) semaphore(%run_scoped3A : memref<!tpu.dma_semaphore, #tpu.memory_space<semaphore_mem>>) {add = true}
        %dma_wait3A_55 = tpu.memref_slice %arg6[%mul3A_50] : memref<10240xi32, #tpu.memory_space<vmem>> -> memref<512xi32, #tpu.memory_space<vmem>>
        %dma_wait3A_56 = arith.constant 0 : i32
        %dma_wait3A_57 = arith.constant 0 : i32
        %dma_wait3A_58 = tpu.memref_slice %arg8[%dma_wait3A_56, %dma_wait3A_57] : memref<10048x16xf32, #tpu.memory_space<vmem_shared>> -> memref<10048x16xf32, #tpu.memory_space<vmem_shared>>
        tpu.wait_indirect_dma semaphore(%run_scoped3A : memref<!tpu.dma_semaphore, #tpu.memory_space<semaphore_mem>>) src(%arg7 : memref<512x16xf32, #tpu.memory_space<vmem>>) dst(%dma_wait3A_58 : memref<10048x16xf32, #tpu.memory_space<vmem_shared>>)
        tpu.yield
      }) : () -> ()
    }
    %while3A_39 = arith.constant 1 : i32
    scf.for %while3A_48 = %while3A_37 to %while3A_33 step %while3A_39  : i32 {
      %mul3A_49 = arith.constant 512 : i32
      %mul3A_50 = arith.muli %while3A_48, %mul3A_49 : i32
      "tpu.region"() ({
        %run_scoped3A = tpu.sem_alloc : memref<!tpu.dma_semaphore, #tpu.memory_space<semaphore_mem>>
        %dma_start3A_51 = tpu.memref_slice %arg6[%mul3A_50] : memref<10240xi32, #tpu.memory_space<vmem>> -> memref<512xi32, #tpu.memory_space<vmem>>
        %dma_start3A_52 = arith.constant 0 : i32
        %dma_start3A_53 = arith.constant 0 : i32
        %dma_start3A_54 = tpu.memref_slice %arg8[%dma_start3A_52, %dma_start3A_53] : memref<10048x16xf32, #tpu.memory_space<vmem_shared>> -> memref<10048x16xf32, #tpu.memory_space<vmem_shared>>
        tpu.enqueue_indirect_dma source(%arg7 : memref<512x16xf32, #tpu.memory_space<vmem>>) target(%dma_start3A_54 : memref<10048x16xf32, #tpu.memory_space<vmem_shared>>) offsets(%dma_start3A_51 : memref<512xi32, #tpu.memory_space<vmem>>) semaphore(%run_scoped3A : memref<!tpu.dma_semaphore, #tpu.memory_space<semaphore_mem>>) {add = true}
        %dma_wait3A_55 = tpu.memref_slice %arg6[%mul3A_50] : memref<10240xi32, #tpu.memory_space<vmem>> -> memref<512xi32, #tpu.memory_space<vmem>>
        %dma_wait3A_56 = arith.constant 0 : i32
        %dma_wait3A_57 = arith.constant 0 : i32
        %dma_wait3A_58 = tpu.memref_slice %arg8[%dma_wait3A_56, %dma_wait3A_57] : memref<10048x16xf32, #tpu.memory_space<vmem_shared>> -> memref<10048x16xf32, #tpu.memory_space<vmem_shared>>
        tpu.wait_indirect_dma semaphore(%run_scoped3A : memref<!tpu.dma_semaphore, #tpu.memory_space<semaphore_mem>>) src(%arg7 : memref<512x16xf32, #tpu.memory_space<vmem>>) dst(%dma_wait3A_58 : memref<10048x16xf32, #tpu.memory_space<vmem_shared>>)
        tpu.yield
      }) : () -> ()
    }
    %barrier3A_40 = arith.constant 0 : index
    tpu.barrier barrier_id(%barrier3A_40)
    %mul3A_41 = arith.constant 628 : i32
    %mul3A_42 = arith.muli %arg1, %mul3A_41 : i32
    %mul3A_43 = arith.constant 10048 : i32
    %mul3A_44 = arith.muli %arg0, %mul3A_43 : i32
    %mul3A_45 = arith.constant 628 : i32
    %mul3A_46 = arith.muli %arg1, %mul3A_45 : i32
    %add3A_47 = arith.addi %mul3A_44, %mul3A_46 : i32
    "tpu.region"() ({
      %run_scoped3A = tpu.sem_alloc : memref<!tpu.dma_semaphore, #tpu.memory_space<semaphore_mem>>
      %dma_start3A_48 = arith.constant 0 : i32
      %dma_start3A_49 = tpu.memref_slice %arg5[%add3A_47, %dma_start3A_48] : memref<20096x16xf32, #tpu.memory_space<hbm>> -> memref<628x16xf32, #tpu.memory_space<hbm>>
      %dma_start3A_50 = arith.constant 0 : i32
      %dma_start3A_51 = tpu.memref_slice %arg8[%mul3A_42, %dma_start3A_50] : memref<10048x16xf32, #tpu.memory_space<vmem_shared>> -> memref<628x16xf32, #tpu.memory_space<vmem_shared>>
      tpu.enqueue_dma source(%dma_start3A_51 : memref<628x16xf32, #tpu.memory_space<vmem_shared>>) target(%dma_start3A_49 : memref<628x16xf32, #tpu.memory_space<hbm>>) target_semaphore(%run_scoped3A : memref<!tpu.dma_semaphore, #tpu.memory_space<semaphore_mem>>)
      %dma_wait3A_52 = arith.constant 0 : i32
      %dma_wait3A_53 = tpu.memref_slice %arg5[%add3A_47, %dma_wait3A_52] : memref<20096x16xf32, #tpu.memory_space<hbm>> -> memref<628x16xf32, #tpu.memory_space<hbm>>
      %dma_wait3A_54 = arith.constant 0 : i32
      %dma_wait3A_55 = tpu.memref_slice %arg8[%mul3A_42, %dma_wait3A_54] : memref<10048x16xf32, #tpu.memory_space<vmem_shared>> -> memref<628x16xf32, #tpu.memory_space<vmem_shared>>
      tpu.wait_dma2 semaphore(%run_scoped3A : memref<!tpu.dma_semaphore, #tpu.memory_space<semaphore_mem>>) src(%dma_wait3A_55 : memref<628x16xf32, #tpu.memory_space<vmem_shared>>) dst(%dma_wait3A_53 : memref<628x16xf32, #tpu.memory_space<hbm>>)
      tpu.yield
    }) : () -> ()
    return
  }
}

#map = affine_map<(d0, d1) -> (0, 0)>
module attributes {stable_mosaic.version = 14 : i64} {
  func.func @_sc_gather_scatter(%arg0: i32, %arg1: i32, %arg2: memref<10048x16xf32, #tpu.memory_space<hbm>>, %arg3: memref<2x320000xi32, #tpu.memory_space<hbm>>, %arg4: memref<10048x16xf32, #tpu.memory_space<hbm>>, %arg5: memref<20096x16xf32, #tpu.memory_space<hbm>>, %arg6: memref<10240xi32, #tpu.memory_space<vmem>>, %arg7: memref<10240xi32, #tpu.memory_space<vmem>>, %arg8: memref<512x16xf32, #tpu.memory_space<vmem>>, %arg9: memref<512x16xf32, #tpu.memory_space<vmem>>, %arg10: memref<512x16xf32, #tpu.memory_space<vmem>>, %arg11: memref<512x16xf32, #tpu.memory_space<vmem>>, %arg12: memref<10048x16xf32, #tpu.memory_space<vmem_shared>>, %arg13: memref<10048x16xf32, #tpu.memory_space<vmem_shared>>, %arg14: memref<!tpu.dma_semaphore, #tpu.memory_space<semaphore_mem>>, %arg15: memref<!tpu.dma_semaphore, #tpu.memory_space<semaphore_mem>>, %arg16: memref<!tpu.dma_semaphore, #tpu.memory_space<semaphore_mem>>, %arg17: memref<!tpu.dma_semaphore, #tpu.memory_space<semaphore_mem>>, %arg18: memref<!tpu.dma_semaphore, #tpu.memory_space<semaphore_mem>>, %arg19: memref<!tpu.dma_semaphore, #tpu.memory_space<semaphore_mem>>) attributes {dimension_semantics = [#tpu.dimension_semantics<core_parallel>, #tpu.dimension_semantics<subcore_parallel>], iteration_bounds = array<i64: 2, 16>, scalar_prefetch = 0 : i64, scratch_operands = 14 : i64, tpu.core_type = #tpu.core_type<sc_vector_subcore>, window_params = [{transform_indices = #map}, {transform_indices = #map}, {transform_indices = #map}, {transform_indices = #map}]} {
    %mul3A = arith.constant 16 : i32
    %mul3A_0 = arith.muli %arg0, %mul3A : i32
    %add3A = arith.addi %mul3A_0, %arg1 : i32
    %lt3A = arith.constant 17 : i32
    %lt3A_1 = arith.cmpi slt, %add3A, %lt3A : i32
    %jit3A = arith.constant 1 : i32
    %jit3A_2 = arith.constant 0 : i32
    %select_n3A = arith.select %lt3A_1, %jit3A, %jit3A_2 : i32
    %add3A_3 = arith.constant 19 : i32
    %add3A_4 = arith.addi %add3A_3, %select_n3A : i32
    %mul3A_5 = arith.constant 19 : i32
    %mul3A_6 = arith.muli %add3A, %mul3A_5 : i32
    %min3A = arith.constant 17 : i32
    %min3A_7 = arith.minsi %add3A, %min3A : i32
    %add3A_8 = arith.addi %mul3A_6, %min3A_7 : i32
    %mul3A_9 = arith.constant 512 : i32
    %mul3A_10 = arith.muli %add3A_8, %mul3A_9 : i32
    %dma_start3A = arith.constant 0 : i32
    %dma_start3A_11 = tpu.memref_slice %arg3[%dma_start3A, %mul3A_10] : memref<2x320000xi32, #tpu.memory_space<hbm>> -> memref<1x10240xi32, #tpu.memory_space<hbm>>
    %dma_start3A_12 = tpu.memref_squeeze %dma_start3A_11 : memref<1x10240xi32, #tpu.memory_space<hbm>> -> memref<10240xi32, #tpu.memory_space<hbm>>
    %dma_start3A_13 = tpu.memref_slice %arg3[%dma_start3A, %mul3A_10] : memref<2x320000xi32, #tpu.memory_space<hbm>> -> memref<1x10240xi32, #tpu.memory_space<hbm>>
    %dma_start3A_14 = tpu.memref_squeeze %dma_start3A_13 : memref<1x10240xi32, #tpu.memory_space<hbm>> -> memref<10240xi32, #tpu.memory_space<hbm>>
    tpu.enqueue_dma source(%dma_start3A_14 : memref<10240xi32, #tpu.memory_space<hbm>>) target(%arg6 : memref<10240xi32, #tpu.memory_space<vmem>>) target_semaphore(%arg14 : memref<!tpu.dma_semaphore, #tpu.memory_space<semaphore_mem>>)
    %mul3A_15 = arith.constant 512 : i32
    %mul3A_16 = arith.muli %add3A_8, %mul3A_15 : i32
    %dma_start3A_17 = arith.constant 1 : i32
    %dma_start3A_18 = tpu.memref_slice %arg3[%dma_start3A_17, %mul3A_16] : memref<2x320000xi32, #tpu.memory_space<hbm>> -> memref<1x10240xi32, #tpu.memory_space<hbm>>
    %dma_start3A_19 = tpu.memref_squeeze %dma_start3A_18 : memref<1x10240xi32, #tpu.memory_space<hbm>> -> memref<10240xi32, #tpu.memory_space<hbm>>
    %dma_start3A_20 = tpu.memref_slice %arg3[%dma_start3A_17, %mul3A_16] : memref<2x320000xi32, #tpu.memory_space<hbm>> -> memref<1x10240xi32, #tpu.memory_space<hbm>>
    %dma_start3A_21 = tpu.memref_squeeze %dma_start3A_20 : memref<1x10240xi32, #tpu.memory_space<hbm>> -> memref<10240xi32, #tpu.memory_space<hbm>>
    tpu.enqueue_dma source(%dma_start3A_21 : memref<10240xi32, #tpu.memory_space<hbm>>) target(%arg7 : memref<10240xi32, #tpu.memory_space<vmem>>) target_semaphore(%arg15 : memref<!tpu.dma_semaphore, #tpu.memory_space<semaphore_mem>>)
    %mul3A_22 = arith.constant 628 : i32
    %mul3A_23 = arith.muli %arg1, %mul3A_22 : i32
    %mul3A_24 = arith.constant 628 : i32
    %mul3A_25 = arith.muli %arg1, %mul3A_24 : i32
    %dma_start3A_26 = arith.constant 0 : i32
    %dma_start3A_27 = tpu.memref_slice %arg13[%mul3A_25, %dma_start3A_26] : memref<10048x16xf32, #tpu.memory_space<vmem_shared>> -> memref<628x16xf32, #tpu.memory_space<vmem_shared>>
    %dma_start3A_28 = arith.constant 0 : i32
    %dma_start3A_29 = tpu.memref_slice %arg2[%mul3A_23, %dma_start3A_28] : memref<10048x16xf32, #tpu.memory_space<hbm>> -> memref<628x16xf32, #tpu.memory_space<hbm>>
    tpu.enqueue_dma source(%dma_start3A_29 : memref<628x16xf32, #tpu.memory_space<hbm>>) target(%dma_start3A_27 : memref<628x16xf32, #tpu.memory_space<vmem_shared>>) target_semaphore(%arg18 : memref<!tpu.dma_semaphore, #tpu.memory_space<semaphore_mem>>)
    %mul3A_30 = arith.constant 628 : i32
    %mul3A_31 = arith.muli %arg1, %mul3A_30 : i32
    %mul3A_32 = arith.constant 628 : i32
    %mul3A_33 = arith.muli %arg1, %mul3A_32 : i32
    %dma_start3A_34 = arith.constant 0 : i32
    %dma_start3A_35 = tpu.memref_slice %arg12[%mul3A_33, %dma_start3A_34] : memref<10048x16xf32, #tpu.memory_space<vmem_shared>> -> memref<628x16xf32, #tpu.memory_space<vmem_shared>>
    %dma_start3A_36 = arith.constant 0 : i32
    %dma_start3A_37 = tpu.memref_slice %arg4[%mul3A_31, %dma_start3A_36] : memref<10048x16xf32, #tpu.memory_space<hbm>> -> memref<628x16xf32, #tpu.memory_space<hbm>>
    tpu.enqueue_dma source(%dma_start3A_37 : memref<628x16xf32, #tpu.memory_space<hbm>>) target(%dma_start3A_35 : memref<628x16xf32, #tpu.memory_space<vmem_shared>>) target_semaphore(%arg19 : memref<!tpu.dma_semaphore, #tpu.memory_space<semaphore_mem>>)
    %dma_wait3A = arith.constant 0 : i32
    %dma_wait3A_38 = tpu.memref_slice %arg3[%dma_wait3A, %mul3A_10] : memref<2x320000xi32, #tpu.memory_space<hbm>> -> memref<1x10240xi32, #tpu.memory_space<hbm>>
    %dma_wait3A_39 = tpu.memref_squeeze %dma_wait3A_38 : memref<1x10240xi32, #tpu.memory_space<hbm>> -> memref<10240xi32, #tpu.memory_space<hbm>>
    %dma_wait3A_40 = tpu.memref_slice %arg3[%dma_wait3A, %mul3A_10] : memref<2x320000xi32, #tpu.memory_space<hbm>> -> memref<1x10240xi32, #tpu.memory_space<hbm>>
    %dma_wait3A_41 = tpu.memref_squeeze %dma_wait3A_40 : memref<1x10240xi32, #tpu.memory_space<hbm>> -> memref<10240xi32, #tpu.memory_space<hbm>>
    tpu.wait_dma2 semaphore(%arg14 : memref<!tpu.dma_semaphore, #tpu.memory_space<semaphore_mem>>) src(%dma_wait3A_41 : memref<10240xi32, #tpu.memory_space<hbm>>) dst(%arg6 : memref<10240xi32, #tpu.memory_space<vmem>>)
    %dma_wait3A_42 = arith.constant 1 : i32
    %dma_wait3A_43 = tpu.memref_slice %arg3[%dma_wait3A_42, %mul3A_16] : memref<2x320000xi32, #tpu.memory_space<hbm>> -> memref<1x10240xi32, #tpu.memory_space<hbm>>
    %dma_wait3A_44 = tpu.memref_squeeze %dma_wait3A_43 : memref<1x10240xi32, #tpu.memory_space<hbm>> -> memref<10240xi32, #tpu.memory_space<hbm>>
    %dma_wait3A_45 = tpu.memref_slice %arg3[%dma_wait3A_42, %mul3A_16] : memref<2x320000xi32, #tpu.memory_space<hbm>> -> memref<1x10240xi32, #tpu.memory_space<hbm>>
    %dma_wait3A_46 = tpu.memref_squeeze %dma_wait3A_45 : memref<1x10240xi32, #tpu.memory_space<hbm>> -> memref<10240xi32, #tpu.memory_space<hbm>>
    tpu.wait_dma2 semaphore(%arg15 : memref<!tpu.dma_semaphore, #tpu.memory_space<semaphore_mem>>) src(%dma_wait3A_46 : memref<10240xi32, #tpu.memory_space<hbm>>) dst(%arg7 : memref<10240xi32, #tpu.memory_space<vmem>>)
    %dma_wait3A_47 = arith.constant 0 : i32
    %dma_wait3A_48 = tpu.memref_slice %arg13[%mul3A_25, %dma_wait3A_47] : memref<10048x16xf32, #tpu.memory_space<vmem_shared>> -> memref<628x16xf32, #tpu.memory_space<vmem_shared>>
    %dma_wait3A_49 = arith.constant 0 : i32
    %dma_wait3A_50 = tpu.memref_slice %arg2[%mul3A_23, %dma_wait3A_49] : memref<10048x16xf32, #tpu.memory_space<hbm>> -> memref<628x16xf32, #tpu.memory_space<hbm>>
    tpu.wait_dma2 semaphore(%arg18 : memref<!tpu.dma_semaphore, #tpu.memory_space<semaphore_mem>>) src(%dma_wait3A_50 : memref<628x16xf32, #tpu.memory_space<hbm>>) dst(%dma_wait3A_48 : memref<628x16xf32, #tpu.memory_space<vmem_shared>>)
    %dma_wait3A_51 = arith.constant 0 : i32
    %dma_wait3A_52 = tpu.memref_slice %arg12[%mul3A_33, %dma_wait3A_51] : memref<10048x16xf32, #tpu.memory_space<vmem_shared>> -> memref<628x16xf32, #tpu.memory_space<vmem_shared>>
    %dma_wait3A_53 = arith.constant 0 : i32
    %dma_wait3A_54 = tpu.memref_slice %arg4[%mul3A_31, %dma_wait3A_53] : memref<10048x16xf32, #tpu.memory_space<hbm>> -> memref<628x16xf32, #tpu.memory_space<hbm>>
    tpu.wait_dma2 semaphore(%arg19 : memref<!tpu.dma_semaphore, #tpu.memory_space<semaphore_mem>>) src(%dma_wait3A_54 : memref<628x16xf32, #tpu.memory_space<hbm>>) dst(%dma_wait3A_52 : memref<628x16xf32, #tpu.memory_space<vmem_shared>>)
    %barrier3A = arith.constant 0 : index
    tpu.barrier barrier_id(%barrier3A)
    %dma_start3A_55 = arith.constant 0 : i32
    %dma_start3A_56 = tpu.memref_slice %arg6[%dma_start3A_55] : memref<10240xi32, #tpu.memory_space<vmem>> -> memref<512xi32, #tpu.memory_space<vmem>>
    %dma_start3A_57 = arith.constant 0 : i32
    %dma_start3A_58 = arith.constant 0 : i32
    %dma_start3A_59 = tpu.memref_slice %arg13[%dma_start3A_57, %dma_start3A_58] : memref<10048x16xf32, #tpu.memory_space<vmem_shared>> -> memref<10048x16xf32, #tpu.memory_space<vmem_shared>>
    tpu.enqueue_indirect_dma source(%dma_start3A_59 : memref<10048x16xf32, #tpu.memory_space<vmem_shared>>) target(%arg8 : memref<512x16xf32, #tpu.memory_space<vmem>>) offsets(%dma_start3A_56 : memref<512xi32, #tpu.memory_space<vmem>>) semaphore(%arg14 : memref<!tpu.dma_semaphore, #tpu.memory_space<semaphore_mem>>)
    %dma_start3A_60 = arith.constant 512 : i32
    %dma_start3A_61 = tpu.memref_slice %arg6[%dma_start3A_60] : memref<10240xi32, #tpu.memory_space<vmem>> -> memref<512xi32, #tpu.memory_space<vmem>>
    %dma_start3A_62 = arith.constant 0 : i32
    %dma_start3A_63 = arith.constant 0 : i32
    %dma_start3A_64 = tpu.memref_slice %arg13[%dma_start3A_62, %dma_start3A_63] : memref<10048x16xf32, #tpu.memory_space<vmem_shared>> -> memref<10048x16xf32, #tpu.memory_space<vmem_shared>>
    tpu.enqueue_indirect_dma source(%dma_start3A_64 : memref<10048x16xf32, #tpu.memory_space<vmem_shared>>) target(%arg9 : memref<512x16xf32, #tpu.memory_space<vmem>>) offsets(%dma_start3A_61 : memref<512xi32, #tpu.memory_space<vmem>>) semaphore(%arg15 : memref<!tpu.dma_semaphore, #tpu.memory_space<semaphore_mem>>)
    %dma_start3A_65 = arith.constant 1024 : i32
    %dma_start3A_66 = tpu.memref_slice %arg6[%dma_start3A_65] : memref<10240xi32, #tpu.memory_space<vmem>> -> memref<512xi32, #tpu.memory_space<vmem>>
    %dma_start3A_67 = arith.constant 0 : i32
    %dma_start3A_68 = arith.constant 0 : i32
    %dma_start3A_69 = tpu.memref_slice %arg13[%dma_start3A_67, %dma_start3A_68] : memref<10048x16xf32, #tpu.memory_space<vmem_shared>> -> memref<10048x16xf32, #tpu.memory_space<vmem_shared>>
    tpu.enqueue_indirect_dma source(%dma_start3A_69 : memref<10048x16xf32, #tpu.memory_space<vmem_shared>>) target(%arg10 : memref<512x16xf32, #tpu.memory_space<vmem>>) offsets(%dma_start3A_66 : memref<512xi32, #tpu.memory_space<vmem>>) semaphore(%arg16 : memref<!tpu.dma_semaphore, #tpu.memory_space<semaphore_mem>>)
    %dma_start3A_70 = arith.constant 1536 : i32
    %dma_start3A_71 = tpu.memref_slice %arg6[%dma_start3A_70] : memref<10240xi32, #tpu.memory_space<vmem>> -> memref<512xi32, #tpu.memory_space<vmem>>
    %dma_start3A_72 = arith.constant 0 : i32
    %dma_start3A_73 = arith.constant 0 : i32
    %dma_start3A_74 = tpu.memref_slice %arg13[%dma_start3A_72, %dma_start3A_73] : memref<10048x16xf32, #tpu.memory_space<vmem_shared>> -> memref<10048x16xf32, #tpu.memory_space<vmem_shared>>
    tpu.enqueue_indirect_dma source(%dma_start3A_74 : memref<10048x16xf32, #tpu.memory_space<vmem_shared>>) target(%arg11 : memref<512x16xf32, #tpu.memory_space<vmem>>) offsets(%dma_start3A_71 : memref<512xi32, #tpu.memory_space<vmem>>) semaphore(%arg17 : memref<!tpu.dma_semaphore, #tpu.memory_space<semaphore_mem>>)
    %scan3A = arith.constant 0 : i32
    %scan3A_75 = arith.constant 0 : i32
    %scan3A_76 = arith.constant 5 : i32
    %scan3A_77 = arith.addi %scan3A_75, %scan3A_76 : i32
    %scan3A_78 = arith.constant 1 : i32
    scf.for %scan3A_88 = %scan3A_75 to %scan3A_77 step %scan3A_78  : i32 {
      %mul3A_89 = arith.constant 4 : i32
      %mul3A_90 = arith.muli %mul3A_89, %scan3A_88 : i32
      %add3A_91 = arith.constant 0 : i32
      %add3A_92 = arith.addi %mul3A_90, %add3A_91 : i32
      %lt3A_93 = arith.cmpi slt, %add3A_92, %add3A_4 : i32
      %convert_element_type3A = arith.extui %lt3A_93 : i1 to i32
      %cond3A = arith.constant 0 : i32
      %cond3A_94 = arith.cmpi ne, %convert_element_type3A, %cond3A : i32
      scf.if %cond3A_94 {
        %mul3A_113 = arith.constant 512 : i32
        %mul3A_114 = arith.muli %add3A_92, %mul3A_113 : i32
        %dma_wait3A_115 = tpu.memref_slice %arg6[%mul3A_114] : memref<10240xi32, #tpu.memory_space<vmem>> -> memref<512xi32, #tpu.memory_space<vmem>>
        %dma_wait3A_116 = arith.constant 0 : i32
        %dma_wait3A_117 = arith.constant 0 : i32
        %dma_wait3A_118 = tpu.memref_slice %arg13[%dma_wait3A_116, %dma_wait3A_117] : memref<10048x16xf32, #tpu.memory_space<vmem_shared>> -> memref<10048x16xf32, #tpu.memory_space<vmem_shared>>
        tpu.wait_indirect_dma semaphore(%arg14 : memref<!tpu.dma_semaphore, #tpu.memory_space<semaphore_mem>>) src(%dma_wait3A_118 : memref<10048x16xf32, #tpu.memory_space<vmem_shared>>) dst(%arg8 : memref<512x16xf32, #tpu.memory_space<vmem>>)
        %mul3A_119 = arith.constant 512 : i32
        %mul3A_120 = arith.muli %add3A_92, %mul3A_119 : i32
        "tpu.region"() ({
          %run_scoped3A = tpu.sem_alloc : memref<!tpu.dma_semaphore, #tpu.memory_space<semaphore_mem>>
          %dma_start3A_127 = tpu.memref_slice %arg7[%mul3A_120] : memref<10240xi32, #tpu.memory_space<vmem>> -> memref<512xi32, #tpu.memory_space<vmem>>
          %dma_start3A_128 = arith.constant 0 : i32
          %dma_start3A_129 = arith.constant 0 : i32
          %dma_start3A_130 = tpu.memref_slice %arg12[%dma_start3A_128, %dma_start3A_129] : memref<10048x16xf32, #tpu.memory_space<vmem_shared>> -> memref<10048x16xf32, #tpu.memory_space<vmem_shared>>
          tpu.enqueue_indirect_dma source(%arg8 : memref<512x16xf32, #tpu.memory_space<vmem>>) target(%dma_start3A_130 : memref<10048x16xf32, #tpu.memory_space<vmem_shared>>) offsets(%dma_start3A_127 : memref<512xi32, #tpu.memory_space<vmem>>) semaphore(%run_scoped3A : memref<!tpu.dma_semaphore, #tpu.memory_space<semaphore_mem>>) {add = true}
          %dma_wait3A_131 = tpu.memref_slice %arg7[%mul3A_120] : memref<10240xi32, #tpu.memory_space<vmem>> -> memref<512xi32, #tpu.memory_space<vmem>>
          %dma_wait3A_132 = arith.constant 0 : i32
          %dma_wait3A_133 = arith.constant 0 : i32
          %dma_wait3A_134 = tpu.memref_slice %arg12[%dma_wait3A_132, %dma_wait3A_133] : memref<10048x16xf32, #tpu.memory_space<vmem_shared>> -> memref<10048x16xf32, #tpu.memory_space<vmem_shared>>
          tpu.wait_indirect_dma semaphore(%run_scoped3A : memref<!tpu.dma_semaphore, #tpu.memory_space<semaphore_mem>>) src(%arg8 : memref<512x16xf32, #tpu.memory_space<vmem>>) dst(%dma_wait3A_134 : memref<10048x16xf32, #tpu.memory_space<vmem_shared>>)
          tpu.yield
        }) : () -> ()
        %add3A_121 = arith.constant 4 : i32
        %add3A_122 = arith.addi %add3A_92, %add3A_121 : i32
        %lt3A_123 = arith.cmpi slt, %add3A_122, %add3A_4 : i32
        %convert_element_type3A_124 = arith.extui %lt3A_123 : i1 to i32
        %cond3A_125 = arith.constant 0 : i32
        %cond3A_126 = arith.cmpi ne, %convert_element_type3A_124, %cond3A_125 : i32
        scf.if %cond3A_126 {
          %add3A_127 = arith.constant 4 : i32
          %add3A_128 = arith.addi %add3A_92, %add3A_127 : i32
          %mul3A_129 = arith.constant 512 : i32
          %mul3A_130 = arith.muli %add3A_128, %mul3A_129 : i32
          %dma_start3A_131 = tpu.memref_slice %arg6[%mul3A_130] : memref<10240xi32, #tpu.memory_space<vmem>> -> memref<512xi32, #tpu.memory_space<vmem>>
          %dma_start3A_132 = arith.constant 0 : i32
          %dma_start3A_133 = arith.constant 0 : i32
          %dma_start3A_134 = tpu.memref_slice %arg13[%dma_start3A_132, %dma_start3A_133] : memref<10048x16xf32, #tpu.memory_space<vmem_shared>> -> memref<10048x16xf32, #tpu.memory_space<vmem_shared>>
          tpu.enqueue_indirect_dma source(%dma_start3A_134 : memref<10048x16xf32, #tpu.memory_space<vmem_shared>>) target(%arg8 : memref<512x16xf32, #tpu.memory_space<vmem>>) offsets(%dma_start3A_131 : memref<512xi32, #tpu.memory_space<vmem>>) semaphore(%arg14 : memref<!tpu.dma_semaphore, #tpu.memory_space<semaphore_mem>>)
        } else {
        }
      } else {
      }
      %add3A_95 = arith.constant 1 : i32
      %add3A_96 = arith.addi %mul3A_90, %add3A_95 : i32
      %lt3A_97 = arith.cmpi slt, %add3A_96, %add3A_4 : i32
      %convert_element_type3A_98 = arith.extui %lt3A_97 : i1 to i32
      %cond3A_99 = arith.constant 0 : i32
      %cond3A_100 = arith.cmpi ne, %convert_element_type3A_98, %cond3A_99 : i32
      scf.if %cond3A_100 {
        %mul3A_113 = arith.constant 512 : i32
        %mul3A_114 = arith.muli %add3A_96, %mul3A_113 : i32
        %dma_wait3A_115 = tpu.memref_slice %arg6[%mul3A_114] : memref<10240xi32, #tpu.memory_space<vmem>> -> memref<512xi32, #tpu.memory_space<vmem>>
        %dma_wait3A_116 = arith.constant 0 : i32
        %dma_wait3A_117 = arith.constant 0 : i32
        %dma_wait3A_118 = tpu.memref_slice %arg13[%dma_wait3A_116, %dma_wait3A_117] : memref<10048x16xf32, #tpu.memory_space<vmem_shared>> -> memref<10048x16xf32, #tpu.memory_space<vmem_shared>>
        tpu.wait_indirect_dma semaphore(%arg15 : memref<!tpu.dma_semaphore, #tpu.memory_space<semaphore_mem>>) src(%dma_wait3A_118 : memref<10048x16xf32, #tpu.memory_space<vmem_shared>>) dst(%arg9 : memref<512x16xf32, #tpu.memory_space<vmem>>)
        %mul3A_119 = arith.constant 512 : i32
        %mul3A_120 = arith.muli %add3A_96, %mul3A_119 : i32
        "tpu.region"() ({
          %run_scoped3A = tpu.sem_alloc : memref<!tpu.dma_semaphore, #tpu.memory_space<semaphore_mem>>
          %dma_start3A_127 = tpu.memref_slice %arg7[%mul3A_120] : memref<10240xi32, #tpu.memory_space<vmem>> -> memref<512xi32, #tpu.memory_space<vmem>>
          %dma_start3A_128 = arith.constant 0 : i32
          %dma_start3A_129 = arith.constant 0 : i32
          %dma_start3A_130 = tpu.memref_slice %arg12[%dma_start3A_128, %dma_start3A_129] : memref<10048x16xf32, #tpu.memory_space<vmem_shared>> -> memref<10048x16xf32, #tpu.memory_space<vmem_shared>>
          tpu.enqueue_indirect_dma source(%arg9 : memref<512x16xf32, #tpu.memory_space<vmem>>) target(%dma_start3A_130 : memref<10048x16xf32, #tpu.memory_space<vmem_shared>>) offsets(%dma_start3A_127 : memref<512xi32, #tpu.memory_space<vmem>>) semaphore(%run_scoped3A : memref<!tpu.dma_semaphore, #tpu.memory_space<semaphore_mem>>) {add = true}
          %dma_wait3A_131 = tpu.memref_slice %arg7[%mul3A_120] : memref<10240xi32, #tpu.memory_space<vmem>> -> memref<512xi32, #tpu.memory_space<vmem>>
          %dma_wait3A_132 = arith.constant 0 : i32
          %dma_wait3A_133 = arith.constant 0 : i32
          %dma_wait3A_134 = tpu.memref_slice %arg12[%dma_wait3A_132, %dma_wait3A_133] : memref<10048x16xf32, #tpu.memory_space<vmem_shared>> -> memref<10048x16xf32, #tpu.memory_space<vmem_shared>>
          tpu.wait_indirect_dma semaphore(%run_scoped3A : memref<!tpu.dma_semaphore, #tpu.memory_space<semaphore_mem>>) src(%arg9 : memref<512x16xf32, #tpu.memory_space<vmem>>) dst(%dma_wait3A_134 : memref<10048x16xf32, #tpu.memory_space<vmem_shared>>)
          tpu.yield
        }) : () -> ()
        %add3A_121 = arith.constant 4 : i32
        %add3A_122 = arith.addi %add3A_96, %add3A_121 : i32
        %lt3A_123 = arith.cmpi slt, %add3A_122, %add3A_4 : i32
        %convert_element_type3A_124 = arith.extui %lt3A_123 : i1 to i32
        %cond3A_125 = arith.constant 0 : i32
        %cond3A_126 = arith.cmpi ne, %convert_element_type3A_124, %cond3A_125 : i32
        scf.if %cond3A_126 {
          %add3A_127 = arith.constant 4 : i32
          %add3A_128 = arith.addi %add3A_96, %add3A_127 : i32
          %mul3A_129 = arith.constant 512 : i32
          %mul3A_130 = arith.muli %add3A_128, %mul3A_129 : i32
          %dma_start3A_131 = tpu.memref_slice %arg6[%mul3A_130] : memref<10240xi32, #tpu.memory_space<vmem>> -> memref<512xi32, #tpu.memory_space<vmem>>
          %dma_start3A_132 = arith.constant 0 : i32
          %dma_start3A_133 = arith.constant 0 : i32
          %dma_start3A_134 = tpu.memref_slice %arg13[%dma_start3A_132, %dma_start3A_133] : memref<10048x16xf32, #tpu.memory_space<vmem_shared>> -> memref<10048x16xf32, #tpu.memory_space<vmem_shared>>
          tpu.enqueue_indirect_dma source(%dma_start3A_134 : memref<10048x16xf32, #tpu.memory_space<vmem_shared>>) target(%arg9 : memref<512x16xf32, #tpu.memory_space<vmem>>) offsets(%dma_start3A_131 : memref<512xi32, #tpu.memory_space<vmem>>) semaphore(%arg15 : memref<!tpu.dma_semaphore, #tpu.memory_space<semaphore_mem>>)
        } else {
        }
      } else {
      }
      %add3A_101 = arith.constant 2 : i32
      %add3A_102 = arith.addi %mul3A_90, %add3A_101 : i32
      %lt3A_103 = arith.cmpi slt, %add3A_102, %add3A_4 : i32
      %convert_element_type3A_104 = arith.extui %lt3A_103 : i1 to i32
      %cond3A_105 = arith.constant 0 : i32
      %cond3A_106 = arith.cmpi ne, %convert_element_type3A_104, %cond3A_105 : i32
      scf.if %cond3A_106 {
        %mul3A_113 = arith.constant 512 : i32
        %mul3A_114 = arith.muli %add3A_102, %mul3A_113 : i32
        %dma_wait3A_115 = tpu.memref_slice %arg6[%mul3A_114] : memref<10240xi32, #tpu.memory_space<vmem>> -> memref<512xi32, #tpu.memory_space<vmem>>
        %dma_wait3A_116 = arith.constant 0 : i32
        %dma_wait3A_117 = arith.constant 0 : i32
        %dma_wait3A_118 = tpu.memref_slice %arg13[%dma_wait3A_116, %dma_wait3A_117] : memref<10048x16xf32, #tpu.memory_space<vmem_shared>> -> memref<10048x16xf32, #tpu.memory_space<vmem_shared>>
        tpu.wait_indirect_dma semaphore(%arg16 : memref<!tpu.dma_semaphore, #tpu.memory_space<semaphore_mem>>) src(%dma_wait3A_118 : memref<10048x16xf32, #tpu.memory_space<vmem_shared>>) dst(%arg10 : memref<512x16xf32, #tpu.memory_space<vmem>>)
        %mul3A_119 = arith.constant 512 : i32
        %mul3A_120 = arith.muli %add3A_102, %mul3A_119 : i32
        "tpu.region"() ({
          %run_scoped3A = tpu.sem_alloc : memref<!tpu.dma_semaphore, #tpu.memory_space<semaphore_mem>>
          %dma_start3A_127 = tpu.memref_slice %arg7[%mul3A_120] : memref<10240xi32, #tpu.memory_space<vmem>> -> memref<512xi32, #tpu.memory_space<vmem>>
          %dma_start3A_128 = arith.constant 0 : i32
          %dma_start3A_129 = arith.constant 0 : i32
          %dma_start3A_130 = tpu.memref_slice %arg12[%dma_start3A_128, %dma_start3A_129] : memref<10048x16xf32, #tpu.memory_space<vmem_shared>> -> memref<10048x16xf32, #tpu.memory_space<vmem_shared>>
          tpu.enqueue_indirect_dma source(%arg10 : memref<512x16xf32, #tpu.memory_space<vmem>>) target(%dma_start3A_130 : memref<10048x16xf32, #tpu.memory_space<vmem_shared>>) offsets(%dma_start3A_127 : memref<512xi32, #tpu.memory_space<vmem>>) semaphore(%run_scoped3A : memref<!tpu.dma_semaphore, #tpu.memory_space<semaphore_mem>>) {add = true}
          %dma_wait3A_131 = tpu.memref_slice %arg7[%mul3A_120] : memref<10240xi32, #tpu.memory_space<vmem>> -> memref<512xi32, #tpu.memory_space<vmem>>
          %dma_wait3A_132 = arith.constant 0 : i32
          %dma_wait3A_133 = arith.constant 0 : i32
          %dma_wait3A_134 = tpu.memref_slice %arg12[%dma_wait3A_132, %dma_wait3A_133] : memref<10048x16xf32, #tpu.memory_space<vmem_shared>> -> memref<10048x16xf32, #tpu.memory_space<vmem_shared>>
          tpu.wait_indirect_dma semaphore(%run_scoped3A : memref<!tpu.dma_semaphore, #tpu.memory_space<semaphore_mem>>) src(%arg10 : memref<512x16xf32, #tpu.memory_space<vmem>>) dst(%dma_wait3A_134 : memref<10048x16xf32, #tpu.memory_space<vmem_shared>>)
          tpu.yield
        }) : () -> ()
        %add3A_121 = arith.constant 4 : i32
        %add3A_122 = arith.addi %add3A_102, %add3A_121 : i32
        %lt3A_123 = arith.cmpi slt, %add3A_122, %add3A_4 : i32
        %convert_element_type3A_124 = arith.extui %lt3A_123 : i1 to i32
        %cond3A_125 = arith.constant 0 : i32
        %cond3A_126 = arith.cmpi ne, %convert_element_type3A_124, %cond3A_125 : i32
        scf.if %cond3A_126 {
          %add3A_127 = arith.constant 4 : i32
          %add3A_128 = arith.addi %add3A_102, %add3A_127 : i32
          %mul3A_129 = arith.constant 512 : i32
          %mul3A_130 = arith.muli %add3A_128, %mul3A_129 : i32
          %dma_start3A_131 = tpu.memref_slice %arg6[%mul3A_130] : memref<10240xi32, #tpu.memory_space<vmem>> -> memref<512xi32, #tpu.memory_space<vmem>>
          %dma_start3A_132 = arith.constant 0 : i32
          %dma_start3A_133 = arith.constant 0 : i32
          %dma_start3A_134 = tpu.memref_slice %arg13[%dma_start3A_132, %dma_start3A_133] : memref<10048x16xf32, #tpu.memory_space<vmem_shared>> -> memref<10048x16xf32, #tpu.memory_space<vmem_shared>>
          tpu.enqueue_indirect_dma source(%dma_start3A_134 : memref<10048x16xf32, #tpu.memory_space<vmem_shared>>) target(%arg10 : memref<512x16xf32, #tpu.memory_space<vmem>>) offsets(%dma_start3A_131 : memref<512xi32, #tpu.memory_space<vmem>>) semaphore(%arg16 : memref<!tpu.dma_semaphore, #tpu.memory_space<semaphore_mem>>)
        } else {
        }
      } else {
      }
      %add3A_107 = arith.constant 3 : i32
      %add3A_108 = arith.addi %mul3A_90, %add3A_107 : i32
      %lt3A_109 = arith.cmpi slt, %add3A_108, %add3A_4 : i32
      %convert_element_type3A_110 = arith.extui %lt3A_109 : i1 to i32
      %cond3A_111 = arith.constant 0 : i32
      %cond3A_112 = arith.cmpi ne, %convert_element_type3A_110, %cond3A_111 : i32
      scf.if %cond3A_112 {
        %mul3A_113 = arith.constant 512 : i32
        %mul3A_114 = arith.muli %add3A_108, %mul3A_113 : i32
        %dma_wait3A_115 = tpu.memref_slice %arg6[%mul3A_114] : memref<10240xi32, #tpu.memory_space<vmem>> -> memref<512xi32, #tpu.memory_space<vmem>>
        %dma_wait3A_116 = arith.constant 0 : i32
        %dma_wait3A_117 = arith.constant 0 : i32
        %dma_wait3A_118 = tpu.memref_slice %arg13[%dma_wait3A_116, %dma_wait3A_117] : memref<10048x16xf32, #tpu.memory_space<vmem_shared>> -> memref<10048x16xf32, #tpu.memory_space<vmem_shared>>
        tpu.wait_indirect_dma semaphore(%arg17 : memref<!tpu.dma_semaphore, #tpu.memory_space<semaphore_mem>>) src(%dma_wait3A_118 : memref<10048x16xf32, #tpu.memory_space<vmem_shared>>) dst(%arg11 : memref<512x16xf32, #tpu.memory_space<vmem>>)
        %mul3A_119 = arith.constant 512 : i32
        %mul3A_120 = arith.muli %add3A_108, %mul3A_119 : i32
        "tpu.region"() ({
          %run_scoped3A = tpu.sem_alloc : memref<!tpu.dma_semaphore, #tpu.memory_space<semaphore_mem>>
          %dma_start3A_127 = tpu.memref_slice %arg7[%mul3A_120] : memref<10240xi32, #tpu.memory_space<vmem>> -> memref<512xi32, #tpu.memory_space<vmem>>
          %dma_start3A_128 = arith.constant 0 : i32
          %dma_start3A_129 = arith.constant 0 : i32
          %dma_start3A_130 = tpu.memref_slice %arg12[%dma_start3A_128, %dma_start3A_129] : memref<10048x16xf32, #tpu.memory_space<vmem_shared>> -> memref<10048x16xf32, #tpu.memory_space<vmem_shared>>
          tpu.enqueue_indirect_dma source(%arg11 : memref<512x16xf32, #tpu.memory_space<vmem>>) target(%dma_start3A_130 : memref<10048x16xf32, #tpu.memory_space<vmem_shared>>) offsets(%dma_start3A_127 : memref<512xi32, #tpu.memory_space<vmem>>) semaphore(%run_scoped3A : memref<!tpu.dma_semaphore, #tpu.memory_space<semaphore_mem>>) {add = true}
          %dma_wait3A_131 = tpu.memref_slice %arg7[%mul3A_120] : memref<10240xi32, #tpu.memory_space<vmem>> -> memref<512xi32, #tpu.memory_space<vmem>>
          %dma_wait3A_132 = arith.constant 0 : i32
          %dma_wait3A_133 = arith.constant 0 : i32
          %dma_wait3A_134 = tpu.memref_slice %arg12[%dma_wait3A_132, %dma_wait3A_133] : memref<10048x16xf32, #tpu.memory_space<vmem_shared>> -> memref<10048x16xf32, #tpu.memory_space<vmem_shared>>
          tpu.wait_indirect_dma semaphore(%run_scoped3A : memref<!tpu.dma_semaphore, #tpu.memory_space<semaphore_mem>>) src(%arg11 : memref<512x16xf32, #tpu.memory_space<vmem>>) dst(%dma_wait3A_134 : memref<10048x16xf32, #tpu.memory_space<vmem_shared>>)
          tpu.yield
        }) : () -> ()
        %add3A_121 = arith.constant 4 : i32
        %add3A_122 = arith.addi %add3A_108, %add3A_121 : i32
        %lt3A_123 = arith.cmpi slt, %add3A_122, %add3A_4 : i32
        %convert_element_type3A_124 = arith.extui %lt3A_123 : i1 to i32
        %cond3A_125 = arith.constant 0 : i32
        %cond3A_126 = arith.cmpi ne, %convert_element_type3A_124, %cond3A_125 : i32
        scf.if %cond3A_126 {
          %add3A_127 = arith.constant 4 : i32
          %add3A_128 = arith.addi %add3A_108, %add3A_127 : i32
          %mul3A_129 = arith.constant 512 : i32
          %mul3A_130 = arith.muli %add3A_128, %mul3A_129 : i32
          %dma_start3A_131 = tpu.memref_slice %arg6[%mul3A_130] : memref<10240xi32, #tpu.memory_space<vmem>> -> memref<512xi32, #tpu.memory_space<vmem>>
          %dma_start3A_132 = arith.constant 0 : i32
          %dma_start3A_133 = arith.constant 0 : i32
          %dma_start3A_134 = tpu.memref_slice %arg13[%dma_start3A_132, %dma_start3A_133] : memref<10048x16xf32, #tpu.memory_space<vmem_shared>> -> memref<10048x16xf32, #tpu.memory_space<vmem_shared>>
          tpu.enqueue_indirect_dma source(%dma_start3A_134 : memref<10048x16xf32, #tpu.memory_space<vmem_shared>>) target(%arg11 : memref<512x16xf32, #tpu.memory_space<vmem>>) offsets(%dma_start3A_131 : memref<512xi32, #tpu.memory_space<vmem>>) semaphore(%arg17 : memref<!tpu.dma_semaphore, #tpu.memory_space<semaphore_mem>>)
        } else {
        }
      } else {
      }
    }
    %scan3A_79 = arith.constant 5 : i32
    %barrier3A_80 = arith.constant 0 : index
    tpu.barrier barrier_id(%barrier3A_80)
    %mul3A_81 = arith.constant 628 : i32
    %mul3A_82 = arith.muli %arg1, %mul3A_81 : i32
    %mul3A_83 = arith.constant 10048 : i32
    %mul3A_84 = arith.muli %arg0, %mul3A_83 : i32
    %mul3A_85 = arith.constant 628 : i32
    %mul3A_86 = arith.muli %arg1, %mul3A_85 : i32
    %add3A_87 = arith.addi %mul3A_84, %mul3A_86 : i32
    "tpu.region"() ({
      %run_scoped3A = tpu.sem_alloc : memref<!tpu.dma_semaphore, #tpu.memory_space<semaphore_mem>>
      %dma_start3A_88 = arith.constant 0 : i32
      %dma_start3A_89 = tpu.memref_slice %arg5[%add3A_87, %dma_start3A_88] : memref<20096x16xf32, #tpu.memory_space<hbm>> -> memref<628x16xf32, #tpu.memory_space<hbm>>
      %dma_start3A_90 = arith.constant 0 : i32
      %dma_start3A_91 = tpu.memref_slice %arg12[%mul3A_82, %dma_start3A_90] : memref<10048x16xf32, #tpu.memory_space<vmem_shared>> -> memref<628x16xf32, #tpu.memory_space<vmem_shared>>
      tpu.enqueue_dma source(%dma_start3A_91 : memref<628x16xf32, #tpu.memory_space<vmem_shared>>) target(%dma_start3A_89 : memref<628x16xf32, #tpu.memory_space<hbm>>) target_semaphore(%run_scoped3A : memref<!tpu.dma_semaphore, #tpu.memory_space<semaphore_mem>>)
      %dma_wait3A_92 = arith.constant 0 : i32
      %dma_wait3A_93 = tpu.memref_slice %arg5[%add3A_87, %dma_wait3A_92] : memref<20096x16xf32, #tpu.memory_space<hbm>> -> memref<628x16xf32, #tpu.memory_space<hbm>>
      %dma_wait3A_94 = arith.constant 0 : i32
      %dma_wait3A_95 = tpu.memref_slice %arg12[%mul3A_82, %dma_wait3A_94] : memref<10048x16xf32, #tpu.memory_space<vmem_shared>> -> memref<628x16xf32, #tpu.memory_space<vmem_shared>>
      tpu.wait_dma2 semaphore(%run_scoped3A : memref<!tpu.dma_semaphore, #tpu.memory_space<semaphore_mem>>) src(%dma_wait3A_95 : memref<628x16xf32, #tpu.memory_space<vmem_shared>>) dst(%dma_wait3A_93 : memref<628x16xf32, #tpu.memory_space<hbm>>)
      tpu.yield
    }) : () -> ()
    return
  }
}

module attributes {stable_mosaic.version = 14 : i64} {
  func.func @_tc_pre(%arg0: memref<1256x1024xf32, #tpu.memory_space<vmem>>, %arg1: memref<1024x128xf32, #tpu.memory_space<vmem>>, %arg2: memref<2512x128xf32, #tpu.memory_space<vmem>>, %arg3: memref<1256x128xf32, #tpu.memory_space<vmem>>, %arg4: memref<1256x128xf32, #tpu.memory_space<vmem>>) attributes {dimension_semantics = [], scalar_prefetch = 0 : i64, scratch_operands = 0 : i64, tpu.core_type = #tpu.core_type<tc>} {
    %get3A = arith.constant 0 : index
    %get3A_0 = arith.constant 0 : index
    %get3A_1 = vector.load %arg2[%get3A, %get3A_0] : memref<2512x128xf32, #tpu.memory_space<vmem>>, vector<1256x128xf32>
    %get3A_2 = arith.constant 1256 : index
    %get3A_3 = arith.constant 0 : index
    %get3A_4 = vector.load %arg2[%get3A_2, %get3A_3] : memref<2512x128xf32, #tpu.memory_space<vmem>>, vector<1256x128xf32>
    %add3A = arith.addf %get3A_1, %get3A_4 : vector<1256x128xf32>
    %add3A_5 = arith.constant 1.000000e+00 : f32
    %add3A_6 = vector.broadcast %add3A_5 : f32 to vector<1256x128xf32>
    %add3A_7 = arith.addf %add3A, %add3A_6 : vector<1256x128xf32>
    %rsqrt3A = math.rsqrt %add3A_7 : vector<1256x128xf32>
    %get3A_8 = arith.constant 0 : index
    %get3A_9 = arith.constant 0 : index
    %get3A_10 = vector.load %arg0[%get3A_8, %get3A_9] : memref<1256x1024xf32, #tpu.memory_space<vmem>>, vector<1256x1024xf32>
    %get3A_11 = arith.constant 0 : index
    %get3A_12 = arith.constant 0 : index
    %get3A_13 = vector.load %arg1[%get3A_11, %get3A_12] : memref<1024x128xf32, #tpu.memory_space<vmem>>, vector<1024x128xf32>
    %dot_general3A = arith.constant dense<0.000000e+00> : vector<1256x128xf32>
    %dot_general3A_14 = tpu.matmul %get3A_10, %get3A_13, %dot_general3A {dimension_numbers = #tpu.dot_dimension_numbers<[1], [0], [0], [1], [0, 0, 1, 1], [], []>, transpose_lhs_hint = false} : vector<1256x1024xf32>, vector<1024x128xf32>, vector<1256x128xf32> -> vector<1256x128xf32>
    %mul3A = arith.mulf %rsqrt3A, %dot_general3A_14 : vector<1256x128xf32>
    %swap3A = arith.constant 0 : index
    %swap3A_15 = arith.constant 0 : index
    %swap3A_16 = vector.load %arg3[%swap3A, %swap3A_15] : memref<1256x128xf32, #tpu.memory_space<vmem>>, vector<1256x128xf32>
    tpu.vector_store %arg3[%swap3A, %swap3A_15], %mul3A {strides = array<i32>} : memref<1256x128xf32, #tpu.memory_space<vmem>>, vector<1256x128xf32>,
    %swap3A_17 = arith.constant 0 : index
    %swap3A_18 = arith.constant 0 : index
    %swap3A_19 = vector.load %arg4[%swap3A_17, %swap3A_18] : memref<1256x128xf32, #tpu.memory_space<vmem>>, vector<1256x128xf32>
    tpu.vector_store %arg4[%swap3A_17, %swap3A_18], %rsqrt3A {strides = array<i32>} : memref<1256x128xf32, #tpu.memory_space<vmem>>, vector<1256x128xf32>,
    return
  }
}

module attributes {stable_mosaic.version = 14 : i64} {
  func.func @_tc_mid(%arg0: memref<2512x128xf32, #tpu.memory_space<vmem>>, %arg1: memref<1256x128xf32, #tpu.memory_space<vmem>>, %arg2: memref<1256x128xf32, #tpu.memory_space<vmem>>, %arg3: memref<1x128xf32, #tpu.memory_space<vmem>>, %arg4: memref<128x128xf32, #tpu.memory_space<vmem>>, %arg5: memref<1256x128xf32, #tpu.memory_space<vmem>>) attributes {dimension_semantics = [], scalar_prefetch = 0 : i64, scratch_operands = 0 : i64, tpu.core_type = #tpu.core_type<tc>} {
    %get3A = arith.constant 0 : index
    %get3A_0 = arith.constant 0 : index
    %get3A_1 = vector.load %arg2[%get3A, %get3A_0] : memref<1256x128xf32, #tpu.memory_space<vmem>>, vector<1256x128xf32>
    %get3A_2 = arith.constant 0 : index
    %get3A_3 = arith.constant 0 : index
    %get3A_4 = vector.load %arg0[%get3A_2, %get3A_3] : memref<2512x128xf32, #tpu.memory_space<vmem>>, vector<1256x128xf32>
    %get3A_5 = arith.constant 1256 : index
    %get3A_6 = arith.constant 0 : index
    %get3A_7 = vector.load %arg0[%get3A_5, %get3A_6] : memref<2512x128xf32, #tpu.memory_space<vmem>>, vector<1256x128xf32>
    %add3A = arith.addf %get3A_4, %get3A_7 : vector<1256x128xf32>
    %get3A_8 = arith.constant 0 : index
    %get3A_9 = arith.constant 0 : index
    %get3A_10 = vector.load %arg1[%get3A_8, %get3A_9] : memref<1256x128xf32, #tpu.memory_space<vmem>>, vector<1256x128xf32>
    %add3A_11 = arith.addf %add3A, %get3A_10 : vector<1256x128xf32>
    %mul3A = arith.mulf %get3A_1, %add3A_11 : vector<1256x128xf32>
    %get3A_12 = arith.constant 0 : index
    %get3A_13 = arith.constant 0 : index
    %get3A_14 = vector.load %arg3[%get3A_12, %get3A_13] : memref<1x128xf32, #tpu.memory_space<vmem>>, vector<1x128xf32>
    %add3A_15 = vector.broadcast %get3A_14 : vector<1x128xf32> to vector<1256x128xf32>
    %add3A_16 = arith.addf %mul3A, %add3A_15 : vector<1256x128xf32>
    %max3A = arith.constant 0.000000e+00 : f32
    %max3A_17 = vector.broadcast %max3A : f32 to vector<1256x128xf32>
    %max3A_18 = arith.maximumf %add3A_16, %max3A_17 : vector<1256x128xf32>
    %get3A_19 = arith.constant 0 : index
    %get3A_20 = arith.constant 0 : index
    %get3A_21 = vector.load %arg4[%get3A_19, %get3A_20] : memref<128x128xf32, #tpu.memory_space<vmem>>, vector<128x128xf32>
    %dot_general3A = arith.constant dense<0.000000e+00> : vector<1256x128xf32>
    %dot_general3A_22 = tpu.matmul %max3A_18, %get3A_21, %dot_general3A {dimension_numbers = #tpu.dot_dimension_numbers<[1], [0], [0], [1], [0, 0, 1, 1], [], []>, transpose_lhs_hint = false} : vector<1256x128xf32>, vector<128x128xf32>, vector<1256x128xf32> -> vector<1256x128xf32>
    %mul3A_23 = arith.mulf %get3A_1, %dot_general3A_22 : vector<1256x128xf32>
    %swap3A = arith.constant 0 : index
    %swap3A_24 = arith.constant 0 : index
    %swap3A_25 = vector.load %arg5[%swap3A, %swap3A_24] : memref<1256x128xf32, #tpu.memory_space<vmem>>, vector<1256x128xf32>
    tpu.vector_store %arg5[%swap3A, %swap3A_24], %mul3A_23 {strides = array<i32>} : memref<1256x128xf32, #tpu.memory_space<vmem>>, vector<1256x128xf32>,
    return
  }
}

module attributes {stable_mosaic.version = 14 : i64} {
  func.func @_tc_post(%arg0: memref<2512x128xf32, #tpu.memory_space<vmem>>, %arg1: memref<1256x128xf32, #tpu.memory_space<vmem>>, %arg2: memref<1256x128xf32, #tpu.memory_space<vmem>>, %arg3: memref<1x128xf32, #tpu.memory_space<vmem>>, %arg4: memref<1256x128xf32, #tpu.memory_space<vmem>>) attributes {dimension_semantics = [], scalar_prefetch = 0 : i64, scratch_operands = 0 : i64, tpu.core_type = #tpu.core_type<tc>} {
    %get3A = arith.constant 0 : index
    %get3A_0 = arith.constant 0 : index
    %get3A_1 = vector.load %arg2[%get3A, %get3A_0] : memref<1256x128xf32, #tpu.memory_space<vmem>>, vector<1256x128xf32>
    %get3A_2 = arith.constant 0 : index
    %get3A_3 = arith.constant 0 : index
    %get3A_4 = vector.load %arg0[%get3A_2, %get3A_3] : memref<2512x128xf32, #tpu.memory_space<vmem>>, vector<1256x128xf32>
    %get3A_5 = arith.constant 1256 : index
    %get3A_6 = arith.constant 0 : index
    %get3A_7 = vector.load %arg0[%get3A_5, %get3A_6] : memref<2512x128xf32, #tpu.memory_space<vmem>>, vector<1256x128xf32>
    %add3A = arith.addf %get3A_4, %get3A_7 : vector<1256x128xf32>
    %get3A_8 = arith.constant 0 : index
    %get3A_9 = arith.constant 0 : index
    %get3A_10 = vector.load %arg1[%get3A_8, %get3A_9] : memref<1256x128xf32, #tpu.memory_space<vmem>>, vector<1256x128xf32>
    %add3A_11 = arith.addf %add3A, %get3A_10 : vector<1256x128xf32>
    %mul3A = arith.mulf %get3A_1, %add3A_11 : vector<1256x128xf32>
    %get3A_12 = arith.constant 0 : index
    %get3A_13 = arith.constant 0 : index
    %get3A_14 = vector.load %arg3[%get3A_12, %get3A_13] : memref<1x128xf32, #tpu.memory_space<vmem>>, vector<1x128xf32>
    %add3A_15 = vector.broadcast %get3A_14 : vector<1x128xf32> to vector<1256x128xf32>
    %add3A_16 = arith.addf %mul3A, %add3A_15 : vector<1256x128xf32>
    %swap3A = arith.constant 0 : index
    %swap3A_17 = arith.constant 0 : index
    %swap3A_18 = vector.load %arg4[%swap3A, %swap3A_17] : memref<1256x128xf32, #tpu.memory_space<vmem>>, vector<1256x128xf32>
    tpu.vector_store %arg4[%swap3A, %swap3A_17], %add3A_16 {strides = array<i32>} : memref<1256x128xf32, #tpu.memory_space<vmem>>, vector<1256x128xf32>,
    return
  }
}

</mosaic_0001>

<sc_bundles>
// kernel: kernel.11.cloned.1.call-start
scs
__scs_entry_jumppad:
0x0: {  	(pc) =	sbr.rel $0x88, $3  }
0x1: {  	(tag) =	ssettag $0x0;
	lr =	simm.s32 $0x1  }
0x2: {  	[smem:$0x3F9B] =	sst lr;
	_ =	strace $0xD0000000  }
0x3: {  	_ = 	snop  }
0x4: {  	_ = 	snop  }
0x5: {  	_ = 	snop  }
0x6: {  	_ = 	snop  }
0x7: {  	_ = 	snop  }
__scs_overlays_trampoline_lowered:
0x8: {  	[smem:$0x3FAA] =	sst s0  }
0x9: {  	[smem:$0x3FAB] =	sst s1  }
0xa: {  	[smem:$0x3FAC] =	sst s2  }
0xb: {  	[smem:$0x3FAD] =	sst s3  }
0xc: {  	[smem:$0x3FAE] =	sst s4  }
0xd: {  	[smem:$0x3FAF] =	sst s5  }
0xe: {  	[smem:$0x3FB0] =	sst s6  }
0xf: {  	[smem:$0x3FB1] =	sst s7  }
0x10: {  	[smem:$0x3FB2] =	sst s8  }
0x11: {  	[smem:$0x3FB3] =	sst s9;
	s0 =	simm.s32 @!p0 $0x0  }
0x12: {  	s1 =	sld [smem:$0x3F99];
	s0 =	simm.s32 @p0 $0x1  }
0x13: {  	[smem:$0x3FB4] =	sst s0;
	s0 =	simm.s32 @!p1 $0x0  }
0x14: {  	s2 =	sld [smem:$0x3F98];
	s0 =	simm.s32 @p1 $0x1  }
0x15: {  	[smem:$0x3FB5] =	sst s0;
	s0 =	simm.s32 @!p2 $0x0  }
0x16: {  	s3 =	sld [smem:$0x3FDB];
	s0 =	simm.s32 @p2 $0x1  }
0x17: {  	s4 =	simm.s32 $0x1BF5;
	[smem:$0x3FB7] =	sst s0  }
0x18: {  	s0 =	sld [smem:$0x3F9A];
	_ =	swait.ge [sflag:s4], $0x0  }
0x19: {  	s7 =	sld [smem:$0x3F9B]  }
0x1a: {  	s8 =	sadd.s32 $0xFFFFE003, lr  }
0x1b: {  	s9 =	sadd.s32 $0xFFFFFEF7, lr;
	s5 =	simm.s32 $0xFFFFFFFF;
	p2 =	slt.u32 s8, $0xFFFFF086  }
0x1c: {  	p1 =	slt.u32 s9, $0xF7A;
	s5 =	simm.s32 @!p2 $0x0  }
0x1d: {  	s5 =	simm.s32 @p1 $0x1;
	p0 =	seq.s32 s7, s2  }
0x1e: {  	s7 =	smul.u32 @!p0 $0xF7A, s2;
	p2 =	seq.s32 @!p0 s5, $0x0  }
0x1f: {  	s9 =	smul.u32 $0xF7A, s1;
	s8 =	simm.s32 @!p0 $0x1BF5;
	p2 =	por !p2, p0  }
0x20: {  	[sflag:s8] =	ssyncset.s32 @!p0 $0xFFFFF086;
	s6 =	sadd.s32 @!p0 s3, s7;
	s7 =	simm.s32 @!p0 $0x108  }
0x21: {  	s3 =	sadd.s32 s3, s9;
	s6 =	sadd.s32 @!p0 $0x88, s6;
	s7 =	simm.s32 @p2 $0x1082  }
0x22: {  	[simem:s7], [sflag:s8] =	dma.local @!p0 [hbm:s6], $0xF7A  }
0x23: {  	s9 =	sor.u32 $0xD0000000, s2;
	s6 =	simm.s32 $0x108;
	_ =	swait.ge @!p0 [sflag:s8], $0x0  }
0x24: {  	s3 =	sadd.s32 $0x88, s3;
	s6 =	simm.s32 @!p1 $0x1082;
	[sflag:s4] =	ssyncset.s32 $0xFFFFF086  }
0x25: {  	[simem:s6], [sflag:s4] =	dma.local [hbm:s3], $0xF7A  }
0x26: {  	[smem:$0x3F9B] =	sst s1;
	(tag) =	ssettag s2;
	_ =	strace s9  }
0x27: {  	s1 =	sld [smem:$0x3FAB]  }
0x28: {  	s2 =	sld [smem:$0x3FAC]  }
0x29: {  	s4 =	sld [smem:$0x3FAE]  }
0x2a: {  	p0 =	seq.s32 s5, $0x0;
	s5 =	sld [smem:$0x3FAF]  }
0x2b: {  	s6 =	sld [smem:$0x3FB0]  }
0x2c: {  	s7 =	sld [smem:$0x3FB1]  }
0x2d: {  	s3 =	simm.s32 $0x108;
	s8 =	sld [smem:$0x3FB2]  }
0x2e: {  	s3 =	simm.s32 @!p0 $0x1082;
	s9 =	sld [smem:$0x3FB3]  }
0x2f: {  	lr =	sadd.s32 s0, s3;
	s0 =	sld [smem:$0x3FAA]  }
0x30: {  	s3 =	sld [smem:$0x3FAD]  }
0x31: {  	[smem:$0x3FB6] =	sst s10  }
0x32: {  	s10 =	sld [smem:$0x3FB4];
	_ =	sdelay $0x3  }
0x33: {  	p0 =	seq.s32 s10, $0x1;
	s10 =	sld [smem:$0x3FB6];
	_ =	sdelay $0x3  }
0x34: {  	[smem:$0x3FB6] =	sst s10  }
0x35: {  	s10 =	sld [smem:$0x3FB5];
	_ =	sdelay $0x3  }
0x36: {  	p1 =	seq.s32 s10, $0x1;
	s10 =	sld [smem:$0x3FB6];
	_ =	sdelay $0x3  }
0x37: {  	[smem:$0x3FB6] =	sst s10  }
0x38: {  	s10 =	sld [smem:$0x3FB7]  }
0x39: {  	_ = 	snop;
	(pc) =	sbr.ind lr, $3  }
0x3a: {  	_ = 	snop  }
0x3b: {  	_ = 	snop  }
0x3c: {  	p2 =	seq.s32 s10, $0x1;
	s10 =	sld [smem:$0x3FB6]  }
0x3d: {  	_ =	shalt  }
0x3e: {  	_ =	shalt  }
0x3f: {  	_ =	shalt  }
0x40: {  	_ =	shalt  }
0x41: {  	_ =	shalt  }
0x42: {  	_ =	shalt  }
0x43: {  	_ =	shalt  }
0x44: {  	_ =	shalt  }
0x45: {  	_ =	shalt  }
0x46: {  	_ =	shalt  }
0x47: {  	_ =	shalt  }
0x48: {  	_ =	shalt  }
0x49: {  	_ =	shalt  }
0x4a: {  	_ =	shalt  }
0x4b: {  	_ =	shalt  }
0x4c: {  	_ =	shalt  }
0x4d: {  	_ =	shalt  }
0x4e: {  	_ =	shalt  }
0x4f: {  	_ =	shalt  }
0x50: {  	_ =	shalt  }
0x51: {  	_ =	shalt  }
0x52: {  	_ =	shalt  }
0x53: {  	_ =	shalt  }
0x54: {  	_ =	shalt  }
0x55: {  	_ =	shalt  }
0x56: {  	_ =	shalt  }
0x57: {  	_ =	shalt  }
0x58: {  	_ =	shalt  }
0x59: {  	_ =	shalt  }
0x5a: {  	_ =	shalt  }
0x5b: {  	_ =	shalt  }
0x5c: {  	_ =	shalt  }
0x5d: {  	_ =	shalt  }
0x5e: {  	_ =	shalt  }
0x5f: {  	_ =	shalt  }
0x60: {  	_ =	shalt  }
0x61: {  	_ =	shalt  }
0x62: {  	_ =	shalt  }
0x63: {  	_ =	shalt  }
0x64: {  	_ =	shalt  }
0x65: {  	_ =	shalt  }
0x66: {  	_ =	shalt  }
0x67: {  	_ =	shalt  }
0x68: {  	_ =	shalt  }
0x69: {  	_ =	shalt  }
0x6a: {  	_ =	shalt  }
0x6b: {  	_ =	shalt  }
0x6c: {  	_ =	shalt  }
0x6d: {  	_ =	shalt  }
0x6e: {  	_ =	shalt  }
0x6f: {  	_ =	shalt  }
0x70: {  	_ =	shalt  }
0x71: {  	_ =	shalt  }
0x72: {  	_ =	shalt  }
0x73: {  	_ =	shalt  }
0x74: {  	_ =	shalt  }
0x75: {  	_ =	shalt  }
0x76: {  	_ =	shalt  }
0x77: {  	_ =	shalt  }
0x78: {  	_ =	shalt  }
0x79: {  	_ =	shalt  }
0x7a: {  	_ =	shalt  }
0x7b: {  	_ =	shalt  }
0x7c: {  	_ =	shalt  }
0x7d: {  	_ =	shalt  }
0x7e: {  	_ =	shalt  }
0x7f: {  	_ =	shalt  }
0x80: {  	_ =	shalt  }
0x81: {  	_ =	shalt  }
0x82: {  	_ =	shalt  }
0x83: {  	_ =	shalt  }
0x84: {  	_ =	shalt  }
0x85: {  	_ =	shalt  }
0x86: {  	_ =	shalt  }
0x87: {  	_ =	shalt  }
.Lfunc_end0:
.L_simem_size_0:
called_computation.1_lowered:
.L_overlay_start_0:
0x88: {  	s2 =	sld [smem:$0x3FD9]  }
0x89: {  	s3 =	sld [smem:$0x3FFE];
	_ =	sdelay $0x1  }
0x8a: {  	s1 =	srdreg.scid  }
0x8b: {  	s0 =	sand.u32 $0x1, s1  }
0x8c: {  	s17 =	sshll.u32 s0, $0xA;
	s2 =	sadd.s32 s3, s2  }
0x8d: {  	s2 =	sadd.s32 s2, s17  }
0x8e: {  	[smem:$0x3FC2] =	sst s2  }
0x8f: {  	_ = 	snop  }
0x90: {  	s2 =	sld [smem:$0x3FD0];
	(tm) =	ssettm $0x1  }
0x91: {  	s18 =	sld [smem:$0x3FFB];
	_ =	sdelay $0x3  }
0x92: {  	_ =	strace s18  }
0x93: {  	s3 =	sld [smem:$0x3FFC];
	_ =	sdelay $0x3  }
0x94: {  	_ =	strace s3  }
0x95: {  	s3 =	sld [smem:$0x3FFD];
	_ =	sdelay $0x3  }
0x96: {  	_ =	strace s3  }
0x97: {  	_ =	strace $0x8FFFFFFF  }
0x98: {  	s19 =	sld [smem:$0x3FDB];
	_ =	sdelay $0x1  }
0x99: {  	s4 =	simm.s32 $_scs_section_size  }
0x9a: {  	s5 =	simm.s32 $_size__tile_overlayer_lowered;
	s6 =	simm.s32 $_tile_overlayer_lowered  }
0x9b: {  	s22 =	simm.s32 $0x1BFF;
	s21 =	sshll.u32 s6, $0x1;
	s3 =	sadd.s32 s4, s19  }
0x9c: {  	s7 =	simm.s32 $0x0;
	s20 =	sshll.u32 s5, $0x1;
	s5 =	sadd.s32 s21, s3  }
0x9d: {  	[timem:s7], [sflag:s22] =	dma.local [hbm:s5], s20  }
0x9e: {  	_ =	swait.ge [sflag:s22], s20  }
0x9f: {  	s4 =	ssub.s32 $0x0, s20;
	[sflag:s22] =	ssyncset.done $0x0  }
0xa0: {  	[sflag:s22] =	ssyncadd.s32 s4;
	_ =	sdelay $0x1  }
0xa1: {  	s23 =	simm.s32 $0x1B8B  }
0xa2: {  	_ =	swait.ge [sflag:s23], $0x1  }
0xa3: {  	[sflag:s23] =	ssyncset.done $0x0  }
0xa4: {  	s25 =	simm.s32 $0x1B8E;
	s24 =	sld [smem:$0x3FFE];
	[sflag:s23] =	ssyncadd.s32 $0xFFFFFFFF  }
0xa5: {  	s26 =	simm.s32 $execute0_lowered;
	[smem:$0x3FD2] =	sst s25  }
0xa6: {  	s5 =	sshll.u32 s26, $0x1;
	_ =	strace $0x80000049;
	[dreg:$0x1] =	wrdreg $0xFFFFFFFF  }
0xa7: {  	s28 =	simm.s32 $_size_execute0_lowered;
	s3 =	sadd.s32 s3, s5;
	[dreg:$0x0] =	wrdreg $0x0  }
0xa8: {  	s5 =	sshll.u32 s28, $0x1;
	[dreg:$0x2] =	wrdreg s3  }
0xa9: {  	[dreg:$0x3] =	wrdreg s5  }
0xaa: {  	[dreg:$0x4] =	wrdreg $0xC0  }
0xab: {  	_ =	task [dreg:s7], $0x5FFFF  }
0xac: {  	[dreg:$0x1] =	wrdreg $0xFFFFFFFF  }
0xad: {  	[dreg:$0x0] =	wrdreg $0x60  }
0xae: {  	[dreg:$0x2] =	wrdreg s24  }
0xaf: {  	[dreg:$0x3] =	wrdreg s2  }
0xb0: {  	[dreg:$0x4] =	wrdreg $0xF7400  }
0xb1: {  	[dreg:$0x5] =	wrdreg $0xD0000  }
0xb2: {  	[dreg:$0x6] =	wrdreg $0x9  }
0xb3: {  	_ =	task.clear_ibuf [dreg:s7], $0x7FFFF;
	_ =	strace $0x90000049  }
0xb4: {  	s29 =	simm.s32 $0x9;
	_ =	strace $0x8000004B  }
0xb5: {  	_ =	swait.ge [sflag:s29], $0x1  }
0xb6: {  	[sflag:s29] =	ssyncadd.s32 $0xFFFFFFFF  }
0xb7: {  	_ =	strace $0x9000004B  }
0xb8: {  	_ =	sfence  }
0xb9: {  	s30 =	sld [smem:$0x0];
	_ =	sdelay $0x2  }
0xba: {  	s31 =	sshll.u32 s1, $0xD;
	s1 =	sshrl.u32 s1, $0x2  }
0xbb: {  	s3 =	sand.u32 $0x4000, s31;
	s1 =	sadd.s32 s1, s30  }
0xbc: {  	s0 =	sor.u32 s3, s0;
	s1 =	sshll.u32 s1, $0x11  }
0xbd: {  	s0 =	sor.u32 s1, s0  }
0xbe: {  	s0 =	sadd.s32 $0x8F2B, s0  }
0xbf: {  	[sflag:s0] =	ssyncadd.remote.s32 $0x1  }
0xc0: {  	_ =	sfence.sel $0xFFFF  }
0xc1: {  	[dreg:$0x0] =	wrdreg $0xFFFFFFFF;
	(pc) =	sbr.abs _section_cstart, $3  }
0xc2: {  	[dreg:$0x1] =	wrdreg $0xFFFFFFFF  }
0xc3: {  	_ =	task.clear_ibuf [dreg:s7], $0x2FFFF;
	_ =	strace $0x9FFFFFFF  }
0xc4: {  	(tm) =	ssettm $0x7FFFFFFF  }
0xc5: {  	_ =	shalt  }
tec
execute0_lowered:
.L_overlay_start_1:
0x0: {  	(tag) =	ssettag $0x1  }
0x1: {  	s0 =	srdreg.scid;
	s5 =	rddreg [dreg:$0x0]  }
0x2: {  	s15 =	rddreg [dreg:$0x1];
	s13 =	stileid.u32  }
0x3: {  	s2 =	rddreg [dreg:$0x2];
	s4 =	simm.s32 $0x0;
	s1 =	sand.u32 $0x1, s0  }
0x4: {  	[smem:$0x7FF] =	sst s4;
	s31 =	sshll.u32 s13, $0x6;
	s3 =	sshll.u32 s1, $0x4  }
0x5: {  	s19 =	sor.u32 $0x1C05, s31;
	s21 =	sor.u32 s13, s3;
	s3 =	rddreg [dreg:$0x3]  }
0x6: {  	s24 =	sor.u32 $0x1C06, s31;
	_ =	strace $0x8000004A;
	[dreg:$0x8] =	wrdreg s19  }
0x7: {  	s25 =	simm.s32 $0x400;
	[dreg:$0xc] =	wrdreg s24  }
0x8: {  	s26 =	simm.s32 $0x600;
	[dreg:$0xd] =	wrdreg s25  }
0x9: {  	s14 =	simm.s32 $0x1000;
	s6 =	smul.u32 $0x2740, s13;
	[dreg:$0xe] =	wrdreg s26  }
0xa: {  	s10 =	smul.u32 $0x4E8, s13;
	s13 =	simm.s32 $0x3000;
	[dreg:$0x17] =	wrdreg s14  }
0xb: {  	s19 =	simm.s32 $0x3600;
	[dreg:$0x16] =	wrdreg s13  }
0xc: {  	s24 =	simm.s32 $0x3A00;
	[dreg:$0x1c] =	wrdreg s19  }
0xd: {  	s12 =	smul.u32 $0x4E80, s1;
	s25 =	simm.s32 $0x1A00;
	[smem:$0x7F3] =	sst s24  }
0xe: {  	s16 =	sshrl.u32 s6, $0x3;
	s26 =	simm.s32 $0x3C00;
	[smem:$0x7F4] =	sst s25  }
0xf: {  	s20 =	sadd.s32 s6, s2;
	s0 =	sadd.s32 s15, s16;
	[smem:$0x7F5] =	sst s26  }
0x10: {  	s23 =	sshrl.u32 s20, $0x3;
	[dreg:$0x9] =	wrdreg s0  }
0x11: {  	s18 =	sadd.s32 s10, s12;
	s10 =	simm.s32 $0xC00;
	[dreg:$0xb] =	wrdreg s23  }
0x12: {  	s12 =	simm.s32 $0xE00;
	[dreg:$0x13] =	wrdreg s10  }
0x13: {  	s15 =	simm.s32 $0x3200;
	[dreg:$0x15] =	wrdreg s12  }
0x14: {  	s9 =	sadd.s32 s16, s5;
	s16 =	simm.s32 $0x1200;
	[dreg:$0x18] =	wrdreg s15  }
0x15: {  	s20 =	simm.s32 $0x1600;
	[dreg:$0x19] =	wrdreg s16  }
0x16: {  	[dreg:$0x1d] =	wrdreg s20  }
0x17: {  	s17 =	sadd.s32 $0x16600, s9;
	s16 =	rddreg [dreg:$0x8]  }
0x18: {  	s9 =	simm.s32 $0x2C00;
	[dreg:$0x7] =	wrdreg s17  }
0x19: {  	s23 =	simm.s32 $0x1800;
	[dreg:$0x12] =	wrdreg s9  }
0x1a: {  	s10 =	simm.s32 $0x2000;
	[dreg:$0x1f] =	wrdreg s23  }
0x1b: {  	s7 =	smul.u32 $0x13, s21;
	s12 =	simm.s32 $0x2200;
	[smem:$0x7FA] =	sst s10  }
0x1c: {  	s8 =	smin.u32 s21, $0x11;
	[smem:$0x7FC] =	sst s12  }
0x1d: {  	s7 =	sadd.s32 s8, s7;
	s8 =	simm.s32 $0xA00;
	s13 =	rddreg [dreg:$0xb]  }
0x1e: {  	s17 =	simm.s32 $0x3400;
	[dreg:$0x11] =	wrdreg s8  }
0x1f: {  	s9 =	simm.s32 $0x4000;
	[dreg:$0x1a] =	wrdreg s17  }
0x20: {  	[smem:$0x7F9] =	sst s9  }
0x21: {  	s7 =	sshll.u32 s7, $0x6;
	s8 =	simm.s32 $0x1E00;
	s14 =	rddreg [dreg:$0x7]  }
0x22: {  	s17 =	simm.s32 $0x4400;
	s7 =	sadd.s32 s7, s5;
	[smem:$0x7F8] =	sst s8  }
0x23: {  	s5 =	sadd.s32 s18, s5;
	s18 =	simm.s32 $0x1400;
	[smem:$0x7FD] =	sst s17  }
0x24: {  	s11 =	sadd.s32 $0x2C00, s7;
	[dreg:$0x1b] =	wrdreg s18  }
0x25: {  	s7 =	sadd.s32 $0xC840, s7;
	[dreg:$0x5] =	wrdreg s11  }
0x26: {  	s22 =	sadd.s32 $0x1B600, s5;
	[dreg:$0x6] =	wrdreg s7  }
0x27: {  	s5 =	simm.s32 $0x800;
	[dreg:$0xa] =	wrdreg s22  }
0x28: {  	[dreg:$0xf] =	wrdreg s5;
	s7 =	simm.s32 $0x2A00  }
0x29: {  	s11 =	simm.s32 $0x2E00;
	[dreg:$0x10] =	wrdreg s7  }
0x2a: {  	s22 =	simm.s32 $0x3800;
	[dreg:$0x14] =	wrdreg s11  }
0x2b: {  	s5 =	simm.s32 $0x1C00;
	[dreg:$0x1e] =	wrdreg s22  }
0x2c: {  	[smem:$0x7F6] =	sst s5  }
0x2d: {  	s15 =	rddreg [dreg:$0x5]  }
0x2e: {  	s7 =	simm.s32 $0x3E00;
	s18 =	rddreg [dreg:$0x6]  }
0x2f: {  	s11 =	simm.s32 $0x4200;
	[smem:$0x7F7] =	sst s7  }
0x30: {  	[tilespmem:s4], [sflag:$0x1] =	stream.linear.gather [hbm4b:s15+s4], $0x2800, $0x38;
	[tilespmem:$0x11E80] =	vst v63  }
0x31: {  	s5 =	simm.s32 $0x2800;
	[smem:$0x7FB] =	sst s11  }
0x32: {  	[tilespmem:s5], [sflag:$0x2] =	stream.linear.gather [hbm4b:s18+s4], $0x2800, $0x38;
	[tilespmem:$0x11E80] =	vst v63  }
0x33: {  	[spmem:s13], [sflag:s16] =	dma.local [hbm:s14], $0x4E8  }
0x34: {  	s6 =	sadd.s32 s6, s3;
	s0 =	rddreg [dreg:$0x9]  }
0x35: {  	s6 =	sshrl.u32 s6, $0x3;
	s7 =	simm.s32 $0x1;
	s8 =	rddreg [dreg:$0xc]  }
0x36: {  	[spmem:s6], [sflag:s8] =	dma.local [hbm:s0], $0x4E8  }
0x37: {  	_ =	swait.ge [sflag:s7], $0x2800  }
0x38: {  	[sflag:s7] =	ssyncset.done $0x0  }
0x39: {  	s8 =	simm.s32 $0x2;
	[sflag:s7] =	ssyncadd.s32 $0xFFFFD800  }
0x3a: {  	_ =	swait.ge [sflag:s8], $0x2800  }
0x3b: {  	[sflag:s8] =	ssyncset.done $0x0  }
0x3c: {  	s9 =	simm.s32 $0x5;
	[sflag:s8] =	ssyncadd.s32 $0xFFFFD800  }
0x3d: {  	_ =	swait.ge [sflag:s9], $0x4E8  }
0x3e: {  	[sflag:s9] =	ssyncset.done $0x0  }
0x3f: {  	s10 =	simm.s32 $0x6;
	[sflag:s9] =	ssyncadd.s32 $0xFFFFFB18  }
0x40: {  	_ =	swait.ge [sflag:s10], $0x4E8  }
0x41: {  	[sflag:s10] =	ssyncset.done $0x0  }
0x42: {  	[sflag:s10] =	ssyncadd.s32 $0xFFFFFB18  }
0x43: {  	s12 =	simm.s32 $0x5000;
	s11 =	simm.s32 $0x200;
	[bflag:$0x0] =	sbarrier.arrive $0xFFFF  }
0x44: {  	[tilespmem:s12], [sflag:$0x1] =	stream.indirect.gather [spmem:s2], $0x10, s4, s11, $0xb8;
	[tilespmem:$0x11E80] =	vst v63  }
0x45: {  	s13 =	simm.s32 $0x7000  }
0x46: {  	[tilespmem:s13], [sflag:$0x2] =	stream.indirect.gather [spmem:s2], $0x10, s11, s11, $0xb8;
	[tilespmem:$0x11E80] =	vst v63  }
0x47: {  	s15 =	simm.s32 $0x9000;
	s19 =	rddreg [dreg:$0xd]  }
0x48: {  	[tilespmem:s15], [sflag:$0x3] =	stream.indirect.gather [spmem:s2], $0x10, s19, s11, $0xb8;
	[tilespmem:$0x11E80] =	vst v63  }
0x49: {  	s16 =	simm.s32 $0xB000;
	s14 =	rddreg [dreg:$0xe]  }
0x4a: {  	[tilespmem:s16], [sflag:$0x4] =	stream.indirect.gather [spmem:s2], $0x10, s14, s11, $0xb8;
	[tilespmem:$0x11E80] =	vst v63  }
0x4b: {  	_ =	swait.ge [sflag:s7], $0x2000  }
0x4c: {  	[sflag:s7] =	ssyncset.done $0x0  }
0x4d: {  	s14 =	simm.s32 $0x7;
	[sflag:s7] =	ssyncadd.s32 $0xFFFFE000  }
0x4e: {  	[spmem:s3] =	stream.indirect.scatter.add.f32 [tilespmem:s12], [sflag:$0x7], $0x10, s5, s11, $0xb8;
	[tilespmem:$0x11E80] =	vst v63  }
0x4f: {  	_ =	swait.ge [sflag:s14], $0x2000  }
0x50: {  	[sflag:s14] =	ssyncset.done $0x0  }
0x51: {  	s20 =	rddreg [dreg:$0xf];
	[sflag:s14] =	ssyncadd.s32 $0xFFFFE000  }
0x52: {  	[tilespmem:s12], [sflag:$0x1] =	stream.indirect.gather [spmem:s2], $0x10, s20, s11, $0xb8;
	[tilespmem:$0x11E80] =	vst v63  }
0x53: {  	_ =	swait.ge [sflag:s8], $0x2000  }
0x54: {  	[sflag:s8] =	ssyncset.done $0x0  }
0x55: {  	s22 =	rddreg [dreg:$0x10];
	[sflag:s8] =	ssyncadd.s32 $0xFFFFE000  }
0x56: {  	[spmem:s3] =	stream.indirect.scatter.add.f32 [tilespmem:s13], [sflag:$0x7], $0x10, s22, s11, $0xb8;
	[tilespmem:$0x11E80] =	vst v63  }
0x57: {  	_ =	swait.ge [sflag:s14], $0x2000  }
0x58: {  	[sflag:s14] =	ssyncset.done $0x0  }
0x59: {  	s17 =	simm.s32 $0x3;
	s23 =	rddreg [dreg:$0x11];
	[sflag:s14] =	ssyncadd.s32 $0xFFFFE000  }
0x5a: {  	[tilespmem:s13], [sflag:$0x2] =	stream.indirect.gather [spmem:s2], $0x10, s23, s11, $0xb8;
	[tilespmem:$0x11E80] =	vst v63  }
0x5b: {  	_ =	swait.ge [sflag:s17], $0x2000  }
0x5c: {  	[sflag:s17] =	ssyncset.done $0x0  }
0x5d: {  	s24 =	rddreg [dreg:$0x12];
	[sflag:s17] =	ssyncadd.s32 $0xFFFFE000  }
0x5e: {  	[spmem:s3] =	stream.indirect.scatter.add.f32 [tilespmem:s15], [sflag:$0x7], $0x10, s24, s11, $0xb8;
	[tilespmem:$0x11E80] =	vst v63  }
0x5f: {  	_ =	swait.ge [sflag:s14], $0x2000  }
0x60: {  	[sflag:s14] =	ssyncset.done $0x0  }
0x61: {  	s18 =	simm.s32 $0x4;
	s25 =	rddreg [dreg:$0x13];
	[sflag:s14] =	ssyncadd.s32 $0xFFFFE000  }
0x62: {  	[tilespmem:s15], [sflag:$0x3] =	stream.indirect.gather [spmem:s2], $0x10, s25, s11, $0xb8;
	[tilespmem:$0x11E80] =	vst v63  }
0x63: {  	_ =	swait.ge [sflag:s18], $0x2000  }
0x64: {  	[sflag:s18] =	ssyncset.done $0x0  }
0x65: {  	s26 =	rddreg [dreg:$0x14];
	[sflag:s18] =	ssyncadd.s32 $0xFFFFE000  }
0x66: {  	[spmem:s3] =	stream.indirect.scatter.add.f32 [tilespmem:s16], [sflag:$0x7], $0x10, s26, s11, $0xb8;
	[tilespmem:$0x11E80] =	vst v63  }
0x67: {  	_ =	swait.ge [sflag:s14], $0x2000  }
0x68: {  	[sflag:s14] =	ssyncset.done $0x0  }
0x69: {  	s19 =	rddreg [dreg:$0x15];
	[sflag:s14] =	ssyncadd.s32 $0xFFFFE000  }
0x6a: {  	[tilespmem:s16], [sflag:$0x4] =	stream.indirect.gather [spmem:s2], $0x10, s19, s11, $0xb8;
	[tilespmem:$0x11E80] =	vst v63  }
0x6b: {  	_ =	swait.ge [sflag:s7], $0x2000  }
0x6c: {  	[sflag:s7] =	ssyncset.done $0x0  }
0x6d: {  	s20 =	rddreg [dreg:$0x16];
	[sflag:s7] =	ssyncadd.s32 $0xFFFFE000  }
0x6e: {  	[spmem:s3] =	stream.indirect.scatter.add.f32 [tilespmem:s12], [sflag:$0x7], $0x10, s20, s11, $0xb8;
	[tilespmem:$0x11E80] =	vst v63  }
0x6f: {  	_ =	swait.ge [sflag:s14], $0x2000  }
0x70: {  	[sflag:s14] =	ssyncset.done $0x0  }
0x71: {  	s22 =	rddreg [dreg:$0x17];
	[sflag:s14] =	ssyncadd.s32 $0xFFFFE000  }
0x72: {  	[tilespmem:s12], [sflag:$0x1] =	stream.indirect.gather [spmem:s2], $0x10, s22, s11, $0xb8;
	[tilespmem:$0x11E80] =	vst v63  }
0x73: {  	_ =	swait.ge [sflag:s8], $0x2000  }
0x74: {  	[sflag:s8] =	ssyncset.done $0x0  }
0x75: {  	s23 =	rddreg [dreg:$0x18];
	[sflag:s8] =	ssyncadd.s32 $0xFFFFE000  }
0x76: {  	[spmem:s3] =	stream.indirect.scatter.add.f32 [tilespmem:s13], [sflag:$0x7], $0x10, s23, s11, $0xb8;
	[tilespmem:$0x11E80] =	vst v63  }
0x77: {  	_ =	swait.ge [sflag:s14], $0x2000  }
0x78: {  	[sflag:s14] =	ssyncset.done $0x0  }
0x79: {  	s24 =	rddreg [dreg:$0x19];
	[sflag:s14] =	ssyncadd.s32 $0xFFFFE000  }
0x7a: {  	[tilespmem:s13], [sflag:$0x2] =	stream.indirect.gather [spmem:s2], $0x10, s24, s11, $0xb8;
	[tilespmem:$0x11E80] =	vst v63  }
0x7b: {  	_ =	swait.ge [sflag:s17], $0x2000  }
0x7c: {  	[sflag:s17] =	ssyncset.done $0x0  }
0x7d: {  	s25 =	rddreg [dreg:$0x1a];
	[sflag:s17] =	ssyncadd.s32 $0xFFFFE000  }
0x7e: {  	[spmem:s3] =	stream.indirect.scatter.add.f32 [tilespmem:s15], [sflag:$0x7], $0x10, s25, s11, $0xb8;
	[tilespmem:$0x11E80] =	vst v63  }
0x7f: {  	_ =	swait.ge [sflag:s14], $0x2000  }
0x80: {  	[sflag:s14] =	ssyncset.done $0x0  }
0x81: {  	s26 =	rddreg [dreg:$0x1b];
	[sflag:s14] =	ssyncadd.s32 $0xFFFFE000  }
0x82: {  	[tilespmem:s15], [sflag:$0x3] =	stream.indirect.gather [spmem:s2], $0x10, s26, s11, $0xb8;
	[tilespmem:$0x11E80] =	vst v63  }
0x83: {  	_ =	swait.ge [sflag:s18], $0x2000  }
0x84: {  	[sflag:s18] =	ssyncset.done $0x0  }
0x85: {  	s19 =	rddreg [dreg:$0x1c];
	[sflag:s18] =	ssyncadd.s32 $0xFFFFE000  }
0x86: {  	[spmem:s3] =	stream.indirect.scatter.add.f32 [tilespmem:s16], [sflag:$0x7], $0x10, s19, s11, $0xb8;
	[tilespmem:$0x11E80] =	vst v63  }
0x87: {  	_ =	swait.ge [sflag:s14], $0x2000  }
0x88: {  	[sflag:s14] =	ssyncset.done $0x0  }
0x89: {  	s20 =	rddreg [dreg:$0x1d];
	[sflag:s14] =	ssyncadd.s32 $0xFFFFE000  }
0x8a: {  	[tilespmem:s16], [sflag:$0x4] =	stream.indirect.gather [spmem:s2], $0x10, s20, s11, $0xb8;
	[tilespmem:$0x11E80] =	vst v63  }
0x8b: {  	_ =	swait.ge [sflag:s7], $0x2000  }
0x8c: {  	[sflag:s7] =	ssyncset.done $0x0  }
0x8d: {  	s22 =	rddreg [dreg:$0x1e];
	[sflag:s7] =	ssyncadd.s32 $0xFFFFE000  }
0x8e: {  	[spmem:s3] =	stream.indirect.scatter.add.f32 [tilespmem:s12], [sflag:$0x7], $0x10, s22, s11, $0xb8;
	[tilespmem:$0x11E80] =	vst v63  }
0x8f: {  	_ =	swait.ge [sflag:s14], $0x2000  }
0x90: {  	[sflag:s14] =	ssyncset.done $0x0  }
0x91: {  	s23 =	rddreg [dreg:$0x1f];
	[sflag:s14] =	ssyncadd.s32 $0xFFFFE000  }
0x92: {  	[tilespmem:s12], [sflag:$0x1] =	stream.indirect.gather [spmem:s2], $0x10, s23, s11, $0xb8;
	[tilespmem:$0x11E80] =	vst v63  }
0x93: {  	_ =	swait.ge [sflag:s8], $0x2000  }
0x94: {  	s24 =	sld [smem:$0x7F3]  }
0x95: {  	[sflag:s8] =	ssyncset.done $0x0  }
0x96: {  	[sflag:s8] =	ssyncadd.s32 $0xFFFFE000  }
0x97: {  	[spmem:s3] =	stream.indirect.scatter.add.f32 [tilespmem:s13], [sflag:$0x7], $0x10, s24, s11, $0xb8;
	[tilespmem:$0x11E80] =	vst v63  }
0x98: {  	_ =	swait.ge [sflag:s14], $0x2000  }
0x99: {  	s25 =	sld [smem:$0x7F4]  }
0x9a: {  	[sflag:s14] =	ssyncset.done $0x0  }
0x9b: {  	[sflag:s14] =	ssyncadd.s32 $0xFFFFE000  }
0x9c: {  	[tilespmem:s13], [sflag:$0x2] =	stream.indirect.gather [spmem:s2], $0x10, s25, s11, $0xb8;
	[tilespmem:$0x11E80] =	vst v63  }
0x9d: {  	_ =	swait.ge [sflag:s17], $0x2000  }
0x9e: {  	s26 =	sld [smem:$0x7F5]  }
0x9f: {  	[sflag:s17] =	ssyncset.done $0x0  }
0xa0: {  	[sflag:s17] =	ssyncadd.s32 $0xFFFFE000  }
0xa1: {  	[spmem:s3] =	stream.indirect.scatter.add.f32 [tilespmem:s15], [sflag:$0x7], $0x10, s26, s11, $0xb8;
	[tilespmem:$0x11E80] =	vst v63  }
0xa2: {  	_ =	swait.ge [sflag:s14], $0x2000  }
0xa3: {  	s19 =	sld [smem:$0x7F6]  }
0xa4: {  	[sflag:s14] =	ssyncset.done $0x0  }
0xa5: {  	[sflag:s14] =	ssyncadd.s32 $0xFFFFE000  }
0xa6: {  	[tilespmem:s15], [sflag:$0x3] =	stream.indirect.gather [spmem:s2], $0x10, s19, s11, $0xb8;
	[tilespmem:$0x11E80] =	vst v63  }
0xa7: {  	_ =	swait.ge [sflag:s18], $0x2000  }
0xa8: {  	s20 =	sld [smem:$0x7F7]  }
0xa9: {  	[sflag:s18] =	ssyncset.done $0x0  }
0xaa: {  	[sflag:s18] =	ssyncadd.s32 $0xFFFFE000  }
0xab: {  	[spmem:s3] =	stream.indirect.scatter.add.f32 [tilespmem:s16], [sflag:$0x7], $0x10, s20, s11, $0xb8;
	[tilespmem:$0x11E80] =	vst v63  }
0xac: {  	_ =	swait.ge [sflag:s14], $0x2000  }
0xad: {  	s22 =	sld [smem:$0x7F8]  }
0xae: {  	[sflag:s14] =	ssyncset.done $0x0  }
0xaf: {  	[sflag:s14] =	ssyncadd.s32 $0xFFFFE000  }
0xb0: {  	[tilespmem:s16], [sflag:$0x4] =	stream.indirect.gather [spmem:s2], $0x10, s22, s11, $0xb8;
	[tilespmem:$0x11E80] =	vst v63  }
0xb1: {  	_ =	swait.ge [sflag:s7], $0x2000  }
0xb2: {  	s23 =	sld [smem:$0x7F9]  }
0xb3: {  	[sflag:s7] =	ssyncset.done $0x0  }
0xb4: {  	[sflag:s7] =	ssyncadd.s32 $0xFFFFE000  }
0xb5: {  	[spmem:s3] =	stream.indirect.scatter.add.f32 [tilespmem:s12], [sflag:$0x7], $0x10, s23, s11, $0xb8;
	[tilespmem:$0x11E80] =	vst v63  }
0xb6: {  	_ =	swait.ge [sflag:s14], $0x2000  }
0xb7: {  	s24 =	sld [smem:$0x7FA]  }
0xb8: {  	[sflag:s14] =	ssyncset.done $0x0  }
0xb9: {  	[sflag:s14] =	ssyncadd.s32 $0xFFFFE000  }
0xba: {  	[tilespmem:s12], [sflag:$0x1] =	stream.indirect.gather [spmem:s2], $0x10, s24, s11, $0xb8;
	[tilespmem:$0x11E80] =	vst v63  }
0xbb: {  	_ =	swait.ge [sflag:s8], $0x2000  }
0xbc: {  	s25 =	sld [smem:$0x7FB]  }
0xbd: {  	[sflag:s8] =	ssyncset.done $0x0  }
0xbe: {  	[sflag:s8] =	ssyncadd.s32 $0xFFFFE000  }
0xbf: {  	[spmem:s3] =	stream.indirect.scatter.add.f32 [tilespmem:s13], [sflag:$0x7], $0x10, s25, s11, $0xb8;
	[tilespmem:$0x11E80] =	vst v63  }
0xc0: {  	_ =	swait.ge [sflag:s14], $0x2000  }
0xc1: {  	s26 =	sld [smem:$0x7FC]  }
0xc2: {  	[sflag:s14] =	ssyncset.done $0x0  }
0xc3: {  	[sflag:s14] =	ssyncadd.s32 $0xFFFFE000  }
0xc4: {  	[tilespmem:s13], [sflag:$0x2] =	stream.indirect.gather [spmem:s2], $0x10, s26, s11, $0xb8;
	[tilespmem:$0x11E80] =	vst v63  }
0xc5: {  	_ =	swait.ge [sflag:s17], $0x2000  }
0xc6: {  	s19 =	sld [smem:$0x7FD]  }
0xc7: {  	[sflag:s17] =	ssyncset.done $0x0  }
0xc8: {  	[sflag:s17] =	ssyncadd.s32 $0xFFFFE000  }
0xc9: {  	[spmem:s3] =	stream.indirect.scatter.add.f32 [tilespmem:s15], [sflag:$0x7], $0x10, s19, s11, $0xb8;
	[tilespmem:$0x11E80] =	vst v63  }
0xca: {  	_ =	swait.ge [sflag:s14], $0x2000  }
0xcb: {  	[sflag:s14] =	ssyncset.done $0x0  }
0xcc: {  	s20 =	simm.s32 $0x2400;
	[sflag:s14] =	ssyncadd.s32 $0xFFFFE000  }
0xcd: {  	[tilespmem:s15], [sflag:$0x3] =	stream.indirect.gather [spmem:s2], $0x10, s20, s11, $0xb8;
	[tilespmem:$0x11E80] =	vst v63  }
0xce: {  	_ =	swait.ge [sflag:s18], $0x2000  }
0xcf: {  	[sflag:s18] =	ssyncset.done $0x0  }
0xd0: {  	s22 =	simm.s32 $0x4600;
	[sflag:s18] =	ssyncadd.s32 $0xFFFFE000  }
0xd1: {  	[spmem:s3] =	stream.indirect.scatter.add.f32 [tilespmem:s16], [sflag:$0x7], $0x10, s22, s11, $0xb8;
	[tilespmem:$0x11E80] =	vst v63  }
0xd2: {  	p0 =	sgt.u32 s21, $0x10;
	_ =	swait.ge [sflag:s14], $0x2000  }
0xd3: {  	s21 =	simm.s32 @!p0 $0xB000;
	[sflag:s14] =	ssyncset.done $0x0  }
0xd4: {  	s0 =	simm.s32 @!p0 $0x2600;
	s22 =	simm.s32 @!p0 $0x200;
	[sflag:s14] =	ssyncadd.s32 $0xFFFFE000  }
0xd5: {  	[tilespmem:s21], [sflag:$0x4] =	stream.indirect.gather @!p0 [spmem:s2], $0x10, s0, s22, $0xb8;
	[tilespmem:$0x11E80] =	vst v63  }
0xd6: {  	_ =	swait.ge [sflag:s7], $0x2000  }
0xd7: {  	[sflag:s7] =	ssyncset.done $0x0  }
0xd8: {  	s23 =	simm.s32 $0x4800;
	[sflag:s7] =	ssyncadd.s32 $0xFFFFE000  }
0xd9: {  	[spmem:s3] =	stream.indirect.scatter.add.f32 [tilespmem:s12], [sflag:$0x7], $0x10, s23, s11, $0xb8;
	[tilespmem:$0x11E80] =	vst v63  }
0xda: {  	_ =	swait.ge [sflag:s14], $0x2000  }
0xdb: {  	[sflag:s14] =	ssyncset.done $0x0  }
0xdc: {  	[sflag:s14] =	ssyncadd.s32 $0xFFFFE000  }
0xdd: {  	_ =	swait.ge [sflag:s8], $0x2000  }
0xde: {  	[sflag:s8] =	ssyncset.done $0x0  }
0xdf: {  	s25 =	simm.s32 $0x4A00;
	[sflag:s8] =	ssyncadd.s32 $0xFFFFE000  }
0xe0: {  	[spmem:s3] =	stream.indirect.scatter.add.f32 [tilespmem:s13], [sflag:$0x7], $0x10, s25, s11, $0xb8;
	[tilespmem:$0x11E80] =	vst v63  }
0xe1: {  	_ =	swait.ge [sflag:s14], $0x2000  }
0xe2: {  	[sflag:s14] =	ssyncset.done $0x0  }
0xe3: {  	[sflag:s14] =	ssyncadd.s32 $0xFFFFE000  }
0xe4: {  	_ =	swait.ge [sflag:s17], $0x2000  }
0xe5: {  	[sflag:s17] =	ssyncset.done $0x0  }
0xe6: {  	s26 =	simm.s32 $0x4C00;
	[sflag:s17] =	ssyncadd.s32 $0xFFFFE000  }
0xe7: {  	[spmem:s3] =	stream.indirect.scatter.add.f32 [tilespmem:s15], [sflag:$0x7], $0x10, s26, s11, $0xb8;
	[tilespmem:$0x11E80] =	vst v63  }
0xe8: {  	s24 =	ssub.s32 $0x2, s1;
	_ =	swait.ge [sflag:s14], $0x2000  }
0xe9: {  	s1 =	sshrl.u32 s24, $0x1;
	[sflag:s14] =	ssyncset.done $0x0  }
0xea: {  	s28 =	simm.s32 @!p0 $0x4;
	s0 =	ssub.s32 s24, s1;
	[sflag:s14] =	ssyncadd.s32 $0xFFFFE000  }
0xeb: {  	s0 =	smax.u32 s0, $0x1;
	_ =	swait.ge @!p0 [sflag:s28], $0x2000  }
0xec: {  	s29 =	simm.s32 @!p0 $0x4E00;
	s1 =	sadd.s32 $0xFFFFFFFF, s0;
	[sflag:s28] =	ssyncset.done @!p0 $0x0  }
0xed: {  	s30 =	simm.s32 @!p0 $0x7;
	p1 =	sne.s32 s1, $0x0;
	[sflag:s28] =	ssyncadd.s32 @!p0 $0xFFFFE000  }
0xee: {  	[spmem:s3] =	stream.indirect.scatter.add.f32 @!p0 [tilespmem:s21], [sflag:$0x7], $0x10, s29, s22, $0xb8;
	[tilespmem:$0x11E80] =	vst v63  }
.Ltmp0:
0xef: {  	_ =	swait.ge @!p0 [sflag:s30], $0x2000;
	(pc) =	sbr.rel @!p1 .LBB2_2-.Ltmp0, $4  }
0xf0: {  	[sflag:s30] =	ssyncset.done @!p0 $0x0  }
0xf1: {  	[sflag:s30] =	ssyncadd.s32 @!p0 $0xFFFFE000  }
0xf2: {  	[bflag:$0x0] =	sbarrier.arrive $0xFFFF  }
0xf3: {  	s31 =	sor.u32 $0x1C07, s31;
	s0 =	rddreg [dreg:$0xa]  }
.LBB2_1:
0xf4: {  	[hbm:s0], [sflag:s31] =	dma.local [spmem:s6], $0x4E8  }
0xf5: {  	_ =	swait.ge [sflag:s14], $0x4E8  }
0xf6: {  	s0 =	rddreg [dreg:$0xb]  }
0xf7: {  	s19 =	rddreg [dreg:$0x7]  }
0xf8: {  	[sflag:s14] =	ssyncset.done $0x0;
	s20 =	rddreg [dreg:$0x5]  }
0xf9: {  	s23 =	rddreg [dreg:$0x8];
	[sflag:s14] =	ssyncadd.s32 $0xFFFFFB18  }
0xfa: {  	[tilespmem:s4], [sflag:$0x1] =	stream.linear.gather [hbm4b:s20+s4], $0x2800, $0x38;
	[tilespmem:$0x11E80] =	vst v63  }
0xfb: {  	s24 =	rddreg [dreg:$0x6]  }
0xfc: {  	[tilespmem:s5], [sflag:$0x2] =	stream.linear.gather [hbm4b:s24+s4], $0x2800, $0x38;
	[tilespmem:$0x11E80] =	vst v63  }
0xfd: {  	[spmem:s0], [sflag:s23] =	dma.local [hbm:s19], $0x4E8  }
0xfe: {  	s0 =	rddreg [dreg:$0x9]  }
0xff: {  	s19 =	rddreg [dreg:$0xc]  }
0x100: {  	[spmem:s6], [sflag:s19] =	dma.local [hbm:s0], $0x4E8  }
0x101: {  	_ =	swait.ge [sflag:s7], $0x2800  }
0x102: {  	[sflag:s7] =	ssyncset.done $0x0  }
0x103: {  	[sflag:s7] =	ssyncadd.s32 $0xFFFFD800  }
0x104: {  	_ =	swait.ge [sflag:s8], $0x2800  }
0x105: {  	[sflag:s8] =	ssyncset.done $0x0  }
0x106: {  	[sflag:s8] =	ssyncadd.s32 $0xFFFFD800  }
0x107: {  	_ =	swait.ge [sflag:s9], $0x4E8  }
0x108: {  	[sflag:s9] =	ssyncset.done $0x0  }
0x109: {  	[sflag:s9] =	ssyncadd.s32 $0xFFFFFB18  }
0x10a: {  	_ =	swait.ge [sflag:s10], $0x4E8  }
0x10b: {  	[sflag:s10] =	ssyncset.done $0x0  }
0x10c: {  	[sflag:s10] =	ssyncadd.s32 $0xFFFFFB18  }
0x10d: {  	[bflag:$0x0] =	sbarrier.arrive $0xFFFF  }
0x10e: {  	[tilespmem:s12], [sflag:$0x1] =	stream.indirect.gather [spmem:s2], $0x10, s4, s11, $0xb8;
	[tilespmem:$0x11E80] =	vst v63  }
0x10f: {  	_ = 	snop  }
0x110: {  	[tilespmem:s13], [sflag:$0x2] =	stream.indirect.gather [spmem:s2], $0x10, s11, s11, $0xb8;
	[tilespmem:$0x11E80] =	vst v63  }
0x111: {  	s23 =	rddreg [dreg:$0xd]  }
0x112: {  	[tilespmem:s15], [sflag:$0x3] =	stream.indirect.gather [spmem:s2], $0x10, s23, s11, $0xb8;
	[tilespmem:$0x11E80] =	vst v63  }
0x113: {  	s24 =	rddreg [dreg:$0xe]  }
0x114: {  	[tilespmem:s16], [sflag:$0x4] =	stream.indirect.gather [spmem:s2], $0x10, s24, s11, $0xb8;
	[tilespmem:$0x11E80] =	vst v63  }
0x115: {  	_ =	swait.ge [sflag:s7], $0x2000  }
0x116: {  	[sflag:s7] =	ssyncset.done $0x0  }
0x117: {  	[sflag:s7] =	ssyncadd.s32 $0xFFFFE000  }
0x118: {  	[spmem:s3] =	stream.indirect.scatter.add.f32 [tilespmem:s12], [sflag:$0x7], $0x10, s5, s11, $0xb8;
	[tilespmem:$0x11E80] =	vst v63  }
0x119: {  	_ =	swait.ge [sflag:s14], $0x2000  }
0x11a: {  	[sflag:s14] =	ssyncset.done $0x0  }
0x11b: {  	s20 =	rddreg [dreg:$0xf];
	[sflag:s14] =	ssyncadd.s32 $0xFFFFE000  }
0x11c: {  	[tilespmem:s12], [sflag:$0x1] =	stream.indirect.gather [spmem:s2], $0x10, s20, s11, $0xb8;
	[tilespmem:$0x11E80] =	vst v63  }
0x11d: {  	_ =	swait.ge [sflag:s8], $0x2000  }
0x11e: {  	[sflag:s8] =	ssyncset.done $0x0  }
0x11f: {  	s23 =	rddreg [dreg:$0x10];
	[sflag:s8] =	ssyncadd.s32 $0xFFFFE000  }
0x120: {  	[spmem:s3] =	stream.indirect.scatter.add.f32 [tilespmem:s13], [sflag:$0x7], $0x10, s23, s11, $0xb8;
	[tilespmem:$0x11E80] =	vst v63  }
0x121: {  	_ =	swait.ge [sflag:s14], $0x2000  }
0x122: {  	[sflag:s14] =	ssyncset.done $0x0  }
0x123: {  	s24 =	rddreg [dreg:$0x11];
	[sflag:s14] =	ssyncadd.s32 $0xFFFFE000  }
0x124: {  	[tilespmem:s13], [sflag:$0x2] =	stream.indirect.gather [spmem:s2], $0x10, s24, s11, $0xb8;
	[tilespmem:$0x11E80] =	vst v63  }
0x125: {  	_ =	swait.ge [sflag:s17], $0x2000  }
0x126: {  	[sflag:s17] =	ssyncset.done $0x0  }
0x127: {  	s19 =	rddreg [dreg:$0x12];
	[sflag:s17] =	ssyncadd.s32 $0xFFFFE000  }
0x128: {  	[spmem:s3] =	stream.indirect.scatter.add.f32 [tilespmem:s15], [sflag:$0x7], $0x10, s19, s11, $0xb8;
	[tilespmem:$0x11E80] =	vst v63  }
0x129: {  	_ =	swait.ge [sflag:s14], $0x2000  }
0x12a: {  	[sflag:s14] =	ssyncset.done $0x0  }
0x12b: {  	s20 =	rddreg [dreg:$0x13];
	[sflag:s14] =	ssyncadd.s32 $0xFFFFE000  }
0x12c: {  	[tilespmem:s15], [sflag:$0x3] =	stream.indirect.gather [spmem:s2], $0x10, s20, s11, $0xb8;
	[tilespmem:$0x11E80] =	vst v63  }
0x12d: {  	_ =	swait.ge [sflag:s18], $0x2000  }
0x12e: {  	[sflag:s18] =	ssyncset.done $0x0  }
0x12f: {  	s23 =	rddreg [dreg:$0x14];
	[sflag:s18] =	ssyncadd.s32 $0xFFFFE000  }
0x130: {  	[spmem:s3] =	stream.indirect.scatter.add.f32 [tilespmem:s16], [sflag:$0x7], $0x10, s23, s11, $0xb8;
	[tilespmem:$0x11E80] =	vst v63  }
0x131: {  	_ =	swait.ge [sflag:s14], $0x2000  }
0x132: {  	[sflag:s14] =	ssyncset.done $0x0  }
0x133: {  	s24 =	rddreg [dreg:$0x15];
	[sflag:s14] =	ssyncadd.s32 $0xFFFFE000  }
0x134: {  	[tilespmem:s16], [sflag:$0x4] =	stream.indirect.gather [spmem:s2], $0x10, s24, s11, $0xb8;
	[tilespmem:$0x11E80] =	vst v63  }
0x135: {  	_ =	swait.ge [sflag:s7], $0x2000  }
0x136: {  	[sflag:s7] =	ssyncset.done $0x0  }
0x137: {  	s19 =	rddreg [dreg:$0x16];
	[sflag:s7] =	ssyncadd.s32 $0xFFFFE000  }
0x138: {  	[spmem:s3] =	stream.indirect.scatter.add.f32 [tilespmem:s12], [sflag:$0x7], $0x10, s19, s11, $0xb8;
	[tilespmem:$0x11E80] =	vst v63  }
0x139: {  	_ =	swait.ge [sflag:s14], $0x2000  }
0x13a: {  	[sflag:s14] =	ssyncset.done $0x0  }
0x13b: {  	s20 =	rddreg [dreg:$0x17];
	[sflag:s14] =	ssyncadd.s32 $0xFFFFE000  }
0x13c: {  	[tilespmem:s12], [sflag:$0x1] =	stream.indirect.gather [spmem:s2], $0x10, s20, s11, $0xb8;
	[tilespmem:$0x11E80] =	vst v63  }
0x13d: {  	_ =	swait.ge [sflag:s8], $0x2000  }
0x13e: {  	[sflag:s8] =	ssyncset.done $0x0  }
0x13f: {  	s23 =	rddreg [dreg:$0x18];
	[sflag:s8] =	ssyncadd.s32 $0xFFFFE000  }
0x140: {  	[spmem:s3] =	stream.indirect.scatter.add.f32 [tilespmem:s13], [sflag:$0x7], $0x10, s23, s11, $0xb8;
	[tilespmem:$0x11E80] =	vst v63  }
0x141: {  	_ =	swait.ge [sflag:s14], $0x2000  }
0x142: {  	[sflag:s14] =	ssyncset.done $0x0  }
0x143: {  	s24 =	rddreg [dreg:$0x19];
	[sflag:s14] =	ssyncadd.s32 $0xFFFFE000  }
0x144: {  	[tilespmem:s13], [sflag:$0x2] =	stream.indirect.gather [spmem:s2], $0x10, s24, s11, $0xb8;
	[tilespmem:$0x11E80] =	vst v63  }
0x145: {  	_ =	swait.ge [sflag:s17], $0x2000  }
0x146: {  	[sflag:s17] =	ssyncset.done $0x0  }
0x147: {  	s19 =	rddreg [dreg:$0x1a];
	[sflag:s17] =	ssyncadd.s32 $0xFFFFE000  }
0x148: {  	[spmem:s3] =	stream.indirect.scatter.add.f32 [tilespmem:s15], [sflag:$0x7], $0x10, s19, s11, $0xb8;
	[tilespmem:$0x11E80] =	vst v63  }
0x149: {  	_ =	swait.ge [sflag:s14], $0x2000  }
0x14a: {  	[sflag:s14] =	ssyncset.done $0x0  }
0x14b: {  	s20 =	rddreg [dreg:$0x1b];
	[sflag:s14] =	ssyncadd.s32 $0xFFFFE000  }
0x14c: {  	[tilespmem:s15], [sflag:$0x3] =	stream.indirect.gather [spmem:s2], $0x10, s20, s11, $0xb8;
	[tilespmem:$0x11E80] =	vst v63  }
0x14d: {  	_ =	swait.ge [sflag:s18], $0x2000  }
0x14e: {  	[sflag:s18] =	ssyncset.done $0x0  }
0x14f: {  	s23 =	rddreg [dreg:$0x1c];
	[sflag:s18] =	ssyncadd.s32 $0xFFFFE000  }
0x150: {  	[spmem:s3] =	stream.indirect.scatter.add.f32 [tilespmem:s16], [sflag:$0x7], $0x10, s23, s11, $0xb8;
	[tilespmem:$0x11E80] =	vst v63  }
0x151: {  	_ =	swait.ge [sflag:s14], $0x2000  }
0x152: {  	[sflag:s14] =	ssyncset.done $0x0  }
0x153: {  	s24 =	rddreg [dreg:$0x1d];
	[sflag:s14] =	ssyncadd.s32 $0xFFFFE000  }
0x154: {  	[tilespmem:s16], [sflag:$0x4] =	stream.indirect.gather [spmem:s2], $0x10, s24, s11, $0xb8;
	[tilespmem:$0x11E80] =	vst v63  }
0x155: {  	_ =	swait.ge [sflag:s7], $0x2000  }
0x156: {  	[sflag:s7] =	ssyncset.done $0x0  }
0x157: {  	s19 =	rddreg [dreg:$0x1e];
	[sflag:s7] =	ssyncadd.s32 $0xFFFFE000  }
0x158: {  	[spmem:s3] =	stream.indirect.scatter.add.f32 [tilespmem:s12], [sflag:$0x7], $0x10, s19, s11, $0xb8;
	[tilespmem:$0x11E80] =	vst v63  }
0x159: {  	_ =	swait.ge [sflag:s14], $0x2000  }
0x15a: {  	[sflag:s14] =	ssyncset.done $0x0  }
0x15b: {  	s20 =	rddreg [dreg:$0x1f];
	[sflag:s14] =	ssyncadd.s32 $0xFFFFE000  }
0x15c: {  	[tilespmem:s12], [sflag:$0x1] =	stream.indirect.gather [spmem:s2], $0x10, s20, s11, $0xb8;
	[tilespmem:$0x11E80] =	vst v63  }
0x15d: {  	_ =	swait.ge [sflag:s8], $0x2000  }
0x15e: {  	s23 =	sld [smem:$0x7F3]  }
0x15f: {  	[sflag:s8] =	ssyncset.done $0x0  }
0x160: {  	[sflag:s8] =	ssyncadd.s32 $0xFFFFE000  }
0x161: {  	[spmem:s3] =	stream.indirect.scatter.add.f32 [tilespmem:s13], [sflag:$0x7], $0x10, s23, s11, $0xb8;
	[tilespmem:$0x11E80] =	vst v63  }
0x162: {  	_ =	swait.ge [sflag:s14], $0x2000  }
0x163: {  	s24 =	sld [smem:$0x7F4]  }
0x164: {  	[sflag:s14] =	ssyncset.done $0x0  }
0x165: {  	[sflag:s14] =	ssyncadd.s32 $0xFFFFE000  }
0x166: {  	[tilespmem:s13], [sflag:$0x2] =	stream.indirect.gather [spmem:s2], $0x10, s24, s11, $0xb8;
	[tilespmem:$0x11E80] =	vst v63  }
0x167: {  	_ =	swait.ge [sflag:s17], $0x2000  }
0x168: {  	s19 =	sld [smem:$0x7F5]  }
0x169: {  	[sflag:s17] =	ssyncset.done $0x0  }
0x16a: {  	[sflag:s17] =	ssyncadd.s32 $0xFFFFE000  }
0x16b: {  	[spmem:s3] =	stream.indirect.scatter.add.f32 [tilespmem:s15], [sflag:$0x7], $0x10, s19, s11, $0xb8;
	[tilespmem:$0x11E80] =	vst v63  }
0x16c: {  	_ =	swait.ge [sflag:s14], $0x2000  }
0x16d: {  	s20 =	sld [smem:$0x7F6]  }
0x16e: {  	[sflag:s14] =	ssyncset.done $0x0  }
0x16f: {  	[sflag:s14] =	ssyncadd.s32 $0xFFFFE000  }
0x170: {  	[tilespmem:s15], [sflag:$0x3] =	stream.indirect.gather [spmem:s2], $0x10, s20, s11, $0xb8;
	[tilespmem:$0x11E80] =	vst v63  }
0x171: {  	_ =	swait.ge [sflag:s18], $0x2000  }
0x172: {  	s23 =	sld [smem:$0x7F7]  }
0x173: {  	[sflag:s18] =	ssyncset.done $0x0  }
0x174: {  	[sflag:s18] =	ssyncadd.s32 $0xFFFFE000  }
0x175: {  	[spmem:s3] =	stream.indirect.scatter.add.f32 [tilespmem:s16], [sflag:$0x7], $0x10, s23, s11, $0xb8;
	[tilespmem:$0x11E80] =	vst v63  }
0x176: {  	_ =	swait.ge [sflag:s14], $0x2000  }
0x177: {  	s24 =	sld [smem:$0x7F8]  }
0x178: {  	[sflag:s14] =	ssyncset.done $0x0  }
0x179: {  	[sflag:s14] =	ssyncadd.s32 $0xFFFFE000  }
0x17a: {  	[tilespmem:s16], [sflag:$0x4] =	stream.indirect.gather [spmem:s2], $0x10, s24, s11, $0xb8;
	[tilespmem:$0x11E80] =	vst v63  }
0x17b: {  	_ =	swait.ge [sflag:s7], $0x2000  }
0x17c: {  	s19 =	sld [smem:$0x7F9]  }
0x17d: {  	[sflag:s7] =	ssyncset.done $0x0  }
0x17e: {  	[sflag:s7] =	ssyncadd.s32 $0xFFFFE000  }
0x17f: {  	[spmem:s3] =	stream.indirect.scatter.add.f32 [tilespmem:s12], [sflag:$0x7], $0x10, s19, s11, $0xb8;
	[tilespmem:$0x11E80] =	vst v63  }
0x180: {  	_ =	swait.ge [sflag:s14], $0x2000  }
0x181: {  	s20 =	sld [smem:$0x7FA]  }
0x182: {  	[sflag:s14] =	ssyncset.done $0x0  }
0x183: {  	[sflag:s14] =	ssyncadd.s32 $0xFFFFE000  }
0x184: {  	[tilespmem:s12], [sflag:$0x1] =	stream.indirect.gather [spmem:s2], $0x10, s20, s11, $0xb8;
	[tilespmem:$0x11E80] =	vst v63  }
0x185: {  	_ =	swait.ge [sflag:s8], $0x2000  }
0x186: {  	s23 =	sld [smem:$0x7FB]  }
0x187: {  	[sflag:s8] =	ssyncset.done $0x0  }
0x188: {  	[sflag:s8] =	ssyncadd.s32 $0xFFFFE000  }
0x189: {  	[spmem:s3] =	stream.indirect.scatter.add.f32 [tilespmem:s13], [sflag:$0x7], $0x10, s23, s11, $0xb8;
	[tilespmem:$0x11E80] =	vst v63  }
0x18a: {  	_ =	swait.ge [sflag:s14], $0x2000  }
0x18b: {  	s24 =	sld [smem:$0x7FC]  }
0x18c: {  	[sflag:s14] =	ssyncset.done $0x0  }
0x18d: {  	[sflag:s14] =	ssyncadd.s32 $0xFFFFE000  }
0x18e: {  	[tilespmem:s13], [sflag:$0x2] =	stream.indirect.gather [spmem:s2], $0x10, s24, s11, $0xb8;
	[tilespmem:$0x11E80] =	vst v63  }
0x18f: {  	_ =	swait.ge [sflag:s17], $0x2000  }
0x190: {  	s19 =	sld [smem:$0x7FD]  }
0x191: {  	[sflag:s17] =	ssyncset.done $0x0  }
0x192: {  	[sflag:s17] =	ssyncadd.s32 $0xFFFFE000  }
0x193: {  	[spmem:s3] =	stream.indirect.scatter.add.f32 [tilespmem:s15], [sflag:$0x7], $0x10, s19, s11, $0xb8;
	[tilespmem:$0x11E80] =	vst v63  }
0x194: {  	_ =	swait.ge [sflag:s14], $0x2000  }
0x195: {  	[sflag:s14] =	ssyncset.done $0x0  }
0x196: {  	s20 =	simm.s32 $0x2400;
	[sflag:s14] =	ssyncadd.s32 $0xFFFFE000  }
0x197: {  	[tilespmem:s15], [sflag:$0x3] =	stream.indirect.gather [spmem:s2], $0x10, s20, s11, $0xb8;
	[tilespmem:$0x11E80] =	vst v63  }
0x198: {  	_ =	swait.ge [sflag:s18], $0x2000  }
0x199: {  	[sflag:s18] =	ssyncset.done $0x0  }
0x19a: {  	s23 =	simm.s32 $0x4600;
	[sflag:s18] =	ssyncadd.s32 $0xFFFFE000  }
0x19b: {  	[spmem:s3] =	stream.indirect.scatter.add.f32 [tilespmem:s16], [sflag:$0x7], $0x10, s23, s11, $0xb8;
	[tilespmem:$0x11E80] =	vst v63  }
0x19c: {  	_ =	swait.ge [sflag:s14], $0x2000  }
0x19d: {  	[sflag:s14] =	ssyncset.done $0x0  }
0x19e: {  	s0 =	simm.s32 @!p0 $0x2600;
	[sflag:s14] =	ssyncadd.s32 $0xFFFFE000  }
0x19f: {  	[tilespmem:s21], [sflag:$0x4] =	stream.indirect.gather @!p0 [spmem:s2], $0x10, s0, s22, $0xb8;
	[tilespmem:$0x11E80] =	vst v63  }
0x1a0: {  	_ =	swait.ge [sflag:s7], $0x2000  }
0x1a1: {  	[sflag:s7] =	ssyncset.done $0x0  }
0x1a2: {  	s24 =	simm.s32 $0x4800;
	[sflag:s7] =	ssyncadd.s32 $0xFFFFE000  }
0x1a3: {  	[spmem:s3] =	stream.indirect.scatter.add.f32 [tilespmem:s12], [sflag:$0x7], $0x10, s24, s11, $0xb8;
	[tilespmem:$0x11E80] =	vst v63  }
0x1a4: {  	_ =	swait.ge [sflag:s14], $0x2000  }
0x1a5: {  	[sflag:s14] =	ssyncset.done $0x0  }
0x1a6: {  	[sflag:s14] =	ssyncadd.s32 $0xFFFFE000  }
0x1a7: {  	_ =	swait.ge [sflag:s8], $0x2000  }
0x1a8: {  	[sflag:s8] =	ssyncset.done $0x0  }
0x1a9: {  	[sflag:s8] =	ssyncadd.s32 $0xFFFFE000  }
0x1aa: {  	[spmem:s3] =	stream.indirect.scatter.add.f32 [tilespmem:s13], [sflag:$0x7], $0x10, s25, s11, $0xb8;
	[tilespmem:$0x11E80] =	vst v63  }
0x1ab: {  	_ =	swait.ge [sflag:s14], $0x2000  }
0x1ac: {  	[sflag:s14] =	ssyncset.done $0x0  }
0x1ad: {  	[sflag:s14] =	ssyncadd.s32 $0xFFFFE000  }
0x1ae: {  	_ =	swait.ge [sflag:s17], $0x2000  }
0x1af: {  	[sflag:s17] =	ssyncset.done $0x0  }
0x1b0: {  	[sflag:s17] =	ssyncadd.s32 $0xFFFFE000  }
0x1b1: {  	[spmem:s3] =	stream.indirect.scatter.add.f32 [tilespmem:s15], [sflag:$0x7], $0x10, s26, s11, $0xb8;
	[tilespmem:$0x11E80] =	vst v63  }
0x1b2: {  	_ =	swait.ge [sflag:s14], $0x2000  }
0x1b3: {  	[sflag:s14] =	ssyncset.done $0x0  }
0x1b4: {  	[sflag:s14] =	ssyncadd.s32 $0xFFFFE000  }
0x1b5: {  	_ =	swait.ge @!p0 [sflag:s28], $0x2000  }
0x1b6: {  	s1 =	sadd.s32 $0xFFFFFFFF, s1;
	[sflag:s28] =	ssyncset.done @!p0 $0x0  }
0x1b7: {  	p1 =	sne.s32 s1, $0x0;
	[sflag:s28] =	ssyncadd.s32 @!p0 $0xFFFFE000  }
0x1b8: {  	[spmem:s3] =	stream.indirect.scatter.add.f32 @!p0 [tilespmem:s21], [sflag:$0x7], $0x10, s29, s22, $0xb8;
	[tilespmem:$0x11E80] =	vst v63  }
.Ltmp1:
0x1b9: {  	_ =	swait.ge @!p0 [sflag:s30], $0x2000;
	(pc) =	sbr.rel @p1 .LBB2_1-.Ltmp1, $4  }
0x1ba: {  	[sflag:s30] =	ssyncset.done @!p0 $0x0  }
0x1bb: {  	[sflag:s30] =	ssyncadd.s32 @!p0 $0xFFFFE000  }
0x1bc: {  	[bflag:$0x0] =	sbarrier.arrive $0xFFFF  }
0x1bd: {  	s0 =	rddreg [dreg:$0xa]  }
.LBB2_2:
0x1be: {  	[hbm:s0], [sflag:s31] =	dma.local [spmem:s6], $0x4E8  }
0x1bf: {  	_ =	swait.ge [sflag:s14], $0x4E8  }
0x1c0: {  	[sflag:s14] =	ssyncset.done $0x0  }
0x1c1: {  	[sflag:s14] =	ssyncadd.s32 $0xFFFFFB18  }
0x1c2: {  	_ =	sfence.sel $0x180000  }
0x1c3: {  	[bflag:$0x0] =	sbarrier.arrive $0xFFFF  }
0x1c4: {  	_ =	strace $0x9000004A  }
0x1c5: {  	s31 =	stileid.u32;
	[bflag:$0x2] =	sbarrier.arrive $0xFFFF  }
0x1c6: {  	p0 =	sne.s32 s31, $0x0;
	s0 =	rddreg [dreg:$0x4]  }
0x1c7: {  	s0 =	sadd.s32 @!p0 $0x100000, s0  }
0x1c8: {  	[sflag:s0] =	ssyncadd.tile.s32 @!p0 $0x1;
	_ =	shalt  }
.Lfunc_end2:
_tile_overlayer_lowered:
.L_overlay_start_2:
0x1c9: {  	(tag) =	ssettag $0x2  }
0x1ca: {  	s0 =	rddreg [dreg:$0x0];
	s2 =	stileid.u32  }
0x1cb: {  	s1 =	rddreg [dreg:$0x1];
	p0 =	sne.s32 s2, $0x0  }
0x1cc: {  	s3 =	rddreg [dreg:$0x2];
	[bflag:$0x3] =	sbarrier.arrive $0xFFFF;
	s2 =	simm.s32 @!p0 $0x1C07  }
0x1cd: {  	[timem:s3], [sflag:s2] =	dma.local @!p0 [hbm:s0], s1  }
0x1ce: {  	s0 =	simm.s32 @!p0 $0x7  }
0x1cf: {  	_ =	swait.ge @!p0 [sflag:s0], s1  }
0x1d0: {  	s1 =	ssub.s32 @!p0 $0x0, s1;
	[sflag:s0] =	ssyncset.done @!p0 $0x0  }
0x1d1: {  	[sflag:s0] =	ssyncadd.s32 @!p0 s1  }
0x1d2: {  	[bflag:$0x3] =	sbarrier.arrive $0xFFFF  }
0x1d3: {  	_ =	shalt  }

// kernel: kernel.14.cloned.1.call-start
scs
__scs_entry_jumppad:
0x0: {  	(pc) =	sbr.rel $0x88, $3  }
0x1: {  	(tag) =	ssettag $0x0;
	lr =	simm.s32 $0x1  }
0x2: {  	[smem:$0x3F9B] =	sst lr;
	_ =	strace $0xD0000000  }
0x3: {  	_ = 	snop  }
0x4: {  	_ = 	snop  }
0x5: {  	_ = 	snop  }
0x6: {  	_ = 	snop  }
0x7: {  	_ = 	snop  }
__scs_overlays_trampoline_lowered:
0x8: {  	[smem:$0x3FAA] =	sst s0  }
0x9: {  	[smem:$0x3FAB] =	sst s1  }
0xa: {  	[smem:$0x3FAC] =	sst s2  }
0xb: {  	[smem:$0x3FAD] =	sst s3  }
0xc: {  	[smem:$0x3FAE] =	sst s4  }
0xd: {  	[smem:$0x3FAF] =	sst s5  }
0xe: {  	[smem:$0x3FB0] =	sst s6  }
0xf: {  	[smem:$0x3FB1] =	sst s7  }
0x10: {  	[smem:$0x3FB2] =	sst s8  }
0x11: {  	[smem:$0x3FB3] =	sst s9;
	s0 =	simm.s32 @!p0 $0x0  }
0x12: {  	s1 =	sld [smem:$0x3F99];
	s0 =	simm.s32 @p0 $0x1  }
0x13: {  	[smem:$0x3FB4] =	sst s0;
	s0 =	simm.s32 @!p1 $0x0  }
0x14: {  	s2 =	sld [smem:$0x3F98];
	s0 =	simm.s32 @p1 $0x1  }
0x15: {  	[smem:$0x3FB5] =	sst s0;
	s0 =	simm.s32 @!p2 $0x0  }
0x16: {  	s3 =	sld [smem:$0x3FDB];
	s0 =	simm.s32 @p2 $0x1  }
0x17: {  	s4 =	simm.s32 $0x1BF5;
	[smem:$0x3FB7] =	sst s0  }
0x18: {  	s0 =	sld [smem:$0x3F9A];
	_ =	swait.ge [sflag:s4], $0x0  }
0x19: {  	s7 =	sld [smem:$0x3F9B]  }
0x1a: {  	s8 =	sadd.s32 $0xFFFFE003, lr  }
0x1b: {  	s9 =	sadd.s32 $0xFFFFFEF7, lr;
	s5 =	simm.s32 $0xFFFFFFFF;
	p2 =	slt.u32 s8, $0xFFFFF086  }
0x1c: {  	p1 =	slt.u32 s9, $0xF7A;
	s5 =	simm.s32 @!p2 $0x0  }
0x1d: {  	s5 =	simm.s32 @p1 $0x1;
	p0 =	seq.s32 s7, s2  }
0x1e: {  	s7 =	smul.u32 @!p0 $0xF7A, s2;
	p2 =	seq.s32 @!p0 s5, $0x0  }
0x1f: {  	s9 =	smul.u32 $0xF7A, s1;
	s8 =	simm.s32 @!p0 $0x1BF5;
	p2 =	por !p2, p0  }
0x20: {  	[sflag:s8] =	ssyncset.s32 @!p0 $0xFFFFF086;
	s6 =	sadd.s32 @!p0 s3, s7;
	s7 =	simm.s32 @!p0 $0x108  }
0x21: {  	s3 =	sadd.s32 s3, s9;
	s6 =	sadd.s32 @!p0 $0x88, s6;
	s7 =	simm.s32 @p2 $0x1082  }
0x22: {  	[simem:s7], [sflag:s8] =	dma.local @!p0 [hbm:s6], $0xF7A  }
0x23: {  	s9 =	sor.u32 $0xD0000000, s2;
	s6 =	simm.s32 $0x108;
	_ =	swait.ge @!p0 [sflag:s8], $0x0  }
0x24: {  	s3 =	sadd.s32 $0x88, s3;
	s6 =	simm.s32 @!p1 $0x1082;
	[sflag:s4] =	ssyncset.s32 $0xFFFFF086  }
0x25: {  	[simem:s6], [sflag:s4] =	dma.local [hbm:s3], $0xF7A  }
0x26: {  	[smem:$0x3F9B] =	sst s1;
	(tag) =	ssettag s2;
	_ =	strace s9  }
0x27: {  	s1 =	sld [smem:$0x3FAB]  }
0x28: {  	s2 =	sld [smem:$0x3FAC]  }
0x29: {  	s4 =	sld [smem:$0x3FAE]  }
0x2a: {  	p0 =	seq.s32 s5, $0x0;
	s5 =	sld [smem:$0x3FAF]  }
0x2b: {  	s6 =	sld [smem:$0x3FB0]  }
0x2c: {  	s7 =	sld [smem:$0x3FB1]  }
0x2d: {  	s3 =	simm.s32 $0x108;
	s8 =	sld [smem:$0x3FB2]  }
0x2e: {  	s3 =	simm.s32 @!p0 $0x1082;
	s9 =	sld [smem:$0x3FB3]  }
0x2f: {  	lr =	sadd.s32 s0, s3;
	s0 =	sld [smem:$0x3FAA]  }
0x30: {  	s3 =	sld [smem:$0x3FAD]  }
0x31: {  	[smem:$0x3FB6] =	sst s10  }
0x32: {  	s10 =	sld [smem:$0x3FB4];
	_ =	sdelay $0x3  }
0x33: {  	p0 =	seq.s32 s10, $0x1;
	s10 =	sld [smem:$0x3FB6];
	_ =	sdelay $0x3  }
0x34: {  	[smem:$0x3FB6] =	sst s10  }
0x35: {  	s10 =	sld [smem:$0x3FB5];
	_ =	sdelay $0x3  }
0x36: {  	p1 =	seq.s32 s10, $0x1;
	s10 =	sld [smem:$0x3FB6];
	_ =	sdelay $0x3  }
0x37: {  	[smem:$0x3FB6] =	sst s10  }
0x38: {  	s10 =	sld [smem:$0x3FB7]  }
0x39: {  	_ = 	snop;
	(pc) =	sbr.ind lr, $3  }
0x3a: {  	_ = 	snop  }
0x3b: {  	_ = 	snop  }
0x3c: {  	p2 =	seq.s32 s10, $0x1;
	s10 =	sld [smem:$0x3FB6]  }
0x3d: {  	_ =	shalt  }
0x3e: {  	_ =	shalt  }
0x3f: {  	_ =	shalt  }
0x40: {  	_ =	shalt  }
0x41: {  	_ =	shalt  }
0x42: {  	_ =	shalt  }
0x43: {  	_ =	shalt  }
0x44: {  	_ =	shalt  }
0x45: {  	_ =	shalt  }
0x46: {  	_ =	shalt  }
0x47: {  	_ =	shalt  }
0x48: {  	_ =	shalt  }
0x49: {  	_ =	shalt  }
0x4a: {  	_ =	shalt  }
0x4b: {  	_ =	shalt  }
0x4c: {  	_ =	shalt  }
0x4d: {  	_ =	shalt  }
0x4e: {  	_ =	shalt  }
0x4f: {  	_ =	shalt  }
0x50: {  	_ =	shalt  }
0x51: {  	_ =	shalt  }
0x52: {  	_ =	shalt  }
0x53: {  	_ =	shalt  }
0x54: {  	_ =	shalt  }
0x55: {  	_ =	shalt  }
0x56: {  	_ =	shalt  }
0x57: {  	_ =	shalt  }
0x58: {  	_ =	shalt  }
0x59: {  	_ =	shalt  }
0x5a: {  	_ =	shalt  }
0x5b: {  	_ =	shalt  }
0x5c: {  	_ =	shalt  }
0x5d: {  	_ =	shalt  }
0x5e: {  	_ =	shalt  }
0x5f: {  	_ =	shalt  }
0x60: {  	_ =	shalt  }
0x61: {  	_ =	shalt  }
0x62: {  	_ =	shalt  }
0x63: {  	_ =	shalt  }
0x64: {  	_ =	shalt  }
0x65: {  	_ =	shalt  }
0x66: {  	_ =	shalt  }
0x67: {  	_ =	shalt  }
0x68: {  	_ =	shalt  }
0x69: {  	_ =	shalt  }
0x6a: {  	_ =	shalt  }
0x6b: {  	_ =	shalt  }
0x6c: {  	_ =	shalt  }
0x6d: {  	_ =	shalt  }
0x6e: {  	_ =	shalt  }
0x6f: {  	_ =	shalt  }
0x70: {  	_ =	shalt  }
0x71: {  	_ =	shalt  }
0x72: {  	_ =	shalt  }
0x73: {  	_ =	shalt  }
0x74: {  	_ =	shalt  }
0x75: {  	_ =	shalt  }
0x76: {  	_ =	shalt  }
0x77: {  	_ =	shalt  }
0x78: {  	_ =	shalt  }
0x79: {  	_ =	shalt  }
0x7a: {  	_ =	shalt  }
0x7b: {  	_ =	shalt  }
0x7c: {  	_ =	shalt  }
0x7d: {  	_ =	shalt  }
0x7e: {  	_ =	shalt  }
0x7f: {  	_ =	shalt  }
0x80: {  	_ =	shalt  }
0x81: {  	_ =	shalt  }
0x82: {  	_ =	shalt  }
0x83: {  	_ =	shalt  }
0x84: {  	_ =	shalt  }
0x85: {  	_ =	shalt  }
0x86: {  	_ =	shalt  }
0x87: {  	_ =	shalt  }
.Lfunc_end0:
.L_simem_size_0:
called_computation.2_lowered:
.L_overlay_start_0:
0x88: {  	s2 =	sld [smem:$0x3FD9]  }
0x89: {  	s3 =	sld [smem:$0x3FFE];
	_ =	sdelay $0x1  }
0x8a: {  	s1 =	srdreg.scid  }
0x8b: {  	s0 =	sand.u32 $0x1, s1  }
0x8c: {  	s17 =	sshll.u32 s0, $0xA;
	s2 =	sadd.s32 s3, s2  }
0x8d: {  	s2 =	sadd.s32 s2, s17  }
0x8e: {  	[smem:$0x3FC2] =	sst s2  }
0x8f: {  	_ = 	snop  }
0x90: {  	s2 =	sld [smem:$0x3FD0];
	(tm) =	ssettm $0x1  }
0x91: {  	s18 =	sld [smem:$0x3FFB];
	_ =	sdelay $0x3  }
0x92: {  	_ =	strace s18  }
0x93: {  	s3 =	sld [smem:$0x3FFC];
	_ =	sdelay $0x3  }
0x94: {  	_ =	strace s3  }
0x95: {  	s3 =	sld [smem:$0x3FFD];
	_ =	sdelay $0x3  }
0x96: {  	_ =	strace s3  }
0x97: {  	_ =	strace $0x8FFFFFFF  }
0x98: {  	s19 =	sld [smem:$0x3FDB];
	_ =	sdelay $0x1  }
0x99: {  	s4 =	simm.s32 $_scs_section_size  }
0x9a: {  	s5 =	simm.s32 $_size__tile_overlayer_lowered;
	s6 =	simm.s32 $_tile_overlayer_lowered  }
0x9b: {  	s22 =	simm.s32 $0x1BFF;
	s21 =	sshll.u32 s6, $0x1;
	s3 =	sadd.s32 s4, s19  }
0x9c: {  	s7 =	simm.s32 $0x0;
	s20 =	sshll.u32 s5, $0x1;
	s5 =	sadd.s32 s21, s3  }
0x9d: {  	[timem:s7], [sflag:s22] =	dma.local [hbm:s5], s20  }
0x9e: {  	_ =	swait.ge [sflag:s22], s20  }
0x9f: {  	s4 =	ssub.s32 $0x0, s20;
	[sflag:s22] =	ssyncset.done $0x0  }
0xa0: {  	[sflag:s22] =	ssyncadd.s32 s4;
	_ =	sdelay $0x1  }
0xa1: {  	s23 =	simm.s32 $0x1B8B  }
0xa2: {  	_ =	swait.ge [sflag:s23], $0x1  }
0xa3: {  	[sflag:s23] =	ssyncset.done $0x0  }
0xa4: {  	s25 =	simm.s32 $0x1B8E;
	s24 =	sld [smem:$0x3FFE];
	[sflag:s23] =	ssyncadd.s32 $0xFFFFFFFF  }
0xa5: {  	s26 =	simm.s32 $execute0_lowered;
	[smem:$0x3FD2] =	sst s25  }
0xa6: {  	s5 =	sshll.u32 s26, $0x1;
	_ =	strace $0x8000004C;
	[dreg:$0x1] =	wrdreg $0xFFFFFFFF  }
0xa7: {  	s28 =	simm.s32 $_size_execute0_lowered;
	s3 =	sadd.s32 s3, s5;
	[dreg:$0x0] =	wrdreg $0x0  }
0xa8: {  	s5 =	sshll.u32 s28, $0x1;
	[dreg:$0x2] =	wrdreg s3  }
0xa9: {  	[dreg:$0x3] =	wrdreg s5  }
0xaa: {  	[dreg:$0x4] =	wrdreg $0xC0  }
0xab: {  	_ =	task [dreg:s7], $0x5FFFF  }
0xac: {  	[dreg:$0x1] =	wrdreg $0xFFFFFFFF  }
0xad: {  	[dreg:$0x0] =	wrdreg $0x60  }
0xae: {  	[dreg:$0x2] =	wrdreg s24  }
0xaf: {  	[dreg:$0x3] =	wrdreg s2  }
0xb0: {  	[dreg:$0x4] =	wrdreg $0xF7400  }
0xb1: {  	[dreg:$0x5] =	wrdreg $0xD0000  }
0xb2: {  	[dreg:$0x6] =	wrdreg $0x9  }
0xb3: {  	_ =	task.clear_ibuf [dreg:s7], $0x7FFFF;
	_ =	strace $0x9000004C  }
0xb4: {  	s29 =	simm.s32 $0x9;
	_ =	strace $0x8000004E  }
0xb5: {  	_ =	swait.ge [sflag:s29], $0x1  }
0xb6: {  	[sflag:s29] =	ssyncadd.s32 $0xFFFFFFFF  }
0xb7: {  	_ =	strace $0x9000004E  }
0xb8: {  	_ =	sfence  }
0xb9: {  	s30 =	sld [smem:$0x0];
	_ =	sdelay $0x2  }
0xba: {  	s31 =	sshll.u32 s1, $0xD;
	s1 =	sshrl.u32 s1, $0x2  }
0xbb: {  	s3 =	sand.u32 $0x4000, s31;
	s1 =	sadd.s32 s1, s30  }
0xbc: {  	s0 =	sor.u32 s3, s0;
	s1 =	sshll.u32 s1, $0x11  }
0xbd: {  	s0 =	sor.u32 s1, s0  }
0xbe: {  	s0 =	sadd.s32 $0x8F2B, s0  }
0xbf: {  	[sflag:s0] =	ssyncadd.remote.s32 $0x1  }
0xc0: {  	_ =	sfence.sel $0xFFFF  }
0xc1: {  	[dreg:$0x0] =	wrdreg $0xFFFFFFFF;
	(pc) =	sbr.abs _section_cstart, $3  }
0xc2: {  	[dreg:$0x1] =	wrdreg $0xFFFFFFFF  }
0xc3: {  	_ =	task.clear_ibuf [dreg:s7], $0x2FFFF;
	_ =	strace $0x9FFFFFFF  }
0xc4: {  	(tm) =	ssettm $0x7FFFFFFF  }
0xc5: {  	_ =	shalt  }
tec
execute0_lowered:
.L_overlay_start_1:
0x0: {  	(tag) =	ssettag $0x1  }
0x1: {  	s0 =	srdreg.scid;
	s5 =	rddreg [dreg:$0x0]  }
0x2: {  	s15 =	rddreg [dreg:$0x1];
	s13 =	stileid.u32  }
0x3: {  	s2 =	rddreg [dreg:$0x2];
	s4 =	simm.s32 $0x0;
	s1 =	sand.u32 $0x1, s0  }
0x4: {  	[smem:$0x7FF] =	sst s4;
	s31 =	sshll.u32 s13, $0x6;
	s3 =	sshll.u32 s1, $0x4  }
0x5: {  	s19 =	sor.u32 $0x1C05, s31;
	s21 =	sor.u32 s13, s3;
	s3 =	rddreg [dreg:$0x3]  }
0x6: {  	s24 =	sor.u32 $0x1C06, s31;
	_ =	strace $0x8000004D;
	[dreg:$0x8] =	wrdreg s19  }
0x7: {  	s25 =	simm.s32 $0x400;
	[dreg:$0xc] =	wrdreg s24  }
0x8: {  	s26 =	simm.s32 $0x600;
	[dreg:$0xd] =	wrdreg s25  }
0x9: {  	s14 =	simm.s32 $0x1000;
	s6 =	smul.u32 $0x2740, s13;
	[dreg:$0xe] =	wrdreg s26  }
0xa: {  	s10 =	smul.u32 $0x4E8, s13;
	s13 =	simm.s32 $0x3000;
	[dreg:$0x17] =	wrdreg s14  }
0xb: {  	s19 =	simm.s32 $0x3600;
	[dreg:$0x16] =	wrdreg s13  }
0xc: {  	s24 =	simm.s32 $0x3A00;
	[dreg:$0x1c] =	wrdreg s19  }
0xd: {  	s12 =	smul.u32 $0x4E80, s1;
	s25 =	simm.s32 $0x1A00;
	[smem:$0x7F3] =	sst s24  }
0xe: {  	s16 =	sshrl.u32 s6, $0x3;
	s26 =	simm.s32 $0x3C00;
	[smem:$0x7F4] =	sst s25  }
0xf: {  	s20 =	sadd.s32 s6, s2;
	s0 =	sadd.s32 s15, s16;
	[smem:$0x7F5] =	sst s26  }
0x10: {  	s23 =	sshrl.u32 s20, $0x3;
	[dreg:$0x9] =	wrdreg s0  }
0x11: {  	s18 =	sadd.s32 s10, s12;
	s10 =	simm.s32 $0xC00;
	[dreg:$0xb] =	wrdreg s23  }
0x12: {  	s12 =	simm.s32 $0xE00;
	[dreg:$0x13] =	wrdreg s10  }
0x13: {  	s15 =	simm.s32 $0x3200;
	[dreg:$0x15] =	wrdreg s12  }
0x14: {  	s9 =	sadd.s32 s16, s5;
	s16 =	simm.s32 $0x1200;
	[dreg:$0x18] =	wrdreg s15  }
0x15: {  	s20 =	simm.s32 $0x1600;
	[dreg:$0x19] =	wrdreg s16  }
0x16: {  	[dreg:$0x1d] =	wrdreg s20  }
0x17: {  	s17 =	sadd.s32 $0x16600, s9;
	s16 =	rddreg [dreg:$0x8]  }
0x18: {  	s9 =	simm.s32 $0x2C00;
	[dreg:$0x7] =	wrdreg s17  }
0x19: {  	s23 =	simm.s32 $0x1800;
	[dreg:$0x12] =	wrdreg s9  }
0x1a: {  	s10 =	simm.s32 $0x2000;
	[dreg:$0x1f] =	wrdreg s23  }
0x1b: {  	s7 =	smul.u32 $0x13, s21;
	s12 =	simm.s32 $0x2200;
	[smem:$0x7FA] =	sst s10  }
0x1c: {  	s8 =	smin.u32 s21, $0x11;
	[smem:$0x7FC] =	sst s12  }
0x1d: {  	s7 =	sadd.s32 s8, s7;
	s8 =	simm.s32 $0xA00;
	s13 =	rddreg [dreg:$0xb]  }
0x1e: {  	s17 =	simm.s32 $0x3400;
	[dreg:$0x11] =	wrdreg s8  }
0x1f: {  	s9 =	simm.s32 $0x4000;
	[dreg:$0x1a] =	wrdreg s17  }
0x20: {  	[smem:$0x7F9] =	sst s9  }
0x21: {  	s7 =	sshll.u32 s7, $0x6;
	s8 =	simm.s32 $0x1E00;
	s14 =	rddreg [dreg:$0x7]  }
0x22: {  	s17 =	simm.s32 $0x4400;
	s7 =	sadd.s32 s7, s5;
	[smem:$0x7F8] =	sst s8  }
0x23: {  	s5 =	sadd.s32 s18, s5;
	s18 =	simm.s32 $0x1400;
	[smem:$0x7FD] =	sst s17  }
0x24: {  	s11 =	sadd.s32 $0x2C00, s7;
	[dreg:$0x1b] =	wrdreg s18  }
0x25: {  	s7 =	sadd.s32 $0xC840, s7;
	[dreg:$0x5] =	wrdreg s11  }
0x26: {  	s22 =	sadd.s32 $0x1B600, s5;
	[dreg:$0x6] =	wrdreg s7  }
0x27: {  	s5 =	simm.s32 $0x800;
	[dreg:$0xa] =	wrdreg s22  }
0x28: {  	[dreg:$0xf] =	wrdreg s5;
	s7 =	simm.s32 $0x2A00  }
0x29: {  	s11 =	simm.s32 $0x2E00;
	[dreg:$0x10] =	wrdreg s7  }
0x2a: {  	s22 =	simm.s32 $0x3800;
	[dreg:$0x14] =	wrdreg s11  }
0x2b: {  	s5 =	simm.s32 $0x1C00;
	[dreg:$0x1e] =	wrdreg s22  }
0x2c: {  	[smem:$0x7F6] =	sst s5  }
0x2d: {  	s15 =	rddreg [dreg:$0x5]  }
0x2e: {  	s7 =	simm.s32 $0x3E00;
	s18 =	rddreg [dreg:$0x6]  }
0x2f: {  	s11 =	simm.s32 $0x4200;
	[smem:$0x7F7] =	sst s7  }
0x30: {  	[tilespmem:s4], [sflag:$0x1] =	stream.linear.gather [hbm4b:s15+s4], $0x2800, $0x38;
	[tilespmem:$0x11E80] =	vst v63  }
0x31: {  	s5 =	simm.s32 $0x2800;
	[smem:$0x7FB] =	sst s11  }
0x32: {  	[tilespmem:s5], [sflag:$0x2] =	stream.linear.gather [hbm4b:s18+s4], $0x2800, $0x38;
	[tilespmem:$0x11E80] =	vst v63  }
0x33: {  	[spmem:s13], [sflag:s16] =	dma.local [hbm:s14], $0x4E8  }
0x34: {  	s6 =	sadd.s32 s6, s3;
	s0 =	rddreg [dreg:$0x9]  }
0x35: {  	s6 =	sshrl.u32 s6, $0x3;
	s7 =	simm.s32 $0x1;
	s8 =	rddreg [dreg:$0xc]  }
0x36: {  	[spmem:s6], [sflag:s8] =	dma.local [hbm:s0], $0x4E8  }
0x37: {  	_ =	swait.ge [sflag:s7], $0x2800  }
0x38: {  	[sflag:s7] =	ssyncset.done $0x0  }
0x39: {  	s8 =	simm.s32 $0x2;
	[sflag:s7] =	ssyncadd.s32 $0xFFFFD800  }
0x3a: {  	_ =	swait.ge [sflag:s8], $0x2800  }
0x3b: {  	[sflag:s8] =	ssyncset.done $0x0  }
0x3c: {  	s9 =	simm.s32 $0x5;
	[sflag:s8] =	ssyncadd.s32 $0xFFFFD800  }
0x3d: {  	_ =	swait.ge [sflag:s9], $0x4E8  }
0x3e: {  	[sflag:s9] =	ssyncset.done $0x0  }
0x3f: {  	s10 =	simm.s32 $0x6;
	[sflag:s9] =	ssyncadd.s32 $0xFFFFFB18  }
0x40: {  	_ =	swait.ge [sflag:s10], $0x4E8  }
0x41: {  	[sflag:s10] =	ssyncset.done $0x0  }
0x42: {  	[sflag:s10] =	ssyncadd.s32 $0xFFFFFB18  }
0x43: {  	s12 =	simm.s32 $0x5000;
	s11 =	simm.s32 $0x200;
	[bflag:$0x0] =	sbarrier.arrive $0xFFFF  }
0x44: {  	[tilespmem:s12], [sflag:$0x1] =	stream.indirect.gather [spmem:s2], $0x10, s4, s11, $0xb8;
	[tilespmem:$0x11E80] =	vst v63  }
0x45: {  	s13 =	simm.s32 $0x7000  }
0x46: {  	[tilespmem:s13], [sflag:$0x2] =	stream.indirect.gather [spmem:s2], $0x10, s11, s11, $0xb8;
	[tilespmem:$0x11E80] =	vst v63  }
0x47: {  	s15 =	simm.s32 $0x9000;
	s19 =	rddreg [dreg:$0xd]  }
0x48: {  	[tilespmem:s15], [sflag:$0x3] =	stream.indirect.gather [spmem:s2], $0x10, s19, s11, $0xb8;
	[tilespmem:$0x11E80] =	vst v63  }
0x49: {  	s16 =	simm.s32 $0xB000;
	s14 =	rddreg [dreg:$0xe]  }
0x4a: {  	[tilespmem:s16], [sflag:$0x4] =	stream.indirect.gather [spmem:s2], $0x10, s14, s11, $0xb8;
	[tilespmem:$0x11E80] =	vst v63  }
0x4b: {  	_ =	swait.ge [sflag:s7], $0x2000  }
0x4c: {  	[sflag:s7] =	ssyncset.done $0x0  }
0x4d: {  	s14 =	simm.s32 $0x7;
	[sflag:s7] =	ssyncadd.s32 $0xFFFFE000  }
0x4e: {  	[spmem:s3] =	stream.indirect.scatter.add.f32 [tilespmem:s12], [sflag:$0x7], $0x10, s5, s11, $0xb8;
	[tilespmem:$0x11E80] =	vst v63  }
0x4f: {  	_ =	swait.ge [sflag:s14], $0x2000  }
0x50: {  	[sflag:s14] =	ssyncset.done $0x0  }
0x51: {  	s20 =	rddreg [dreg:$0xf];
	[sflag:s14] =	ssyncadd.s32 $0xFFFFE000  }
0x52: {  	[tilespmem:s12], [sflag:$0x1] =	stream.indirect.gather [spmem:s2], $0x10, s20, s11, $0xb8;
	[tilespmem:$0x11E80] =	vst v63  }
0x53: {  	_ =	swait.ge [sflag:s8], $0x2000  }
0x54: {  	[sflag:s8] =	ssyncset.done $0x0  }
0x55: {  	s22 =	rddreg [dreg:$0x10];
	[sflag:s8] =	ssyncadd.s32 $0xFFFFE000  }
0x56: {  	[spmem:s3] =	stream.indirect.scatter.add.f32 [tilespmem:s13], [sflag:$0x7], $0x10, s22, s11, $0xb8;
	[tilespmem:$0x11E80] =	vst v63  }
0x57: {  	_ =	swait.ge [sflag:s14], $0x2000  }
0x58: {  	[sflag:s14] =	ssyncset.done $0x0  }
0x59: {  	s17 =	simm.s32 $0x3;
	s23 =	rddreg [dreg:$0x11];
	[sflag:s14] =	ssyncadd.s32 $0xFFFFE000  }
0x5a: {  	[tilespmem:s13], [sflag:$0x2] =	stream.indirect.gather [spmem:s2], $0x10, s23, s11, $0xb8;
	[tilespmem:$0x11E80] =	vst v63  }
0x5b: {  	_ =	swait.ge [sflag:s17], $0x2000  }
0x5c: {  	[sflag:s17] =	ssyncset.done $0x0  }
0x5d: {  	s24 =	rddreg [dreg:$0x12];
	[sflag:s17] =	ssyncadd.s32 $0xFFFFE000  }
0x5e: {  	[spmem:s3] =	stream.indirect.scatter.add.f32 [tilespmem:s15], [sflag:$0x7], $0x10, s24, s11, $0xb8;
	[tilespmem:$0x11E80] =	vst v63  }
0x5f: {  	_ =	swait.ge [sflag:s14], $0x2000  }
0x60: {  	[sflag:s14] =	ssyncset.done $0x0  }
0x61: {  	s18 =	simm.s32 $0x4;
	s25 =	rddreg [dreg:$0x13];
	[sflag:s14] =	ssyncadd.s32 $0xFFFFE000  }
0x62: {  	[tilespmem:s15], [sflag:$0x3] =	stream.indirect.gather [spmem:s2], $0x10, s25, s11, $0xb8;
	[tilespmem:$0x11E80] =	vst v63  }
0x63: {  	_ =	swait.ge [sflag:s18], $0x2000  }
0x64: {  	[sflag:s18] =	ssyncset.done $0x0  }
0x65: {  	s26 =	rddreg [dreg:$0x14];
	[sflag:s18] =	ssyncadd.s32 $0xFFFFE000  }
0x66: {  	[spmem:s3] =	stream.indirect.scatter.add.f32 [tilespmem:s16], [sflag:$0x7], $0x10, s26, s11, $0xb8;
	[tilespmem:$0x11E80] =	vst v63  }
0x67: {  	_ =	swait.ge [sflag:s14], $0x2000  }
0x68: {  	[sflag:s14] =	ssyncset.done $0x0  }
0x69: {  	s19 =	rddreg [dreg:$0x15];
	[sflag:s14] =	ssyncadd.s32 $0xFFFFE000  }
0x6a: {  	[tilespmem:s16], [sflag:$0x4] =	stream.indirect.gather [spmem:s2], $0x10, s19, s11, $0xb8;
	[tilespmem:$0x11E80] =	vst v63  }
0x6b: {  	_ =	swait.ge [sflag:s7], $0x2000  }
0x6c: {  	[sflag:s7] =	ssyncset.done $0x0  }
0x6d: {  	s20 =	rddreg [dreg:$0x16];
	[sflag:s7] =	ssyncadd.s32 $0xFFFFE000  }
0x6e: {  	[spmem:s3] =	stream.indirect.scatter.add.f32 [tilespmem:s12], [sflag:$0x7], $0x10, s20, s11, $0xb8;
	[tilespmem:$0x11E80] =	vst v63  }
0x6f: {  	_ =	swait.ge [sflag:s14], $0x2000  }
0x70: {  	[sflag:s14] =	ssyncset.done $0x0  }
0x71: {  	s22 =	rddreg [dreg:$0x17];
	[sflag:s14] =	ssyncadd.s32 $0xFFFFE000  }
0x72: {  	[tilespmem:s12], [sflag:$0x1] =	stream.indirect.gather [spmem:s2], $0x10, s22, s11, $0xb8;
	[tilespmem:$0x11E80] =	vst v63  }
0x73: {  	_ =	swait.ge [sflag:s8], $0x2000  }
0x74: {  	[sflag:s8] =	ssyncset.done $0x0  }
0x75: {  	s23 =	rddreg [dreg:$0x18];
	[sflag:s8] =	ssyncadd.s32 $0xFFFFE000  }
0x76: {  	[spmem:s3] =	stream.indirect.scatter.add.f32 [tilespmem:s13], [sflag:$0x7], $0x10, s23, s11, $0xb8;
	[tilespmem:$0x11E80] =	vst v63  }
0x77: {  	_ =	swait.ge [sflag:s14], $0x2000  }
0x78: {  	[sflag:s14] =	ssyncset.done $0x0  }
0x79: {  	s24 =	rddreg [dreg:$0x19];
	[sflag:s14] =	ssyncadd.s32 $0xFFFFE000  }
0x7a: {  	[tilespmem:s13], [sflag:$0x2] =	stream.indirect.gather [spmem:s2], $0x10, s24, s11, $0xb8;
	[tilespmem:$0x11E80] =	vst v63  }
0x7b: {  	_ =	swait.ge [sflag:s17], $0x2000  }
0x7c: {  	[sflag:s17] =	ssyncset.done $0x0  }
0x7d: {  	s25 =	rddreg [dreg:$0x1a];
	[sflag:s17] =	ssyncadd.s32 $0xFFFFE000  }
0x7e: {  	[spmem:s3] =	stream.indirect.scatter.add.f32 [tilespmem:s15], [sflag:$0x7], $0x10, s25, s11, $0xb8;
	[tilespmem:$0x11E80] =	vst v63  }
0x7f: {  	_ =	swait.ge [sflag:s14], $0x2000  }
0x80: {  	[sflag:s14] =	ssyncset.done $0x0  }
0x81: {  	s26 =	rddreg [dreg:$0x1b];
	[sflag:s14] =	ssyncadd.s32 $0xFFFFE000  }
0x82: {  	[tilespmem:s15], [sflag:$0x3] =	stream.indirect.gather [spmem:s2], $0x10, s26, s11, $0xb8;
	[tilespmem:$0x11E80] =	vst v63  }
0x83: {  	_ =	swait.ge [sflag:s18], $0x2000  }
0x84: {  	[sflag:s18] =	ssyncset.done $0x0  }
0x85: {  	s19 =	rddreg [dreg:$0x1c];
	[sflag:s18] =	ssyncadd.s32 $0xFFFFE000  }
0x86: {  	[spmem:s3] =	stream.indirect.scatter.add.f32 [tilespmem:s16], [sflag:$0x7], $0x10, s19, s11, $0xb8;
	[tilespmem:$0x11E80] =	vst v63  }
0x87: {  	_ =	swait.ge [sflag:s14], $0x2000  }
0x88: {  	[sflag:s14] =	ssyncset.done $0x0  }
0x89: {  	s20 =	rddreg [dreg:$0x1d];
	[sflag:s14] =	ssyncadd.s32 $0xFFFFE000  }
0x8a: {  	[tilespmem:s16], [sflag:$0x4] =	stream.indirect.gather [spmem:s2], $0x10, s20, s11, $0xb8;
	[tilespmem:$0x11E80] =	vst v63  }
0x8b: {  	_ =	swait.ge [sflag:s7], $0x2000  }
0x8c: {  	[sflag:s7] =	ssyncset.done $0x0  }
0x8d: {  	s22 =	rddreg [dreg:$0x1e];
	[sflag:s7] =	ssyncadd.s32 $0xFFFFE000  }
0x8e: {  	[spmem:s3] =	stream.indirect.scatter.add.f32 [tilespmem:s12], [sflag:$0x7], $0x10, s22, s11, $0xb8;
	[tilespmem:$0x11E80] =	vst v63  }
0x8f: {  	_ =	swait.ge [sflag:s14], $0x2000  }
0x90: {  	[sflag:s14] =	ssyncset.done $0x0  }
0x91: {  	s23 =	rddreg [dreg:$0x1f];
	[sflag:s14] =	ssyncadd.s32 $0xFFFFE000  }
0x92: {  	[tilespmem:s12], [sflag:$0x1] =	stream.indirect.gather [spmem:s2], $0x10, s23, s11, $0xb8;
	[tilespmem:$0x11E80] =	vst v63  }
0x93: {  	_ =	swait.ge [sflag:s8], $0x2000  }
0x94: {  	s24 =	sld [smem:$0x7F3]  }
0x95: {  	[sflag:s8] =	ssyncset.done $0x0  }
0x96: {  	[sflag:s8] =	ssyncadd.s32 $0xFFFFE000  }
0x97: {  	[spmem:s3] =	stream.indirect.scatter.add.f32 [tilespmem:s13], [sflag:$0x7], $0x10, s24, s11, $0xb8;
	[tilespmem:$0x11E80] =	vst v63  }
0x98: {  	_ =	swait.ge [sflag:s14], $0x2000  }
0x99: {  	s25 =	sld [smem:$0x7F4]  }
0x9a: {  	[sflag:s14] =	ssyncset.done $0x0  }
0x9b: {  	[sflag:s14] =	ssyncadd.s32 $0xFFFFE000  }
0x9c: {  	[tilespmem:s13], [sflag:$0x2] =	stream.indirect.gather [spmem:s2], $0x10, s25, s11, $0xb8;
	[tilespmem:$0x11E80] =	vst v63  }
0x9d: {  	_ =	swait.ge [sflag:s17], $0x2000  }
0x9e: {  	s26 =	sld [smem:$0x7F5]  }
0x9f: {  	[sflag:s17] =	ssyncset.done $0x0  }
0xa0: {  	[sflag:s17] =	ssyncadd.s32 $0xFFFFE000  }
0xa1: {  	[spmem:s3] =	stream.indirect.scatter.add.f32 [tilespmem:s15], [sflag:$0x7], $0x10, s26, s11, $0xb8;
	[tilespmem:$0x11E80] =	vst v63  }
0xa2: {  	_ =	swait.ge [sflag:s14], $0x2000  }
0xa3: {  	s19 =	sld [smem:$0x7F6]  }
0xa4: {  	[sflag:s14] =	ssyncset.done $0x0  }
0xa5: {  	[sflag:s14] =	ssyncadd.s32 $0xFFFFE000  }
0xa6: {  	[tilespmem:s15], [sflag:$0x3] =	stream.indirect.gather [spmem:s2], $0x10, s19, s11, $0xb8;
	[tilespmem:$0x11E80] =	vst v63  }
0xa7: {  	_ =	swait.ge [sflag:s18], $0x2000  }
0xa8: {  	s20 =	sld [smem:$0x7F7]  }
0xa9: {  	[sflag:s18] =	ssyncset.done $0x0  }
0xaa: {  	[sflag:s18] =	ssyncadd.s32 $0xFFFFE000  }
0xab: {  	[spmem:s3] =	stream.indirect.scatter.add.f32 [tilespmem:s16], [sflag:$0x7], $0x10, s20, s11, $0xb8;
	[tilespmem:$0x11E80] =	vst v63  }
0xac: {  	_ =	swait.ge [sflag:s14], $0x2000  }
0xad: {  	s22 =	sld [smem:$0x7F8]  }
0xae: {  	[sflag:s14] =	ssyncset.done $0x0  }
0xaf: {  	[sflag:s14] =	ssyncadd.s32 $0xFFFFE000  }
0xb0: {  	[tilespmem:s16], [sflag:$0x4] =	stream.indirect.gather [spmem:s2], $0x10, s22, s11, $0xb8;
	[tilespmem:$0x11E80] =	vst v63  }
0xb1: {  	_ =	swait.ge [sflag:s7], $0x2000  }
0xb2: {  	s23 =	sld [smem:$0x7F9]  }
0xb3: {  	[sflag:s7] =	ssyncset.done $0x0  }
0xb4: {  	[sflag:s7] =	ssyncadd.s32 $0xFFFFE000  }
0xb5: {  	[spmem:s3] =	stream.indirect.scatter.add.f32 [tilespmem:s12], [sflag:$0x7], $0x10, s23, s11, $0xb8;
	[tilespmem:$0x11E80] =	vst v63  }
0xb6: {  	_ =	swait.ge [sflag:s14], $0x2000  }
0xb7: {  	s24 =	sld [smem:$0x7FA]  }
0xb8: {  	[sflag:s14] =	ssyncset.done $0x0  }
0xb9: {  	[sflag:s14] =	ssyncadd.s32 $0xFFFFE000  }
0xba: {  	[tilespmem:s12], [sflag:$0x1] =	stream.indirect.gather [spmem:s2], $0x10, s24, s11, $0xb8;
	[tilespmem:$0x11E80] =	vst v63  }
0xbb: {  	_ =	swait.ge [sflag:s8], $0x2000  }
0xbc: {  	s25 =	sld [smem:$0x7FB]  }
0xbd: {  	[sflag:s8] =	ssyncset.done $0x0  }
0xbe: {  	[sflag:s8] =	ssyncadd.s32 $0xFFFFE000  }
0xbf: {  	[spmem:s3] =	stream.indirect.scatter.add.f32 [tilespmem:s13], [sflag:$0x7], $0x10, s25, s11, $0xb8;
	[tilespmem:$0x11E80] =	vst v63  }
0xc0: {  	_ =	swait.ge [sflag:s14], $0x2000  }
0xc1: {  	s26 =	sld [smem:$0x7FC]  }
0xc2: {  	[sflag:s14] =	ssyncset.done $0x0  }
0xc3: {  	[sflag:s14] =	ssyncadd.s32 $0xFFFFE000  }
0xc4: {  	[tilespmem:s13], [sflag:$0x2] =	stream.indirect.gather [spmem:s2], $0x10, s26, s11, $0xb8;
	[tilespmem:$0x11E80] =	vst v63  }
0xc5: {  	_ =	swait.ge [sflag:s17], $0x2000  }
0xc6: {  	s19 =	sld [smem:$0x7FD]  }
0xc7: {  	[sflag:s17] =	ssyncset.done $0x0  }
0xc8: {  	[sflag:s17] =	ssyncadd.s32 $0xFFFFE000  }
0xc9: {  	[spmem:s3] =	stream.indirect.scatter.add.f32 [tilespmem:s15], [sflag:$0x7], $0x10, s19, s11, $0xb8;
	[tilespmem:$0x11E80] =	vst v63  }
0xca: {  	_ =	swait.ge [sflag:s14], $0x2000  }
0xcb: {  	[sflag:s14] =	ssyncset.done $0x0  }
0xcc: {  	s20 =	simm.s32 $0x2400;
	[sflag:s14] =	ssyncadd.s32 $0xFFFFE000  }
0xcd: {  	[tilespmem:s15], [sflag:$0x3] =	stream.indirect.gather [spmem:s2], $0x10, s20, s11, $0xb8;
	[tilespmem:$0x11E80] =	vst v63  }
0xce: {  	_ =	swait.ge [sflag:s18], $0x2000  }
0xcf: {  	[sflag:s18] =	ssyncset.done $0x0  }
0xd0: {  	s22 =	simm.s32 $0x4600;
	[sflag:s18] =	ssyncadd.s32 $0xFFFFE000  }
0xd1: {  	[spmem:s3] =	stream.indirect.scatter.add.f32 [tilespmem:s16], [sflag:$0x7], $0x10, s22, s11, $0xb8;
	[tilespmem:$0x11E80] =	vst v63  }
0xd2: {  	p0 =	sgt.u32 s21, $0x10;
	_ =	swait.ge [sflag:s14], $0x2000  }
0xd3: {  	s21 =	simm.s32 @!p0 $0xB000;
	[sflag:s14] =	ssyncset.done $0x0  }
0xd4: {  	s0 =	simm.s32 @!p0 $0x2600;
	s22 =	simm.s32 @!p0 $0x200;
	[sflag:s14] =	ssyncadd.s32 $0xFFFFE000  }
0xd5: {  	[tilespmem:s21], [sflag:$0x4] =	stream.indirect.gather @!p0 [spmem:s2], $0x10, s0, s22, $0xb8;
	[tilespmem:$0x11E80] =	vst v63  }
0xd6: {  	_ =	swait.ge [sflag:s7], $0x2000  }
0xd7: {  	[sflag:s7] =	ssyncset.done $0x0  }
0xd8: {  	s23 =	simm.s32 $0x4800;
	[sflag:s7] =	ssyncadd.s32 $0xFFFFE000  }
0xd9: {  	[spmem:s3] =	stream.indirect.scatter.add.f32 [tilespmem:s12], [sflag:$0x7], $0x10, s23, s11, $0xb8;
	[tilespmem:$0x11E80] =	vst v63  }
0xda: {  	_ =	swait.ge [sflag:s14], $0x2000  }
0xdb: {  	[sflag:s14] =	ssyncset.done $0x0  }
0xdc: {  	[sflag:s14] =	ssyncadd.s32 $0xFFFFE000  }
0xdd: {  	_ =	swait.ge [sflag:s8], $0x2000  }
0xde: {  	[sflag:s8] =	ssyncset.done $0x0  }
0xdf: {  	s25 =	simm.s32 $0x4A00;
	[sflag:s8] =	ssyncadd.s32 $0xFFFFE000  }
0xe0: {  	[spmem:s3] =	stream.indirect.scatter.add.f32 [tilespmem:s13], [sflag:$0x7], $0x10, s25, s11, $0xb8;
	[tilespmem:$0x11E80] =	vst v63  }
0xe1: {  	_ =	swait.ge [sflag:s14], $0x2000  }
0xe2: {  	[sflag:s14] =	ssyncset.done $0x0  }
0xe3: {  	[sflag:s14] =	ssyncadd.s32 $0xFFFFE000  }
0xe4: {  	_ =	swait.ge [sflag:s17], $0x2000  }
0xe5: {  	[sflag:s17] =	ssyncset.done $0x0  }
0xe6: {  	s26 =	simm.s32 $0x4C00;
	[sflag:s17] =	ssyncadd.s32 $0xFFFFE000  }
0xe7: {  	[spmem:s3] =	stream.indirect.scatter.add.f32 [tilespmem:s15], [sflag:$0x7], $0x10, s26, s11, $0xb8;
	[tilespmem:$0x11E80] =	vst v63  }
0xe8: {  	s24 =	ssub.s32 $0x2, s1;
	_ =	swait.ge [sflag:s14], $0x2000  }
0xe9: {  	s1 =	sshrl.u32 s24, $0x1;
	[sflag:s14] =	ssyncset.done $0x0  }
0xea: {  	s28 =	simm.s32 @!p0 $0x4;
	s0 =	ssub.s32 s24, s1;
	[sflag:s14] =	ssyncadd.s32 $0xFFFFE000  }
0xeb: {  	s0 =	smax.u32 s0, $0x1;
	_ =	swait.ge @!p0 [sflag:s28], $0x2000  }
0xec: {  	s29 =	simm.s32 @!p0 $0x4E00;
	s1 =	sadd.s32 $0xFFFFFFFF, s0;
	[sflag:s28] =	ssyncset.done @!p0 $0x0  }
0xed: {  	s30 =	simm.s32 @!p0 $0x7;
	p1 =	sne.s32 s1, $0x0;
	[sflag:s28] =	ssyncadd.s32 @!p0 $0xFFFFE000  }
0xee: {  	[spmem:s3] =	stream.indirect.scatter.add.f32 @!p0 [tilespmem:s21], [sflag:$0x7], $0x10, s29, s22, $0xb8;
	[tilespmem:$0x11E80] =	vst v63  }
.Ltmp0:
0xef: {  	_ =	swait.ge @!p0 [sflag:s30], $0x2000;
	(pc) =	sbr.rel @!p1 .LBB2_2-.Ltmp0, $4  }
0xf0: {  	[sflag:s30] =	ssyncset.done @!p0 $0x0  }
0xf1: {  	[sflag:s30] =	ssyncadd.s32 @!p0 $0xFFFFE000  }
0xf2: {  	[bflag:$0x0] =	sbarrier.arrive $0xFFFF  }
0xf3: {  	s31 =	sor.u32 $0x1C07, s31;
	s0 =	rddreg [dreg:$0xa]  }
.LBB2_1:
0xf4: {  	[hbm:s0], [sflag:s31] =	dma.local [spmem:s6], $0x4E8  }
0xf5: {  	_ =	swait.ge [sflag:s14], $0x4E8  }
0xf6: {  	s0 =	rddreg [dreg:$0xb]  }
0xf7: {  	s19 =	rddreg [dreg:$0x7]  }
0xf8: {  	[sflag:s14] =	ssyncset.done $0x0;
	s20 =	rddreg [dreg:$0x5]  }
0xf9: {  	s23 =	rddreg [dreg:$0x8];
	[sflag:s14] =	ssyncadd.s32 $0xFFFFFB18  }
0xfa: {  	[tilespmem:s4], [sflag:$0x1] =	stream.linear.gather [hbm4b:s20+s4], $0x2800, $0x38;
	[tilespmem:$0x11E80] =	vst v63  }
0xfb: {  	s24 =	rddreg [dreg:$0x6]  }
0xfc: {  	[tilespmem:s5], [sflag:$0x2] =	stream.linear.gather [hbm4b:s24+s4], $0x2800, $0x38;
	[tilespmem:$0x11E80] =	vst v63  }
0xfd: {  	[spmem:s0], [sflag:s23] =	dma.local [hbm:s19], $0x4E8  }
0xfe: {  	s0 =	rddreg [dreg:$0x9]  }
0xff: {  	s19 =	rddreg [dreg:$0xc]  }
0x100: {  	[spmem:s6], [sflag:s19] =	dma.local [hbm:s0], $0x4E8  }
0x101: {  	_ =	swait.ge [sflag:s7], $0x2800  }
0x102: {  	[sflag:s7] =	ssyncset.done $0x0  }
0x103: {  	[sflag:s7] =	ssyncadd.s32 $0xFFFFD800  }
0x104: {  	_ =	swait.ge [sflag:s8], $0x2800  }
0x105: {  	[sflag:s8] =	ssyncset.done $0x0  }
0x106: {  	[sflag:s8] =	ssyncadd.s32 $0xFFFFD800  }
0x107: {  	_ =	swait.ge [sflag:s9], $0x4E8  }
0x108: {  	[sflag:s9] =	ssyncset.done $0x0  }
0x109: {  	[sflag:s9] =	ssyncadd.s32 $0xFFFFFB18  }
0x10a: {  	_ =	swait.ge [sflag:s10], $0x4E8  }
0x10b: {  	[sflag:s10] =	ssyncset.done $0x0  }
0x10c: {  	[sflag:s10] =	ssyncadd.s32 $0xFFFFFB18  }
0x10d: {  	[bflag:$0x0] =	sbarrier.arrive $0xFFFF  }
0x10e: {  	[tilespmem:s12], [sflag:$0x1] =	stream.indirect.gather [spmem:s2], $0x10, s4, s11, $0xb8;
	[tilespmem:$0x11E80] =	vst v63  }
0x10f: {  	_ = 	snop  }
0x110: {  	[tilespmem:s13], [sflag:$0x2] =	stream.indirect.gather [spmem:s2], $0x10, s11, s11, $0xb8;
	[tilespmem:$0x11E80] =	vst v63  }
0x111: {  	s23 =	rddreg [dreg:$0xd]  }
0x112: {  	[tilespmem:s15], [sflag:$0x3] =	stream.indirect.gather [spmem:s2], $0x10, s23, s11, $0xb8;
	[tilespmem:$0x11E80] =	vst v63  }
0x113: {  	s24 =	rddreg [dreg:$0xe]  }
0x114: {  	[tilespmem:s16], [sflag:$0x4] =	stream.indirect.gather [spmem:s2], $0x10, s24, s11, $0xb8;
	[tilespmem:$0x11E80] =	vst v63  }
0x115: {  	_ =	swait.ge [sflag:s7], $0x2000  }
0x116: {  	[sflag:s7] =	ssyncset.done $0x0  }
0x117: {  	[sflag:s7] =	ssyncadd.s32 $0xFFFFE000  }
0x118: {  	[spmem:s3] =	stream.indirect.scatter.add.f32 [tilespmem:s12], [sflag:$0x7], $0x10, s5, s11, $0xb8;
	[tilespmem:$0x11E80] =	vst v63  }
0x119: {  	_ =	swait.ge [sflag:s14], $0x2000  }
0x11a: {  	[sflag:s14] =	ssyncset.done $0x0  }
0x11b: {  	s20 =	rddreg [dreg:$0xf];
	[sflag:s14] =	ssyncadd.s32 $0xFFFFE000  }
0x11c: {  	[tilespmem:s12], [sflag:$0x1] =	stream.indirect.gather [spmem:s2], $0x10, s20, s11, $0xb8;
	[tilespmem:$0x11E80] =	vst v63  }
0x11d: {  	_ =	swait.ge [sflag:s8], $0x2000  }
0x11e: {  	[sflag:s8] =	ssyncset.done $0x0  }
0x11f: {  	s23 =	rddreg [dreg:$0x10];
	[sflag:s8] =	ssyncadd.s32 $0xFFFFE000  }
0x120: {  	[spmem:s3] =	stream.indirect.scatter.add.f32 [tilespmem:s13], [sflag:$0x7], $0x10, s23, s11, $0xb8;
	[tilespmem:$0x11E80] =	vst v63  }
0x121: {  	_ =	swait.ge [sflag:s14], $0x2000  }
0x122: {  	[sflag:s14] =	ssyncset.done $0x0  }
0x123: {  	s24 =	rddreg [dreg:$0x11];
	[sflag:s14] =	ssyncadd.s32 $0xFFFFE000  }
0x124: {  	[tilespmem:s13], [sflag:$0x2] =	stream.indirect.gather [spmem:s2], $0x10, s24, s11, $0xb8;
	[tilespmem:$0x11E80] =	vst v63  }
0x125: {  	_ =	swait.ge [sflag:s17], $0x2000  }
0x126: {  	[sflag:s17] =	ssyncset.done $0x0  }
0x127: {  	s19 =	rddreg [dreg:$0x12];
	[sflag:s17] =	ssyncadd.s32 $0xFFFFE000  }
0x128: {  	[spmem:s3] =	stream.indirect.scatter.add.f32 [tilespmem:s15], [sflag:$0x7], $0x10, s19, s11, $0xb8;
	[tilespmem:$0x11E80] =	vst v63  }
0x129: {  	_ =	swait.ge [sflag:s14], $0x2000  }
0x12a: {  	[sflag:s14] =	ssyncset.done $0x0  }
0x12b: {  	s20 =	rddreg [dreg:$0x13];
	[sflag:s14] =	ssyncadd.s32 $0xFFFFE000  }
0x12c: {  	[tilespmem:s15], [sflag:$0x3] =	stream.indirect.gather [spmem:s2], $0x10, s20, s11, $0xb8;
	[tilespmem:$0x11E80] =	vst v63  }
0x12d: {  	_ =	swait.ge [sflag:s18], $0x2000  }
0x12e: {  	[sflag:s18] =	ssyncset.done $0x0  }
0x12f: {  	s23 =	rddreg [dreg:$0x14];
	[sflag:s18] =	ssyncadd.s32 $0xFFFFE000  }
0x130: {  	[spmem:s3] =	stream.indirect.scatter.add.f32 [tilespmem:s16], [sflag:$0x7], $0x10, s23, s11, $0xb8;
	[tilespmem:$0x11E80] =	vst v63  }
0x131: {  	_ =	swait.ge [sflag:s14], $0x2000  }
0x132: {  	[sflag:s14] =	ssyncset.done $0x0  }
0x133: {  	s24 =	rddreg [dreg:$0x15];
	[sflag:s14] =	ssyncadd.s32 $0xFFFFE000  }
0x134: {  	[tilespmem:s16], [sflag:$0x4] =	stream.indirect.gather [spmem:s2], $0x10, s24, s11, $0xb8;
	[tilespmem:$0x11E80] =	vst v63  }
0x135: {  	_ =	swait.ge [sflag:s7], $0x2000  }
0x136: {  	[sflag:s7] =	ssyncset.done $0x0  }
0x137: {  	s19 =	rddreg [dreg:$0x16];
	[sflag:s7] =	ssyncadd.s32 $0xFFFFE000  }
0x138: {  	[spmem:s3] =	stream.indirect.scatter.add.f32 [tilespmem:s12], [sflag:$0x7], $0x10, s19, s11, $0xb8;
	[tilespmem:$0x11E80] =	vst v63  }
0x139: {  	_ =	swait.ge [sflag:s14], $0x2000  }
0x13a: {  	[sflag:s14] =	ssyncset.done $0x0  }
0x13b: {  	s20 =	rddreg [dreg:$0x17];
	[sflag:s14] =	ssyncadd.s32 $0xFFFFE000  }
0x13c: {  	[tilespmem:s12], [sflag:$0x1] =	stream.indirect.gather [spmem:s2], $0x10, s20, s11, $0xb8;
	[tilespmem:$0x11E80] =	vst v63  }
0x13d: {  	_ =	swait.ge [sflag:s8], $0x2000  }
0x13e: {  	[sflag:s8] =	ssyncset.done $0x0  }
0x13f: {  	s23 =	rddreg [dreg:$0x18];
	[sflag:s8] =	ssyncadd.s32 $0xFFFFE000  }
0x140: {  	[spmem:s3] =	stream.indirect.scatter.add.f32 [tilespmem:s13], [sflag:$0x7], $0x10, s23, s11, $0xb8;
	[tilespmem:$0x11E80] =	vst v63  }
0x141: {  	_ =	swait.ge [sflag:s14], $0x2000  }
0x142: {  	[sflag:s14] =	ssyncset.done $0x0  }
0x143: {  	s24 =	rddreg [dreg:$0x19];
	[sflag:s14] =	ssyncadd.s32 $0xFFFFE000  }
0x144: {  	[tilespmem:s13], [sflag:$0x2] =	stream.indirect.gather [spmem:s2], $0x10, s24, s11, $0xb8;
	[tilespmem:$0x11E80] =	vst v63  }
0x145: {  	_ =	swait.ge [sflag:s17], $0x2000  }
0x146: {  	[sflag:s17] =	ssyncset.done $0x0  }
0x147: {  	s19 =	rddreg [dreg:$0x1a];
	[sflag:s17] =	ssyncadd.s32 $0xFFFFE000  }
0x148: {  	[spmem:s3] =	stream.indirect.scatter.add.f32 [tilespmem:s15], [sflag:$0x7], $0x10, s19, s11, $0xb8;
	[tilespmem:$0x11E80] =	vst v63  }
0x149: {  	_ =	swait.ge [sflag:s14], $0x2000  }
0x14a: {  	[sflag:s14] =	ssyncset.done $0x0  }
0x14b: {  	s20 =	rddreg [dreg:$0x1b];
	[sflag:s14] =	ssyncadd.s32 $0xFFFFE000  }
0x14c: {  	[tilespmem:s15], [sflag:$0x3] =	stream.indirect.gather [spmem:s2], $0x10, s20, s11, $0xb8;
	[tilespmem:$0x11E80] =	vst v63  }
0x14d: {  	_ =	swait.ge [sflag:s18], $0x2000  }
0x14e: {  	[sflag:s18] =	ssyncset.done $0x0  }
0x14f: {  	s23 =	rddreg [dreg:$0x1c];
	[sflag:s18] =	ssyncadd.s32 $0xFFFFE000  }
0x150: {  	[spmem:s3] =	stream.indirect.scatter.add.f32 [tilespmem:s16], [sflag:$0x7], $0x10, s23, s11, $0xb8;
	[tilespmem:$0x11E80] =	vst v63  }
0x151: {  	_ =	swait.ge [sflag:s14], $0x2000  }
0x152: {  	[sflag:s14] =	ssyncset.done $0x0  }
0x153: {  	s24 =	rddreg [dreg:$0x1d];
	[sflag:s14] =	ssyncadd.s32 $0xFFFFE000  }
0x154: {  	[tilespmem:s16], [sflag:$0x4] =	stream.indirect.gather [spmem:s2], $0x10, s24, s11, $0xb8;
	[tilespmem:$0x11E80] =	vst v63  }
0x155: {  	_ =	swait.ge [sflag:s7], $0x2000  }
0x156: {  	[sflag:s7] =	ssyncset.done $0x0  }
0x157: {  	s19 =	rddreg [dreg:$0x1e];
	[sflag:s7] =	ssyncadd.s32 $0xFFFFE000  }
0x158: {  	[spmem:s3] =	stream.indirect.scatter.add.f32 [tilespmem:s12], [sflag:$0x7], $0x10, s19, s11, $0xb8;
	[tilespmem:$0x11E80] =	vst v63  }
0x159: {  	_ =	swait.ge [sflag:s14], $0x2000  }
0x15a: {  	[sflag:s14] =	ssyncset.done $0x0  }
0x15b: {  	s20 =	rddreg [dreg:$0x1f];
	[sflag:s14] =	ssyncadd.s32 $0xFFFFE000  }
0x15c: {  	[tilespmem:s12], [sflag:$0x1] =	stream.indirect.gather [spmem:s2], $0x10, s20, s11, $0xb8;
	[tilespmem:$0x11E80] =	vst v63  }
0x15d: {  	_ =	swait.ge [sflag:s8], $0x2000  }
0x15e: {  	s23 =	sld [smem:$0x7F3]  }
0x15f: {  	[sflag:s8] =	ssyncset.done $0x0  }
0x160: {  	[sflag:s8] =	ssyncadd.s32 $0xFFFFE000  }
0x161: {  	[spmem:s3] =	stream.indirect.scatter.add.f32 [tilespmem:s13], [sflag:$0x7], $0x10, s23, s11, $0xb8;
	[tilespmem:$0x11E80] =	vst v63  }
0x162: {  	_ =	swait.ge [sflag:s14], $0x2000  }
0x163: {  	s24 =	sld [smem:$0x7F4]  }
0x164: {  	[sflag:s14] =	ssyncset.done $0x0  }
0x165: {  	[sflag:s14] =	ssyncadd.s32 $0xFFFFE000  }
0x166: {  	[tilespmem:s13], [sflag:$0x2] =	stream.indirect.gather [spmem:s2], $0x10, s24, s11, $0xb8;
	[tilespmem:$0x11E80] =	vst v63  }
0x167: {  	_ =	swait.ge [sflag:s17], $0x2000  }
0x168: {  	s19 =	sld [smem:$0x7F5]  }
0x169: {  	[sflag:s17] =	ssyncset.done $0x0  }
0x16a: {  	[sflag:s17] =	ssyncadd.s32 $0xFFFFE000  }
0x16b: {  	[spmem:s3] =	stream.indirect.scatter.add.f32 [tilespmem:s15], [sflag:$0x7], $0x10, s19, s11, $0xb8;
	[tilespmem:$0x11E80] =	vst v63  }
0x16c: {  	_ =	swait.ge [sflag:s14], $0x2000  }
0x16d: {  	s20 =	sld [smem:$0x7F6]  }
0x16e: {  	[sflag:s14] =	ssyncset.done $0x0  }
0x16f: {  	[sflag:s14] =	ssyncadd.s32 $0xFFFFE000  }
0x170: {  	[tilespmem:s15], [sflag:$0x3] =	stream.indirect.gather [spmem:s2], $0x10, s20, s11, $0xb8;
	[tilespmem:$0x11E80] =	vst v63  }
0x171: {  	_ =	swait.ge [sflag:s18], $0x2000  }
0x172: {  	s23 =	sld [smem:$0x7F7]  }
0x173: {  	[sflag:s18] =	ssyncset.done $0x0  }
0x174: {  	[sflag:s18] =	ssyncadd.s32 $0xFFFFE000  }
0x175: {  	[spmem:s3] =	stream.indirect.scatter.add.f32 [tilespmem:s16], [sflag:$0x7], $0x10, s23, s11, $0xb8;
	[tilespmem:$0x11E80] =	vst v63  }
0x176: {  	_ =	swait.ge [sflag:s14], $0x2000  }
0x177: {  	s24 =	sld [smem:$0x7F8]  }
0x178: {  	[sflag:s14] =	ssyncset.done $0x0  }
0x179: {  	[sflag:s14] =	ssyncadd.s32 $0xFFFFE000  }
0x17a: {  	[tilespmem:s16], [sflag:$0x4] =	stream.indirect.gather [spmem:s2], $0x10, s24, s11, $0xb8;
	[tilespmem:$0x11E80] =	vst v63  }
0x17b: {  	_ =	swait.ge [sflag:s7], $0x2000  }
0x17c: {  	s19 =	sld [smem:$0x7F9]  }
0x17d: {  	[sflag:s7] =	ssyncset.done $0x0  }
0x17e: {  	[sflag:s7] =	ssyncadd.s32 $0xFFFFE000  }
0x17f: {  	[spmem:s3] =	stream.indirect.scatter.add.f32 [tilespmem:s12], [sflag:$0x7], $0x10, s19, s11, $0xb8;
	[tilespmem:$0x11E80] =	vst v63  }
0x180: {  	_ =	swait.ge [sflag:s14], $0x2000  }
0x181: {  	s20 =	sld [smem:$0x7FA]  }
0x182: {  	[sflag:s14] =	ssyncset.done $0x0  }
0x183: {  	[sflag:s14] =	ssyncadd.s32 $0xFFFFE000  }
0x184: {  	[tilespmem:s12], [sflag:$0x1] =	stream.indirect.gather [spmem:s2], $0x10, s20, s11, $0xb8;
	[tilespmem:$0x11E80] =	vst v63  }
0x185: {  	_ =	swait.ge [sflag:s8], $0x2000  }
0x186: {  	s23 =	sld [smem:$0x7FB]  }
0x187: {  	[sflag:s8] =	ssyncset.done $0x0  }
0x188: {  	[sflag:s8] =	ssyncadd.s32 $0xFFFFE000  }
0x189: {  	[spmem:s3] =	stream.indirect.scatter.add.f32 [tilespmem:s13], [sflag:$0x7], $0x10, s23, s11, $0xb8;
	[tilespmem:$0x11E80] =	vst v63  }
0x18a: {  	_ =	swait.ge [sflag:s14], $0x2000  }
0x18b: {  	s24 =	sld [smem:$0x7FC]  }
0x18c: {  	[sflag:s14] =	ssyncset.done $0x0  }
0x18d: {  	[sflag:s14] =	ssyncadd.s32 $0xFFFFE000  }
0x18e: {  	[tilespmem:s13], [sflag:$0x2] =	stream.indirect.gather [spmem:s2], $0x10, s24, s11, $0xb8;
	[tilespmem:$0x11E80] =	vst v63  }
0x18f: {  	_ =	swait.ge [sflag:s17], $0x2000  }
0x190: {  	s19 =	sld [smem:$0x7FD]  }
0x191: {  	[sflag:s17] =	ssyncset.done $0x0  }
0x192: {  	[sflag:s17] =	ssyncadd.s32 $0xFFFFE000  }
0x193: {  	[spmem:s3] =	stream.indirect.scatter.add.f32 [tilespmem:s15], [sflag:$0x7], $0x10, s19, s11, $0xb8;
	[tilespmem:$0x11E80] =	vst v63  }
0x194: {  	_ =	swait.ge [sflag:s14], $0x2000  }
0x195: {  	[sflag:s14] =	ssyncset.done $0x0  }
0x196: {  	s20 =	simm.s32 $0x2400;
	[sflag:s14] =	ssyncadd.s32 $0xFFFFE000  }
0x197: {  	[tilespmem:s15], [sflag:$0x3] =	stream.indirect.gather [spmem:s2], $0x10, s20, s11, $0xb8;
	[tilespmem:$0x11E80] =	vst v63  }
0x198: {  	_ =	swait.ge [sflag:s18], $0x2000  }
0x199: {  	[sflag:s18] =	ssyncset.done $0x0  }
0x19a: {  	s23 =	simm.s32 $0x4600;
	[sflag:s18] =	ssyncadd.s32 $0xFFFFE000  }
0x19b: {  	[spmem:s3] =	stream.indirect.scatter.add.f32 [tilespmem:s16], [sflag:$0x7], $0x10, s23, s11, $0xb8;
	[tilespmem:$0x11E80] =	vst v63  }
0x19c: {  	_ =	swait.ge [sflag:s14], $0x2000  }
0x19d: {  	[sflag:s14] =	ssyncset.done $0x0  }
0x19e: {  	s0 =	simm.s32 @!p0 $0x2600;
	[sflag:s14] =	ssyncadd.s32 $0xFFFFE000  }
0x19f: {  	[tilespmem:s21], [sflag:$0x4] =	stream.indirect.gather @!p0 [spmem:s2], $0x10, s0, s22, $0xb8;
	[tilespmem:$0x11E80] =	vst v63  }
0x1a0: {  	_ =	swait.ge [sflag:s7], $0x2000  }
0x1a1: {  	[sflag:s7] =	ssyncset.done $0x0  }
0x1a2: {  	s24 =	simm.s32 $0x4800;
	[sflag:s7] =	ssyncadd.s32 $0xFFFFE000  }
0x1a3: {  	[spmem:s3] =	stream.indirect.scatter.add.f32 [tilespmem:s12], [sflag:$0x7], $0x10, s24, s11, $0xb8;
	[tilespmem:$0x11E80] =	vst v63  }
0x1a4: {  	_ =	swait.ge [sflag:s14], $0x2000  }
0x1a5: {  	[sflag:s14] =	ssyncset.done $0x0  }
0x1a6: {  	[sflag:s14] =	ssyncadd.s32 $0xFFFFE000  }
0x1a7: {  	_ =	swait.ge [sflag:s8], $0x2000  }
0x1a8: {  	[sflag:s8] =	ssyncset.done $0x0  }
0x1a9: {  	[sflag:s8] =	ssyncadd.s32 $0xFFFFE000  }
0x1aa: {  	[spmem:s3] =	stream.indirect.scatter.add.f32 [tilespmem:s13], [sflag:$0x7], $0x10, s25, s11, $0xb8;
	[tilespmem:$0x11E80] =	vst v63  }
0x1ab: {  	_ =	swait.ge [sflag:s14], $0x2000  }
0x1ac: {  	[sflag:s14] =	ssyncset.done $0x0  }
0x1ad: {  	[sflag:s14] =	ssyncadd.s32 $0xFFFFE000  }
0x1ae: {  	_ =	swait.ge [sflag:s17], $0x2000  }
0x1af: {  	[sflag:s17] =	ssyncset.done $0x0  }
0x1b0: {  	[sflag:s17] =	ssyncadd.s32 $0xFFFFE000  }
0x1b1: {  	[spmem:s3] =	stream.indirect.scatter.add.f32 [tilespmem:s15], [sflag:$0x7], $0x10, s26, s11, $0xb8;
	[tilespmem:$0x11E80] =	vst v63  }
0x1b2: {  	_ =	swait.ge [sflag:s14], $0x2000  }
0x1b3: {  	[sflag:s14] =	ssyncset.done $0x0  }
0x1b4: {  	[sflag:s14] =	ssyncadd.s32 $0xFFFFE000  }
0x1b5: {  	_ =	swait.ge @!p0 [sflag:s28], $0x2000  }
0x1b6: {  	s1 =	sadd.s32 $0xFFFFFFFF, s1;
	[sflag:s28] =	ssyncset.done @!p0 $0x0  }
0x1b7: {  	p1 =	sne.s32 s1, $0x0;
	[sflag:s28] =	ssyncadd.s32 @!p0 $0xFFFFE000  }
0x1b8: {  	[spmem:s3] =	stream.indirect.scatter.add.f32 @!p0 [tilespmem:s21], [sflag:$0x7], $0x10, s29, s22, $0xb8;
	[tilespmem:$0x11E80] =	vst v63  }
.Ltmp1:
0x1b9: {  	_ =	swait.ge @!p0 [sflag:s30], $0x2000;
	(pc) =	sbr.rel @p1 .LBB2_1-.Ltmp1, $4  }
0x1ba: {  	[sflag:s30] =	ssyncset.done @!p0 $0x0  }
0x1bb: {  	[sflag:s30] =	ssyncadd.s32 @!p0 $0xFFFFE000  }
0x1bc: {  	[bflag:$0x0] =	sbarrier.arrive $0xFFFF  }
0x1bd: {  	s0 =	rddreg [dreg:$0xa]  }
.LBB2_2:
0x1be: {  	[hbm:s0], [sflag:s31] =	dma.local [spmem:s6], $0x4E8  }
0x1bf: {  	_ =	swait.ge [sflag:s14], $0x4E8  }
0x1c0: {  	[sflag:s14] =	ssyncset.done $0x0  }
0x1c1: {  	[sflag:s14] =	ssyncadd.s32 $0xFFFFFB18  }
0x1c2: {  	_ =	sfence.sel $0x180000  }
0x1c3: {  	[bflag:$0x0] =	sbarrier.arrive $0xFFFF  }
0x1c4: {  	_ =	strace $0x9000004D  }
0x1c5: {  	s31 =	stileid.u32;
	[bflag:$0x2] =	sbarrier.arrive $0xFFFF  }
0x1c6: {  	p0 =	sne.s32 s31, $0x0;
	s0 =	rddreg [dreg:$0x4]  }
0x1c7: {  	s0 =	sadd.s32 @!p0 $0x100000, s0  }
0x1c8: {  	[sflag:s0] =	ssyncadd.tile.s32 @!p0 $0x1;
	_ =	shalt  }
.Lfunc_end2:
_tile_overlayer_lowered:
.L_overlay_start_2:
0x1c9: {  	(tag) =	ssettag $0x2  }
0x1ca: {  	s0 =	rddreg [dreg:$0x0];
	s2 =	stileid.u32  }
0x1cb: {  	s1 =	rddreg [dreg:$0x1];
	p0 =	sne.s32 s2, $0x0  }
0x1cc: {  	s3 =	rddreg [dreg:$0x2];
	[bflag:$0x3] =	sbarrier.arrive $0xFFFF;
	s2 =	simm.s32 @!p0 $0x1C07  }
0x1cd: {  	[timem:s3], [sflag:s2] =	dma.local @!p0 [hbm:s0], s1  }
0x1ce: {  	s0 =	simm.s32 @!p0 $0x7  }
0x1cf: {  	_ =	swait.ge @!p0 [sflag:s0], s1  }
0x1d0: {  	s1 =	ssub.s32 @!p0 $0x0, s1;
	[sflag:s0] =	ssyncset.done @!p0 $0x0  }
0x1d1: {  	[sflag:s0] =	ssyncadd.s32 @!p0 s1  }
0x1d2: {  	[bflag:$0x3] =	sbarrier.arrive $0xFFFF  }
0x1d3: {  	_ =	shalt  }

// kernel: kernel.8.cloned.1.call-start
scs
__scs_entry_jumppad:
0x0: {  	(pc) =	sbr.rel $0x88, $3  }
0x1: {  	(tag) =	ssettag $0x0;
	lr =	simm.s32 $0x1  }
0x2: {  	[smem:$0x3F9B] =	sst lr;
	_ =	strace $0xD0000000  }
0x3: {  	_ = 	snop  }
0x4: {  	_ = 	snop  }
0x5: {  	_ = 	snop  }
0x6: {  	_ = 	snop  }
0x7: {  	_ = 	snop  }
__scs_overlays_trampoline_lowered:
0x8: {  	[smem:$0x3FAA] =	sst s0  }
0x9: {  	[smem:$0x3FAB] =	sst s1  }
0xa: {  	[smem:$0x3FAC] =	sst s2  }
0xb: {  	[smem:$0x3FAD] =	sst s3  }
0xc: {  	[smem:$0x3FAE] =	sst s4  }
0xd: {  	[smem:$0x3FAF] =	sst s5  }
0xe: {  	[smem:$0x3FB0] =	sst s6  }
0xf: {  	[smem:$0x3FB1] =	sst s7  }
0x10: {  	[smem:$0x3FB2] =	sst s8  }
0x11: {  	[smem:$0x3FB3] =	sst s9;
	s0 =	simm.s32 @!p0 $0x0  }
0x12: {  	s1 =	sld [smem:$0x3F99];
	s0 =	simm.s32 @p0 $0x1  }
0x13: {  	[smem:$0x3FB4] =	sst s0;
	s0 =	simm.s32 @!p1 $0x0  }
0x14: {  	s2 =	sld [smem:$0x3F98];
	s0 =	simm.s32 @p1 $0x1  }
0x15: {  	[smem:$0x3FB5] =	sst s0;
	s0 =	simm.s32 @!p2 $0x0  }
0x16: {  	s3 =	sld [smem:$0x3FDB];
	s0 =	simm.s32 @p2 $0x1  }
0x17: {  	s4 =	simm.s32 $0x1BF5;
	[smem:$0x3FB7] =	sst s0  }
0x18: {  	s0 =	sld [smem:$0x3F9A];
	_ =	swait.ge [sflag:s4], $0x0  }
0x19: {  	s7 =	sld [smem:$0x3F9B]  }
0x1a: {  	s8 =	sadd.s32 $0xFFFFE003, lr  }
0x1b: {  	s9 =	sadd.s32 $0xFFFFFEF7, lr;
	s5 =	simm.s32 $0xFFFFFFFF;
	p2 =	slt.u32 s8, $0xFFFFF086  }
0x1c: {  	p1 =	slt.u32 s9, $0xF7A;
	s5 =	simm.s32 @!p2 $0x0  }
0x1d: {  	s5 =	simm.s32 @p1 $0x1;
	p0 =	seq.s32 s7, s2  }
0x1e: {  	s7 =	smul.u32 @!p0 $0xF7A, s2;
	p2 =	seq.s32 @!p0 s5, $0x0  }
0x1f: {  	s9 =	smul.u32 $0xF7A, s1;
	s8 =	simm.s32 @!p0 $0x1BF5;
	p2 =	por !p2, p0  }
0x20: {  	[sflag:s8] =	ssyncset.s32 @!p0 $0xFFFFF086;
	s6 =	sadd.s32 @!p0 s3, s7;
	s7 =	simm.s32 @!p0 $0x108  }
0x21: {  	s3 =	sadd.s32 s3, s9;
	s6 =	sadd.s32 @!p0 $0x88, s6;
	s7 =	simm.s32 @p2 $0x1082  }
0x22: {  	[simem:s7], [sflag:s8] =	dma.local @!p0 [hbm:s6], $0xF7A  }
0x23: {  	s9 =	sor.u32 $0xD0000000, s2;
	s6 =	simm.s32 $0x108;
	_ =	swait.ge @!p0 [sflag:s8], $0x0  }
0x24: {  	s3 =	sadd.s32 $0x88, s3;
	s6 =	simm.s32 @!p1 $0x1082;
	[sflag:s4] =	ssyncset.s32 $0xFFFFF086  }
0x25: {  	[simem:s6], [sflag:s4] =	dma.local [hbm:s3], $0xF7A  }
0x26: {  	[smem:$0x3F9B] =	sst s1;
	(tag) =	ssettag s2;
	_ =	strace s9  }
0x27: {  	s1 =	sld [smem:$0x3FAB]  }
0x28: {  	s2 =	sld [smem:$0x3FAC]  }
0x29: {  	s4 =	sld [smem:$0x3FAE]  }
0x2a: {  	p0 =	seq.s32 s5, $0x0;
	s5 =	sld [smem:$0x3FAF]  }
0x2b: {  	s6 =	sld [smem:$0x3FB0]  }
0x2c: {  	s7 =	sld [smem:$0x3FB1]  }
0x2d: {  	s3 =	simm.s32 $0x108;
	s8 =	sld [smem:$0x3FB2]  }
0x2e: {  	s3 =	simm.s32 @!p0 $0x1082;
	s9 =	sld [smem:$0x3FB3]  }
0x2f: {  	lr =	sadd.s32 s0, s3;
	s0 =	sld [smem:$0x3FAA]  }
0x30: {  	s3 =	sld [smem:$0x3FAD]  }
0x31: {  	[smem:$0x3FB6] =	sst s10  }
0x32: {  	s10 =	sld [smem:$0x3FB4];
	_ =	sdelay $0x3  }
0x33: {  	p0 =	seq.s32 s10, $0x1;
	s10 =	sld [smem:$0x3FB6];
	_ =	sdelay $0x3  }
0x34: {  	[smem:$0x3FB6] =	sst s10  }
0x35: {  	s10 =	sld [smem:$0x3FB5];
	_ =	sdelay $0x3  }
0x36: {  	p1 =	seq.s32 s10, $0x1;
	s10 =	sld [smem:$0x3FB6];
	_ =	sdelay $0x3  }
0x37: {  	[smem:$0x3FB6] =	sst s10  }
0x38: {  	s10 =	sld [smem:$0x3FB7]  }
0x39: {  	_ = 	snop;
	(pc) =	sbr.ind lr, $3  }
0x3a: {  	_ = 	snop  }
0x3b: {  	_ = 	snop  }
0x3c: {  	p2 =	seq.s32 s10, $0x1;
	s10 =	sld [smem:$0x3FB6]  }
0x3d: {  	_ =	shalt  }
0x3e: {  	_ =	shalt  }
0x3f: {  	_ =	shalt  }
0x40: {  	_ =	shalt  }
0x41: {  	_ =	shalt  }
0x42: {  	_ =	shalt  }
0x43: {  	_ =	shalt  }
0x44: {  	_ =	shalt  }
0x45: {  	_ =	shalt  }
0x46: {  	_ =	shalt  }
0x47: {  	_ =	shalt  }
0x48: {  	_ =	shalt  }
0x49: {  	_ =	shalt  }
0x4a: {  	_ =	shalt  }
0x4b: {  	_ =	shalt  }
0x4c: {  	_ =	shalt  }
0x4d: {  	_ =	shalt  }
0x4e: {  	_ =	shalt  }
0x4f: {  	_ =	shalt  }
0x50: {  	_ =	shalt  }
0x51: {  	_ =	shalt  }
0x52: {  	_ =	shalt  }
0x53: {  	_ =	shalt  }
0x54: {  	_ =	shalt  }
0x55: {  	_ =	shalt  }
0x56: {  	_ =	shalt  }
0x57: {  	_ =	shalt  }
0x58: {  	_ =	shalt  }
0x59: {  	_ =	shalt  }
0x5a: {  	_ =	shalt  }
0x5b: {  	_ =	shalt  }
0x5c: {  	_ =	shalt  }
0x5d: {  	_ =	shalt  }
0x5e: {  	_ =	shalt  }
0x5f: {  	_ =	shalt  }
0x60: {  	_ =	shalt  }
0x61: {  	_ =	shalt  }
0x62: {  	_ =	shalt  }
0x63: {  	_ =	shalt  }
0x64: {  	_ =	shalt  }
0x65: {  	_ =	shalt  }
0x66: {  	_ =	shalt  }
0x67: {  	_ =	shalt  }
0x68: {  	_ =	shalt  }
0x69: {  	_ =	shalt  }
0x6a: {  	_ =	shalt  }
0x6b: {  	_ =	shalt  }
0x6c: {  	_ =	shalt  }
0x6d: {  	_ =	shalt  }
0x6e: {  	_ =	shalt  }
0x6f: {  	_ =	shalt  }
0x70: {  	_ =	shalt  }
0x71: {  	_ =	shalt  }
0x72: {  	_ =	shalt  }
0x73: {  	_ =	shalt  }
0x74: {  	_ =	shalt  }
0x75: {  	_ =	shalt  }
0x76: {  	_ =	shalt  }
0x77: {  	_ =	shalt  }
0x78: {  	_ =	shalt  }
0x79: {  	_ =	shalt  }
0x7a: {  	_ =	shalt  }
0x7b: {  	_ =	shalt  }
0x7c: {  	_ =	shalt  }
0x7d: {  	_ =	shalt  }
0x7e: {  	_ =	shalt  }
0x7f: {  	_ =	shalt  }
0x80: {  	_ =	shalt  }
0x81: {  	_ =	shalt  }
0x82: {  	_ =	shalt  }
0x83: {  	_ =	shalt  }
0x84: {  	_ =	shalt  }
0x85: {  	_ =	shalt  }
0x86: {  	_ =	shalt  }
0x87: {  	_ =	shalt  }
.Lfunc_end0:
.L_simem_size_0:
called_computation_lowered:
.L_overlay_start_0:
0x88: {  	s2 =	sld [smem:$0x3FD9]  }
0x89: {  	s3 =	sld [smem:$0x3FFE];
	_ =	sdelay $0x1  }
0x8a: {  	s1 =	srdreg.scid  }
0x8b: {  	s0 =	sand.u32 $0x1, s1  }
0x8c: {  	s17 =	sshll.u32 s0, $0xA;
	s2 =	sadd.s32 s3, s2  }
0x8d: {  	s2 =	sadd.s32 s2, s17  }
0x8e: {  	[smem:$0x3FC2] =	sst s2  }
0x8f: {  	_ = 	snop  }
0x90: {  	s2 =	sld [smem:$0x3FD0];
	(tm) =	ssettm $0x1  }
0x91: {  	s18 =	sld [smem:$0x3FFB];
	_ =	sdelay $0x3  }
0x92: {  	_ =	strace s18  }
0x93: {  	s3 =	sld [smem:$0x3FFC];
	_ =	sdelay $0x3  }
0x94: {  	_ =	strace s3  }
0x95: {  	s3 =	sld [smem:$0x3FFD];
	_ =	sdelay $0x3  }
0x96: {  	_ =	strace s3  }
0x97: {  	_ =	strace $0x8FFFFFFF  }
0x98: {  	s19 =	sld [smem:$0x3FDB];
	_ =	sdelay $0x1  }
0x99: {  	s4 =	simm.s32 $_scs_section_size  }
0x9a: {  	s5 =	simm.s32 $_size__tile_overlayer_lowered;
	s6 =	simm.s32 $_tile_overlayer_lowered  }
0x9b: {  	s22 =	simm.s32 $0x1BFF;
	s21 =	sshll.u32 s6, $0x1;
	s3 =	sadd.s32 s4, s19  }
0x9c: {  	s7 =	simm.s32 $0x0;
	s20 =	sshll.u32 s5, $0x1;
	s5 =	sadd.s32 s21, s3  }
0x9d: {  	[timem:s7], [sflag:s22] =	dma.local [hbm:s5], s20  }
0x9e: {  	_ =	swait.ge [sflag:s22], s20  }
0x9f: {  	s4 =	ssub.s32 $0x0, s20;
	[sflag:s22] =	ssyncset.done $0x0  }
0xa0: {  	[sflag:s22] =	ssyncadd.s32 s4;
	_ =	sdelay $0x1  }
0xa1: {  	s23 =	simm.s32 $0x1B8B  }
0xa2: {  	_ =	swait.ge [sflag:s23], $0x1  }
0xa3: {  	[sflag:s23] =	ssyncset.done $0x0  }
0xa4: {  	s25 =	simm.s32 $0x1B8E;
	s24 =	sld [smem:$0x3FFE];
	[sflag:s23] =	ssyncadd.s32 $0xFFFFFFFF  }
0xa5: {  	s26 =	simm.s32 $execute0_lowered;
	[smem:$0x3FD2] =	sst s25  }
0xa6: {  	s5 =	sshll.u32 s26, $0x1;
	_ =	strace $0x80000046;
	[dreg:$0x1] =	wrdreg $0xFFFFFFFF  }
0xa7: {  	s28 =	simm.s32 $_size_execute0_lowered;
	s3 =	sadd.s32 s3, s5;
	[dreg:$0x0] =	wrdreg $0x0  }
0xa8: {  	s5 =	sshll.u32 s28, $0x1;
	[dreg:$0x2] =	wrdreg s3  }
0xa9: {  	[dreg:$0x3] =	wrdreg s5  }
0xaa: {  	[dreg:$0x4] =	wrdreg $0xC0  }
0xab: {  	_ =	task [dreg:s7], $0x5FFFF  }
0xac: {  	[dreg:$0x1] =	wrdreg $0xFFFFFFFF  }
0xad: {  	[dreg:$0x0] =	wrdreg $0x60  }
0xae: {  	[dreg:$0x2] =	wrdreg s24  }
0xaf: {  	[dreg:$0x3] =	wrdreg s2  }
0xb0: {  	[dreg:$0x4] =	wrdreg $0x48000  }
0xb1: {  	[dreg:$0x5] =	wrdreg $0x9  }
0xb2: {  	_ =	task.clear_ibuf [dreg:s7], $0x6FFFF;
	_ =	strace $0x90000046  }
0xb3: {  	s29 =	simm.s32 $0x9;
	_ =	strace $0x80000048  }
0xb4: {  	_ =	swait.ge [sflag:s29], $0x1  }
0xb5: {  	[sflag:s29] =	ssyncadd.s32 $0xFFFFFFFF  }
0xb6: {  	_ =	strace $0x90000048  }
0xb7: {  	_ =	sfence  }
0xb8: {  	s30 =	sld [smem:$0x0];
	_ =	sdelay $0x2  }
0xb9: {  	s31 =	sshll.u32 s1, $0xD;
	s1 =	sshrl.u32 s1, $0x2  }
0xba: {  	s3 =	sand.u32 $0x4000, s31;
	s1 =	sadd.s32 s1, s30  }
0xbb: {  	s0 =	sor.u32 s3, s0;
	s1 =	sshll.u32 s1, $0x11  }
0xbc: {  	s0 =	sor.u32 s1, s0  }
0xbd: {  	s0 =	sadd.s32 $0x8F2B, s0  }
0xbe: {  	[sflag:s0] =	ssyncadd.remote.s32 $0x1  }
0xbf: {  	_ =	sfence.sel $0xFFFF  }
0xc0: {  	[dreg:$0x0] =	wrdreg $0xFFFFFFFF;
	(pc) =	sbr.abs _section_cstart, $3  }
0xc1: {  	[dreg:$0x1] =	wrdreg $0xFFFFFFFF  }
0xc2: {  	_ =	task.clear_ibuf [dreg:s7], $0x2FFFF;
	_ =	strace $0x9FFFFFFF  }
0xc3: {  	(tm) =	ssettm $0x7FFFFFFF  }
tec
execute0_lowered:
.L_overlay_start_1:
0x0: {  	(tag) =	ssettag $0x1  }
0x1: {  	s6 =	rddreg [dreg:$0x0]  }
0x2: {  	s7 =	rddreg [dreg:$0x1]  }
0x3: {  	s0 =	srdreg.scid;
	s2 =	rddreg [dreg:$0x2]  }
0x4: {  	s3 =	simm.s32 $0x0;
	s14 =	simm.s32 $0x2;
	s15 =	simm.s32 $0x3  }
0x5: {  	s16 =	simm.s32 $0x200;
	s5 =	sand.u32 $0x1, s0;
	s0 =	stileid.u32  }
0x6: {  	s17 =	simm.s32 $0x4;
	s19 =	simm.s32 $0x0;
	s28 =	smul.u32 $0x4E8, s0  }
0x7: {  	[smem:$0x7FF] =	sst s3;
	s1 =	sshll.u32 s5, $0x4;
	s10 =	smul.u32 $0x4E80, s5  }
0x8: {  	s5 =	ssub.s32 $0x2, s5;
	s30 =	smul.u32 $0x2740, s0;
	s18 =	sshll.u32 s0, $0x6  }
0x9: {  	s8 =	sor.u32 s0, s1;
	s1 =	rddreg [dreg:$0x3];
	_ =	strace $0x80000047  }
0xa: {  	s29 =	sshrl.u32 s5, $0x1;
	s4 =	smul.u32 $0x13, s8;
	s9 =	smin.u32 s8, $0x11  }
0xb: {  	s12 =	ssub.s32 s5, s29;
	p0 =	slt.u32 s8, $0x11;
	s5 =	simm.s32 $0x14  }
0xc: {  	s31 =	sshrl.u32 s30, $0x3;
	s13 =	sadd.s32 s30, s2;
	s8 =	sor.u32 $0x1C03, s18  }
0xd: {  	s18 =	sor.u32 $0x1C04, s18;
	s5 =	simm.s32 @!p0 $0x13;
	s7 =	sadd.s32 s7, s31  }
0xe: {  	s4 =	sadd.s32 s9, s4;
	s9 =	sadd.s32 s28, s10;
	s10 =	smax.u32 s12, $0x1  }
0xf: {  	s12 =	sshrl.u32 s13, $0x3;
	s13 =	simm.s32 $0x1;
	s4 =	sshll.u32 s4, $0x6  }
0x10: {  	s9 =	sadd.s32 s9, s6;
	s11 =	sadd.s32 s4, s6;
	s4 =	sadd.s32 $0x16600, s6  }
0x11: {  	s9 =	sadd.s32 $0x16A00, s9;
	s6 =	sadd.s32 $0xC840, s11;
	s11 =	simm.s32 $0x2800  }
.LBB2_1:
0x12: {  	[tilespmem:s3], [sflag:$0x1] =	stream.linear.gather [hbm4b:s6+s3], $0x2800, $0x38;
	[tilespmem:$0x6F40] =	vst v63  }
0x13: {  	_ = 	snop  }
0x14: {  	[tilespmem:s11], [sflag:$0x2] =	stream.linear.gather [hbm4b:s4+s3], $0x2000, $0x38;
	[tilespmem:$0x6F40] =	vst v63  }
0x15: {  	[spmem:s12], [sflag:s8] =	dma.local [hbm:s7], $0x4E8  }
0x16: {  	_ =	swait.ge [sflag:s13], $0x2800  }
0x17: {  	[sflag:s13] =	ssyncset.done $0x0  }
0x18: {  	[sflag:s13] =	ssyncadd.s32 $0xFFFFD800  }
0x19: {  	_ =	swait.ge [sflag:s14], $0x2000  }
0x1a: {  	[sflag:s14] =	ssyncset.done $0x0  }
0x1b: {  	[sflag:s14] =	ssyncadd.s32 $0xFFFFE000  }
0x1c: {  	_ =	swait.ge [sflag:s15], $0x4E8  }
0x1d: {  	p0 =	sne.s32 s5, $0x1;
	[sflag:s15] =	ssyncset.done $0x0  }
.Ltmp0:
0x1e: {  	[sflag:s15] =	ssyncadd.s32 $0xFFFFFB18;
	(pc) =	sbr.rel @!p0 .LBB2_3-.Ltmp0, $4  }
0x1f: {  	[bflag:$0x0] =	sbarrier.arrive $0xFFFF  }
0x20: {  	[spmem:s2] =	stream.indirect.scatter.add.f32 [tilespmem:s11], [sflag:$0x4], $0x10, s3, s16, $0xb8;
	[tilespmem:$0x6F40] =	vst v63  }
0x21: {  	_ =	swait.ge [sflag:s17], $0x2000  }
0x22: {  	s20 =	sadd.s32 $0xFFFFFFFF, s5;
	s21 =	simm.s32 $0x0;
	[sflag:s17] =	ssyncset.done $0x0  }
.LBB2_2:
0x23: {  	p0 =	sne.s32 s20, $0x1;
	[sflag:s17] =	ssyncadd.s32 $0xFFFFE000;
	s21 =	sadd.s32 $0x200, s21  }
.Ltmp1:
0x24: {  	s20 =	sadd.s32 $0xFFFFFFFF, s20;
	(pc) =	sbr.rel @p0 .LBB2_2-.Ltmp1, $4  }
0x25: {  	_ = 	snop  }
0x26: {  	[spmem:s2] =	stream.indirect.scatter.add.f32 [tilespmem:s11], [sflag:$0x4], $0x10, s21, s16, $0xb8;
	[tilespmem:$0x6F40] =	vst v63  }
0x27: {  	_ =	swait.ge [sflag:s17], $0x2000  }
0x28: {  	[sflag:s17] =	ssyncset.done $0x0  }
.LBB2_3:
0x29: {  	s19 =	sadd.s32 $0x1, s19  }
0x2a: {  	[sflag:s17] =	ssyncadd.s32 $0xFFFFE000;
	p0 =	sne.s32 s19, s10  }
.Ltmp2:
0x2b: {  	[bflag:$0x0] =	sbarrier.arrive $0xFFFF;
	(pc) =	sbr.rel @p0 .LBB2_1-.Ltmp2, $4  }
0x2c: {  	[hbm:s9], [sflag:s18] =	dma.local [spmem:s12], $0x4E8  }
0x2d: {  	_ =	swait.ge [sflag:s17], $0x4E8  }
0x2e: {  	[sflag:s17] =	ssyncset.done $0x0  }
0x2f: {  	[sflag:s17] =	ssyncadd.s32 $0xFFFFFB18  }
0x30: {  	_ =	sfence.sel $0x180000  }
0x31: {  	[bflag:$0x0] =	sbarrier.arrive $0xFFFF  }
0x32: {  	p0 =	sne.s32 s0, $0x0;
	_ =	strace $0x90000047  }
0x33: {  	s0 =	sadd.s32 @!p0 $0x100000, s1;
	[bflag:$0x2] =	sbarrier.arrive $0xFFFF  }
0x34: {  	[sflag:s0] =	ssyncadd.tile.s32 @!p0 $0x1;
	_ =	shalt  }
.Lfunc_end2:
_tile_overlayer_lowered:
.L_overlay_start_2:
0x35: {  	(tag) =	ssettag $0x2  }
0x36: {  	s0 =	rddreg [dreg:$0x0];
	s2 =	stileid.u32  }
0x37: {  	s1 =	rddreg [dreg:$0x1];
	p0 =	sne.s32 s2, $0x0  }
0x38: {  	s3 =	rddreg [dreg:$0x2];
	[bflag:$0x3] =	sbarrier.arrive $0xFFFF;
	s2 =	simm.s32 @!p0 $0x1C04  }
0x39: {  	[timem:s3], [sflag:s2] =	dma.local @!p0 [hbm:s0], s1  }
0x3a: {  	s0 =	simm.s32 @!p0 $0x4  }
0x3b: {  	_ =	swait.ge @!p0 [sflag:s0], s1  }
0x3c: {  	s1 =	ssub.s32 @!p0 $0x0, s1;
	[sflag:s0] =	ssyncset.done @!p0 $0x0  }
0x3d: {  	[sflag:s0] =	ssyncadd.s32 @!p0 s1  }
0x3e: {  	[bflag:$0x3] =	sbarrier.arrive $0xFFFF  }
0x3f: {  	_ =	shalt  }

</sc_bundles>
